<compile_context>
chip_gen: v7x
topology: tpu7x:2x2x1
jax: 0.10.2.dev20260603
libtpu: 0.0.44.dev20260713+nightly
codegen_flags: <defaults>
</compile_context>

<pallas_src>
import functools

import jax
import jax.numpy as jnp
from jax import lax
from jax.experimental import pallas as pl
from jax.experimental.pallas import tpu as pltpu
from jax.experimental.pallas import tpu_sc as plsc

NC = 2
NT = 16


def _sc_minor_gather(idx_flat, tabT, tail2, S, B, E, V):
    BPT = B // NT
    EPC = E // NC
    MAIN = ((V // 128) // NT) * NT * 128
    EXTRA = ((V - MAIN) // 128) * 128
    TB = V - MAIN - EXTRA
    VP = MAIN + EXTRA + (128 if TB else 0)
    SCRATCH = NT * (S * BPT + S * BPT)
    X = ((2_097_024 - VP - SCRATCH) // 128) * 128

    mesh = plsc.VectorSubcoreMesh(core_axis_name="c", subcore_axis_name="s")

    @functools.partial(
        pl.kernel,
        mesh=mesh,
        out_type=jax.ShapeDtypeStruct((S, E, B), jnp.float32),
        scratch_types=[
            pltpu.VMEM((S * BPT,), jnp.int32),
            pltpu.VMEM((S * BPT,), jnp.float32),
            pltpu.VMEM_SHARED((VP + X,), jnp.float32),
            pltpu.SemaphoreType.DMA,
            pltpu.SemaphoreType.DMA,
            pltpu.SemaphoreType.DMA,
            pltpu.SemaphoreType.DMA,
            pltpu.SemaphoreType.DMA,
        ],
    )
    def k(tabT_hbm, idx_hbm, tail_hbm, out_hbm, idx_v, val_v, row_buf,
          sem_idx, sem_row0, sem_row1, sem_g, sem_o):
        c = lax.axis_index("c")
        t = lax.axis_index("s")
        e0 = c * EPC

        def span_copies(e, lo, hi, base):
            sz = hi - lo
            cw = ((sz // NT) // 128) * 128
            rem = sz - NT * cw
            cps = [(tabT_hbm.at[e].at[pl.ds(lo + t * cw, cw)],
                    row_buf.at[pl.ds(base + lo + t * cw, cw)], None)]
            if rem:
                cps.append((tabT_hbm.at[e].at[pl.ds(lo + NT * cw, rem)],
                            row_buf.at[pl.ds(base + lo + NT * cw, rem)], 0))
            return cps

        def end_copies(e, base):
            cps = []
            if EXTRA:
                cps.append((tabT_hbm.at[e].at[pl.ds(MAIN, EXTRA)],
                            row_buf.at[pl.ds(base + MAIN, EXTRA)], 1))
            if TB:
                cps.append((tail_hbm.at[pl.ds(e * 128, 128)],
                            row_buf.at[pl.ds(base + MAIN + EXTRA, 128)], 2))
            return cps

        def fire(cps, par):
            sem = sem_row1 if par else sem_row0
            for src, dst, only in cps:
                if only is None:
                    pltpu.async_copy(src, dst, sem)
                else:
                    @pl.when(t == only)
                    def _():
                        pltpu.async_copy(src, dst, sem)

        def drain(cps, par):
            sem = sem_row1 if par else sem_row0
            for src, dst, only in cps:
                if only is None:
                    pltpu.make_async_copy(src, dst, sem).wait()
                else:
                    @pl.when(t == only)
                    def _():
                        pltpu.make_async_copy(src, dst, sem).wait()

        def early(e, base):
            if base == 0:
                return span_copies(e, 0, X, 0)
            return span_copies(e, VP - X, MAIN, base) + end_copies(e, base)

        def late(e, base):
            if base == 0:
                return span_copies(e, X, MAIN, 0) + end_copies(e, 0)
            return span_copies(e, 0, VP - X, base)

        def out_slot(s):
            return val_v.at[pl.ds(s * BPT, BPT)]

        def drain_outs(e):
            for s in range(S):
                pltpu.make_async_copy(
                    out_slot(s),
                    out_hbm.at[s, e, pl.ds(t * BPT, BPT)], sem_o).wait()

        for s in range(S):
            pltpu.async_copy(
                idx_hbm.at[pl.ds(s * B + t * BPT, BPT)],
                idx_v.at[pl.ds(s * BPT, BPT)], sem_idx)

        fire(early(e0, X), 0)
        fire(late(e0, X), 0)
        fire(early(e0 + 1, 0), 1)
        for s in range(S):
            pltpu.make_async_copy(
                idx_hbm.at[pl.ds(s * B + t * BPT, BPT)],
                idx_v.at[pl.ds(s * BPT, BPT)], sem_idx).wait()

        def phase(i, e, base, par):
            drain(early(e, base), par)
            drain(late(e, base), par)
            plsc.subcore_barrier()

            @pl.when(i >= 1)
            def _():
                drain_outs(e - 1)

            row_cur = row_buf.at[pl.ds(base, VP)]
            pltpu.async_copy(row_cur.at[idx_v], val_v, sem_g)
            pltpu.make_async_copy(row_cur.at[idx_v], val_v, sem_g).wait()
            for s in range(S):
                pltpu.async_copy(
                    out_slot(s),
                    out_hbm.at[s, e, pl.ds(t * BPT, BPT)], sem_o)

            plsc.subcore_barrier()

            oth = X - base
            @pl.when(i + 1 < EPC)
            def _():
                fire(late(e + 1, oth), 1 - par)
            @pl.when(i + 2 < EPC)
            def _():
                fire(early(e + 2, base), par)

        def body(j, carry):
            i = 2 * j
            e = e0 + i
            phase(i, e, X, 0)
            phase(i + 1, e + 1, 0, 1)
            return carry

        lax.fori_loop(0, EPC // 2, body, 0)
        drain_outs(e0 + EPC - 1)

    return k(tabT, idx_flat, tail2)


def kernel(indices, table):
    B, S = indices.shape
    V, E = table.shape
    idx_flat = indices.T.astype(jnp.int32).reshape(S * B)
    tabT = table.T
    nt = V % 128
    tail2 = jnp.pad(table[V - nt:].T, ((0, 0), (0, 128 - nt))).reshape(E * 128)
    out3 = _sc_minor_gather(idx_flat, tabT, tail2, S, B, E, V)
    return out3.transpose(2, 0, 1)

# --- scband reference (transcript-rebuilt; emitter-appended) ---
"""Pipeline reference for scband-model0-35940286333105 (READ-ONLY COPY).

The authoritative reference and input builder live on the scoring server;
editing this copy changes nothing except your own understanding.
"""

import jax, jax.numpy as jnp
import numpy as np

VOCAB = 1000000
EMBED = 64

def setup_inputs(seed: int = 0) -> dict:
    key = jax.random.key(seed)
    k_idx, k_tab = jax.random.split(key)
    indices = jax.random.randint(k_idx, (16384, 20), 0, VOCAB, dtype=jnp.int64)
    table = jax.random.normal(k_tab, (VOCAB, EMBED), dtype=jnp.float32) * 0.02
    return {"indices": indices, "table": table}

def reference(indices, table):
    # nn.Embedding lookup: gather rows of the table by index
    return jnp.take(table, indices, axis=0)

if __name__ == "__main__":
    import jax
    _d = setup_inputs()
    print(jax.jit(kernel)(*tuple(_d.values())))

</pallas_src>

<mosaic_0001>
#map = affine_map<(d0, d1) -> (0, 0)>
#map1 = affine_map<(d0, d1) -> (0)>
#map2 = affine_map<(d0, d1) -> (0, 0, 0)>
module attributes {stable_mosaic.version = 14 : i64} {
  func.func @k(%arg0: i32, %arg1: i32, %arg2: memref<64x1000000xf32, #tpu.memory_space<hbm>>, %arg3: memref<327680xi32, #tpu.memory_space<hbm>>, %arg4: memref<8192xf32, #tpu.memory_space<hbm>>, %arg5: memref<20x64x16384xf32, #tpu.memory_space<hbm>>, %arg6: memref<20480xi32, #tpu.memory_space<vmem>>, %arg7: memref<20480xf32, #tpu.memory_space<vmem>>, %arg8: memref<1441664xf32, #tpu.memory_space<vmem_shared>>, %arg9: memref<!tpu.dma_semaphore, #tpu.memory_space<semaphore_mem>>, %arg10: memref<!tpu.dma_semaphore, #tpu.memory_space<semaphore_mem>>, %arg11: memref<!tpu.dma_semaphore, #tpu.memory_space<semaphore_mem>>, %arg12: memref<!tpu.dma_semaphore, #tpu.memory_space<semaphore_mem>>, %arg13: memref<!tpu.dma_semaphore, #tpu.memory_space<semaphore_mem>>) attributes {dimension_semantics = [#tpu.dimension_semantics<core_parallel>, #tpu.dimension_semantics<subcore_parallel>], iteration_bounds = array<i64: 2, 16>, scalar_prefetch = 0 : i64, scratch_operands = 8 : i64, tpu.core_type = #tpu.core_type<sc_vector_subcore>, window_params = [{transform_indices = #map}, {transform_indices = #map1}, {transform_indices = #map1}, {transform_indices = #map2}]} {
    %mul3A = arith.constant 32 : i32
    %mul3A_0 = arith.muli %arg0, %mul3A : i32
    %mul3A_1 = arith.constant 1024 : i32
    %mul3A_2 = arith.muli %arg1, %mul3A_1 : i32
    %add3A = arith.constant 0 : i32
    %add3A_3 = arith.addi %add3A, %mul3A_2 : i32
    %dma_start3A = arith.constant 0 : i32
    %dma_start3A_4 = tpu.memref_slice %arg6[%dma_start3A] : memref<20480xi32, #tpu.memory_space<vmem>> -> memref<1024xi32, #tpu.memory_space<vmem>>
    %dma_start3A_5 = tpu.memref_slice %arg3[%add3A_3] : memref<327680xi32, #tpu.memory_space<hbm>> -> memref<1024xi32, #tpu.memory_space<hbm>>
    %dma_start3A_6 = arith.constant 0 : i32
    %dma_start3A_7 = tpu.memref_slice %arg6[%dma_start3A_6] : memref<20480xi32, #tpu.memory_space<vmem>> -> memref<1024xi32, #tpu.memory_space<vmem>>
    %dma_start3A_8 = tpu.memref_slice %arg3[%add3A_3] : memref<327680xi32, #tpu.memory_space<hbm>> -> memref<1024xi32, #tpu.memory_space<hbm>>
    tpu.enqueue_dma source(%dma_start3A_8 : memref<1024xi32, #tpu.memory_space<hbm>>) target(%dma_start3A_7 : memref<1024xi32, #tpu.memory_space<vmem>>) target_semaphore(%arg9 : memref<!tpu.dma_semaphore, #tpu.memory_space<semaphore_mem>>)
    %mul3A_9 = arith.constant 1024 : i32
    %mul3A_10 = arith.muli %arg1, %mul3A_9 : i32
    %add3A_11 = arith.constant 16384 : i32
    %add3A_12 = arith.addi %add3A_11, %mul3A_10 : i32
    %dma_start3A_13 = arith.constant 1024 : i32
    %dma_start3A_14 = tpu.memref_slice %arg6[%dma_start3A_13] : memref<20480xi32, #tpu.memory_space<vmem>> -> memref<1024xi32, #tpu.memory_space<vmem>>
    %dma_start3A_15 = tpu.memref_slice %arg3[%add3A_12] : memref<327680xi32, #tpu.memory_space<hbm>> -> memref<1024xi32, #tpu.memory_space<hbm>>
    %dma_start3A_16 = arith.constant 1024 : i32
    %dma_start3A_17 = tpu.memref_slice %arg6[%dma_start3A_16] : memref<20480xi32, #tpu.memory_space<vmem>> -> memref<1024xi32, #tpu.memory_space<vmem>>
    %dma_start3A_18 = tpu.memref_slice %arg3[%add3A_12] : memref<327680xi32, #tpu.memory_space<hbm>> -> memref<1024xi32, #tpu.memory_space<hbm>>
    tpu.enqueue_dma source(%dma_start3A_18 : memref<1024xi32, #tpu.memory_space<hbm>>) target(%dma_start3A_17 : memref<1024xi32, #tpu.memory_space<vmem>>) target_semaphore(%arg9 : memref<!tpu.dma_semaphore, #tpu.memory_space<semaphore_mem>>)
    %mul3A_19 = arith.constant 1024 : i32
    %mul3A_20 = arith.muli %arg1, %mul3A_19 : i32
    %add3A_21 = arith.constant 32768 : i32
    %add3A_22 = arith.addi %add3A_21, %mul3A_20 : i32
    %dma_start3A_23 = arith.constant 2048 : i32
    %dma_start3A_24 = tpu.memref_slice %arg6[%dma_start3A_23] : memref<20480xi32, #tpu.memory_space<vmem>> -> memref<1024xi32, #tpu.memory_space<vmem>>
    %dma_start3A_25 = tpu.memref_slice %arg3[%add3A_22] : memref<327680xi32, #tpu.memory_space<hbm>> -> memref<1024xi32, #tpu.memory_space<hbm>>
    %dma_start3A_26 = arith.constant 2048 : i32
    %dma_start3A_27 = tpu.memref_slice %arg6[%dma_start3A_26] : memref<20480xi32, #tpu.memory_space<vmem>> -> memref<1024xi32, #tpu.memory_space<vmem>>
    %dma_start3A_28 = tpu.memref_slice %arg3[%add3A_22] : memref<327680xi32, #tpu.memory_space<hbm>> -> memref<1024xi32, #tpu.memory_space<hbm>>
    tpu.enqueue_dma source(%dma_start3A_28 : memref<1024xi32, #tpu.memory_space<hbm>>) target(%dma_start3A_27 : memref<1024xi32, #tpu.memory_space<vmem>>) target_semaphore(%arg9 : memref<!tpu.dma_semaphore, #tpu.memory_space<semaphore_mem>>)
    %mul3A_29 = arith.constant 1024 : i32
    %mul3A_30 = arith.muli %arg1, %mul3A_29 : i32
    %add3A_31 = arith.constant 49152 : i32
    %add3A_32 = arith.addi %add3A_31, %mul3A_30 : i32
    %dma_start3A_33 = arith.constant 3072 : i32
    %dma_start3A_34 = tpu.memref_slice %arg6[%dma_start3A_33] : memref<20480xi32, #tpu.memory_space<vmem>> -> memref<1024xi32, #tpu.memory_space<vmem>>
    %dma_start3A_35 = tpu.memref_slice %arg3[%add3A_32] : memref<327680xi32, #tpu.memory_space<hbm>> -> memref<1024xi32, #tpu.memory_space<hbm>>
    %dma_start3A_36 = arith.constant 3072 : i32
    %dma_start3A_37 = tpu.memref_slice %arg6[%dma_start3A_36] : memref<20480xi32, #tpu.memory_space<vmem>> -> memref<1024xi32, #tpu.memory_space<vmem>>
    %dma_start3A_38 = tpu.memref_slice %arg3[%add3A_32] : memref<327680xi32, #tpu.memory_space<hbm>> -> memref<1024xi32, #tpu.memory_space<hbm>>
    tpu.enqueue_dma source(%dma_start3A_38 : memref<1024xi32, #tpu.memory_space<hbm>>) target(%dma_start3A_37 : memref<1024xi32, #tpu.memory_space<vmem>>) target_semaphore(%arg9 : memref<!tpu.dma_semaphore, #tpu.memory_space<semaphore_mem>>)
    %mul3A_39 = arith.constant 1024 : i32
    %mul3A_40 = arith.muli %arg1, %mul3A_39 : i32
    %add3A_41 = arith.constant 65536 : i32
    %add3A_42 = arith.addi %add3A_41, %mul3A_40 : i32
    %dma_start3A_43 = arith.constant 4096 : i32
    %dma_start3A_44 = tpu.memref_slice %arg6[%dma_start3A_43] : memref<20480xi32, #tpu.memory_space<vmem>> -> memref<1024xi32, #tpu.memory_space<vmem>>
    %dma_start3A_45 = tpu.memref_slice %arg3[%add3A_42] : memref<327680xi32, #tpu.memory_space<hbm>> -> memref<1024xi32, #tpu.memory_space<hbm>>
    %dma_start3A_46 = arith.constant 4096 : i32
    %dma_start3A_47 = tpu.memref_slice %arg6[%dma_start3A_46] : memref<20480xi32, #tpu.memory_space<vmem>> -> memref<1024xi32, #tpu.memory_space<vmem>>
    %dma_start3A_48 = tpu.memref_slice %arg3[%add3A_42] : memref<327680xi32, #tpu.memory_space<hbm>> -> memref<1024xi32, #tpu.memory_space<hbm>>
    tpu.enqueue_dma source(%dma_start3A_48 : memref<1024xi32, #tpu.memory_space<hbm>>) target(%dma_start3A_47 : memref<1024xi32, #tpu.memory_space<vmem>>) target_semaphore(%arg9 : memref<!tpu.dma_semaphore, #tpu.memory_space<semaphore_mem>>)
    %mul3A_49 = arith.constant 1024 : i32
    %mul3A_50 = arith.muli %arg1, %mul3A_49 : i32
    %add3A_51 = arith.constant 81920 : i32
    %add3A_52 = arith.addi %add3A_51, %mul3A_50 : i32
    %dma_start3A_53 = arith.constant 5120 : i32
    %dma_start3A_54 = tpu.memref_slice %arg6[%dma_start3A_53] : memref<20480xi32, #tpu.memory_space<vmem>> -> memref<1024xi32, #tpu.memory_space<vmem>>
    %dma_start3A_55 = tpu.memref_slice %arg3[%add3A_52] : memref<327680xi32, #tpu.memory_space<hbm>> -> memref<1024xi32, #tpu.memory_space<hbm>>
    %dma_start3A_56 = arith.constant 5120 : i32
    %dma_start3A_57 = tpu.memref_slice %arg6[%dma_start3A_56] : memref<20480xi32, #tpu.memory_space<vmem>> -> memref<1024xi32, #tpu.memory_space<vmem>>
    %dma_start3A_58 = tpu.memref_slice %arg3[%add3A_52] : memref<327680xi32, #tpu.memory_space<hbm>> -> memref<1024xi32, #tpu.memory_space<hbm>>
    tpu.enqueue_dma source(%dma_start3A_58 : memref<1024xi32, #tpu.memory_space<hbm>>) target(%dma_start3A_57 : memref<1024xi32, #tpu.memory_space<vmem>>) target_semaphore(%arg9 : memref<!tpu.dma_semaphore, #tpu.memory_space<semaphore_mem>>)
    %mul3A_59 = arith.constant 1024 : i32
    %mul3A_60 = arith.muli %arg1, %mul3A_59 : i32
    %add3A_61 = arith.constant 98304 : i32
    %add3A_62 = arith.addi %add3A_61, %mul3A_60 : i32
    %dma_start3A_63 = arith.constant 6144 : i32
    %dma_start3A_64 = tpu.memref_slice %arg6[%dma_start3A_63] : memref<20480xi32, #tpu.memory_space<vmem>> -> memref<1024xi32, #tpu.memory_space<vmem>>
    %dma_start3A_65 = tpu.memref_slice %arg3[%add3A_62] : memref<327680xi32, #tpu.memory_space<hbm>> -> memref<1024xi32, #tpu.memory_space<hbm>>
    %dma_start3A_66 = arith.constant 6144 : i32
    %dma_start3A_67 = tpu.memref_slice %arg6[%dma_start3A_66] : memref<20480xi32, #tpu.memory_space<vmem>> -> memref<1024xi32, #tpu.memory_space<vmem>>
    %dma_start3A_68 = tpu.memref_slice %arg3[%add3A_62] : memref<327680xi32, #tpu.memory_space<hbm>> -> memref<1024xi32, #tpu.memory_space<hbm>>
    tpu.enqueue_dma source(%dma_start3A_68 : memref<1024xi32, #tpu.memory_space<hbm>>) target(%dma_start3A_67 : memref<1024xi32, #tpu.memory_space<vmem>>) target_semaphore(%arg9 : memref<!tpu.dma_semaphore, #tpu.memory_space<semaphore_mem>>)
    %mul3A_69 = arith.constant 1024 : i32
    %mul3A_70 = arith.muli %arg1, %mul3A_69 : i32
    %add3A_71 = arith.constant 114688 : i32
    %add3A_72 = arith.addi %add3A_71, %mul3A_70 : i32
    %dma_start3A_73 = arith.constant 7168 : i32
    %dma_start3A_74 = tpu.memref_slice %arg6[%dma_start3A_73] : memref<20480xi32, #tpu.memory_space<vmem>> -> memref<1024xi32, #tpu.memory_space<vmem>>
    %dma_start3A_75 = tpu.memref_slice %arg3[%add3A_72] : memref<327680xi32, #tpu.memory_space<hbm>> -> memref<1024xi32, #tpu.memory_space<hbm>>
    %dma_start3A_76 = arith.constant 7168 : i32
    %dma_start3A_77 = tpu.memref_slice %arg6[%dma_start3A_76] : memref<20480xi32, #tpu.memory_space<vmem>> -> memref<1024xi32, #tpu.memory_space<vmem>>
    %dma_start3A_78 = tpu.memref_slice %arg3[%add3A_72] : memref<327680xi32, #tpu.memory_space<hbm>> -> memref<1024xi32, #tpu.memory_space<hbm>>
    tpu.enqueue_dma source(%dma_start3A_78 : memref<1024xi32, #tpu.memory_space<hbm>>) target(%dma_start3A_77 : memref<1024xi32, #tpu.memory_space<vmem>>) target_semaphore(%arg9 : memref<!tpu.dma_semaphore, #tpu.memory_space<semaphore_mem>>)
    %mul3A_79 = arith.constant 1024 : i32
    %mul3A_80 = arith.muli %arg1, %mul3A_79 : i32
    %add3A_81 = arith.constant 131072 : i32
    %add3A_82 = arith.addi %add3A_81, %mul3A_80 : i32
    %dma_start3A_83 = arith.constant 8192 : i32
    %dma_start3A_84 = tpu.memref_slice %arg6[%dma_start3A_83] : memref<20480xi32, #tpu.memory_space<vmem>> -> memref<1024xi32, #tpu.memory_space<vmem>>
    %dma_start3A_85 = tpu.memref_slice %arg3[%add3A_82] : memref<327680xi32, #tpu.memory_space<hbm>> -> memref<1024xi32, #tpu.memory_space<hbm>>
    %dma_start3A_86 = arith.constant 8192 : i32
    %dma_start3A_87 = tpu.memref_slice %arg6[%dma_start3A_86] : memref<20480xi32, #tpu.memory_space<vmem>> -> memref<1024xi32, #tpu.memory_space<vmem>>
    %dma_start3A_88 = tpu.memref_slice %arg3[%add3A_82] : memref<327680xi32, #tpu.memory_space<hbm>> -> memref<1024xi32, #tpu.memory_space<hbm>>
    tpu.enqueue_dma source(%dma_start3A_88 : memref<1024xi32, #tpu.memory_space<hbm>>) target(%dma_start3A_87 : memref<1024xi32, #tpu.memory_space<vmem>>) target_semaphore(%arg9 : memref<!tpu.dma_semaphore, #tpu.memory_space<semaphore_mem>>)
    %mul3A_89 = arith.constant 1024 : i32
    %mul3A_90 = arith.muli %arg1, %mul3A_89 : i32
    %add3A_91 = arith.constant 147456 : i32
    %add3A_92 = arith.addi %add3A_91, %mul3A_90 : i32
    %dma_start3A_93 = arith.constant 9216 : i32
    %dma_start3A_94 = tpu.memref_slice %arg6[%dma_start3A_93] : memref<20480xi32, #tpu.memory_space<vmem>> -> memref<1024xi32, #tpu.memory_space<vmem>>
    %dma_start3A_95 = tpu.memref_slice %arg3[%add3A_92] : memref<327680xi32, #tpu.memory_space<hbm>> -> memref<1024xi32, #tpu.memory_space<hbm>>
    %dma_start3A_96 = arith.constant 9216 : i32
    %dma_start3A_97 = tpu.memref_slice %arg6[%dma_start3A_96] : memref<20480xi32, #tpu.memory_space<vmem>> -> memref<1024xi32, #tpu.memory_space<vmem>>
    %dma_start3A_98 = tpu.memref_slice %arg3[%add3A_92] : memref<327680xi32, #tpu.memory_space<hbm>> -> memref<1024xi32, #tpu.memory_space<hbm>>
    tpu.enqueue_dma source(%dma_start3A_98 : memref<1024xi32, #tpu.memory_space<hbm>>) target(%dma_start3A_97 : memref<1024xi32, #tpu.memory_space<vmem>>) target_semaphore(%arg9 : memref<!tpu.dma_semaphore, #tpu.memory_space<semaphore_mem>>)
    %mul3A_99 = arith.constant 1024 : i32
    %mul3A_100 = arith.muli %arg1, %mul3A_99 : i32
    %add3A_101 = arith.constant 163840 : i32
    %add3A_102 = arith.addi %add3A_101, %mul3A_100 : i32
    %dma_start3A_103 = arith.constant 10240 : i32
    %dma_start3A_104 = tpu.memref_slice %arg6[%dma_start3A_103] : memref<20480xi32, #tpu.memory_space<vmem>> -> memref<1024xi32, #tpu.memory_space<vmem>>
    %dma_start3A_105 = tpu.memref_slice %arg3[%add3A_102] : memref<327680xi32, #tpu.memory_space<hbm>> -> memref<1024xi32, #tpu.memory_space<hbm>>
    %dma_start3A_106 = arith.constant 10240 : i32
    %dma_start3A_107 = tpu.memref_slice %arg6[%dma_start3A_106] : memref<20480xi32, #tpu.memory_space<vmem>> -> memref<1024xi32, #tpu.memory_space<vmem>>
    %dma_start3A_108 = tpu.memref_slice %arg3[%add3A_102] : memref<327680xi32, #tpu.memory_space<hbm>> -> memref<1024xi32, #tpu.memory_space<hbm>>
    tpu.enqueue_dma source(%dma_start3A_108 : memref<1024xi32, #tpu.memory_space<hbm>>) target(%dma_start3A_107 : memref<1024xi32, #tpu.memory_space<vmem>>) target_semaphore(%arg9 : memref<!tpu.dma_semaphore, #tpu.memory_space<semaphore_mem>>)
    %mul3A_109 = arith.constant 1024 : i32
    %mul3A_110 = arith.muli %arg1, %mul3A_109 : i32
    %add3A_111 = arith.constant 180224 : i32
    %add3A_112 = arith.addi %add3A_111, %mul3A_110 : i32
    %dma_start3A_113 = arith.constant 11264 : i32
    %dma_start3A_114 = tpu.memref_slice %arg6[%dma_start3A_113] : memref<20480xi32, #tpu.memory_space<vmem>> -> memref<1024xi32, #tpu.memory_space<vmem>>
    %dma_start3A_115 = tpu.memref_slice %arg3[%add3A_112] : memref<327680xi32, #tpu.memory_space<hbm>> -> memref<1024xi32, #tpu.memory_space<hbm>>
    %dma_start3A_116 = arith.constant 11264 : i32
    %dma_start3A_117 = tpu.memref_slice %arg6[%dma_start3A_116] : memref<20480xi32, #tpu.memory_space<vmem>> -> memref<1024xi32, #tpu.memory_space<vmem>>
    %dma_start3A_118 = tpu.memref_slice %arg3[%add3A_112] : memref<327680xi32, #tpu.memory_space<hbm>> -> memref<1024xi32, #tpu.memory_space<hbm>>
    tpu.enqueue_dma source(%dma_start3A_118 : memref<1024xi32, #tpu.memory_space<hbm>>) target(%dma_start3A_117 : memref<1024xi32, #tpu.memory_space<vmem>>) target_semaphore(%arg9 : memref<!tpu.dma_semaphore, #tpu.memory_space<semaphore_mem>>)
    %mul3A_119 = arith.constant 1024 : i32
    %mul3A_120 = arith.muli %arg1, %mul3A_119 : i32
    %add3A_121 = arith.constant 196608 : i32
    %add3A_122 = arith.addi %add3A_121, %mul3A_120 : i32
    %dma_start3A_123 = arith.constant 12288 : i32
    %dma_start3A_124 = tpu.memref_slice %arg6[%dma_start3A_123] : memref<20480xi32, #tpu.memory_space<vmem>> -> memref<1024xi32, #tpu.memory_space<vmem>>
    %dma_start3A_125 = tpu.memref_slice %arg3[%add3A_122] : memref<327680xi32, #tpu.memory_space<hbm>> -> memref<1024xi32, #tpu.memory_space<hbm>>
    %dma_start3A_126 = arith.constant 12288 : i32
    %dma_start3A_127 = tpu.memref_slice %arg6[%dma_start3A_126] : memref<20480xi32, #tpu.memory_space<vmem>> -> memref<1024xi32, #tpu.memory_space<vmem>>
    %dma_start3A_128 = tpu.memref_slice %arg3[%add3A_122] : memref<327680xi32, #tpu.memory_space<hbm>> -> memref<1024xi32, #tpu.memory_space<hbm>>
    tpu.enqueue_dma source(%dma_start3A_128 : memref<1024xi32, #tpu.memory_space<hbm>>) target(%dma_start3A_127 : memref<1024xi32, #tpu.memory_space<vmem>>) target_semaphore(%arg9 : memref<!tpu.dma_semaphore, #tpu.memory_space<semaphore_mem>>)
    %mul3A_129 = arith.constant 1024 : i32
    %mul3A_130 = arith.muli %arg1, %mul3A_129 : i32
    %add3A_131 = arith.constant 212992 : i32
    %add3A_132 = arith.addi %add3A_131, %mul3A_130 : i32
    %dma_start3A_133 = arith.constant 13312 : i32
    %dma_start3A_134 = tpu.memref_slice %arg6[%dma_start3A_133] : memref<20480xi32, #tpu.memory_space<vmem>> -> memref<1024xi32, #tpu.memory_space<vmem>>
    %dma_start3A_135 = tpu.memref_slice %arg3[%add3A_132] : memref<327680xi32, #tpu.memory_space<hbm>> -> memref<1024xi32, #tpu.memory_space<hbm>>
    %dma_start3A_136 = arith.constant 13312 : i32
    %dma_start3A_137 = tpu.memref_slice %arg6[%dma_start3A_136] : memref<20480xi32, #tpu.memory_space<vmem>> -> memref<1024xi32, #tpu.memory_space<vmem>>
    %dma_start3A_138 = tpu.memref_slice %arg3[%add3A_132] : memref<327680xi32, #tpu.memory_space<hbm>> -> memref<1024xi32, #tpu.memory_space<hbm>>
    tpu.enqueue_dma source(%dma_start3A_138 : memref<1024xi32, #tpu.memory_space<hbm>>) target(%dma_start3A_137 : memref<1024xi32, #tpu.memory_space<vmem>>) target_semaphore(%arg9 : memref<!tpu.dma_semaphore, #tpu.memory_space<semaphore_mem>>)
    %mul3A_139 = arith.constant 1024 : i32
    %mul3A_140 = arith.muli %arg1, %mul3A_139 : i32
    %add3A_141 = arith.constant 229376 : i32
    %add3A_142 = arith.addi %add3A_141, %mul3A_140 : i32
    %dma_start3A_143 = arith.constant 14336 : i32
    %dma_start3A_144 = tpu.memref_slice %arg6[%dma_start3A_143] : memref<20480xi32, #tpu.memory_space<vmem>> -> memref<1024xi32, #tpu.memory_space<vmem>>
    %dma_start3A_145 = tpu.memref_slice %arg3[%add3A_142] : memref<327680xi32, #tpu.memory_space<hbm>> -> memref<1024xi32, #tpu.memory_space<hbm>>
    %dma_start3A_146 = arith.constant 14336 : i32
    %dma_start3A_147 = tpu.memref_slice %arg6[%dma_start3A_146] : memref<20480xi32, #tpu.memory_space<vmem>> -> memref<1024xi32, #tpu.memory_space<vmem>>
    %dma_start3A_148 = tpu.memref_slice %arg3[%add3A_142] : memref<327680xi32, #tpu.memory_space<hbm>> -> memref<1024xi32, #tpu.memory_space<hbm>>
    tpu.enqueue_dma source(%dma_start3A_148 : memref<1024xi32, #tpu.memory_space<hbm>>) target(%dma_start3A_147 : memref<1024xi32, #tpu.memory_space<vmem>>) target_semaphore(%arg9 : memref<!tpu.dma_semaphore, #tpu.memory_space<semaphore_mem>>)
    %mul3A_149 = arith.constant 1024 : i32
    %mul3A_150 = arith.muli %arg1, %mul3A_149 : i32
    %add3A_151 = arith.constant 245760 : i32
    %add3A_152 = arith.addi %add3A_151, %mul3A_150 : i32
    %dma_start3A_153 = arith.constant 15360 : i32
    %dma_start3A_154 = tpu.memref_slice %arg6[%dma_start3A_153] : memref<20480xi32, #tpu.memory_space<vmem>> -> memref<1024xi32, #tpu.memory_space<vmem>>
    %dma_start3A_155 = tpu.memref_slice %arg3[%add3A_152] : memref<327680xi32, #tpu.memory_space<hbm>> -> memref<1024xi32, #tpu.memory_space<hbm>>
    %dma_start3A_156 = arith.constant 15360 : i32
    %dma_start3A_157 = tpu.memref_slice %arg6[%dma_start3A_156] : memref<20480xi32, #tpu.memory_space<vmem>> -> memref<1024xi32, #tpu.memory_space<vmem>>
    %dma_start3A_158 = tpu.memref_slice %arg3[%add3A_152] : memref<327680xi32, #tpu.memory_space<hbm>> -> memref<1024xi32, #tpu.memory_space<hbm>>
    tpu.enqueue_dma source(%dma_start3A_158 : memref<1024xi32, #tpu.memory_space<hbm>>) target(%dma_start3A_157 : memref<1024xi32, #tpu.memory_space<vmem>>) target_semaphore(%arg9 : memref<!tpu.dma_semaphore, #tpu.memory_space<semaphore_mem>>)
    %mul3A_159 = arith.constant 1024 : i32
    %mul3A_160 = arith.muli %arg1, %mul3A_159 : i32
    %add3A_161 = arith.constant 262144 : i32
    %add3A_162 = arith.addi %add3A_161, %mul3A_160 : i32
    %dma_start3A_163 = arith.constant 16384 : i32
    %dma_start3A_164 = tpu.memref_slice %arg6[%dma_start3A_163] : memref<20480xi32, #tpu.memory_space<vmem>> -> memref<1024xi32, #tpu.memory_space<vmem>>
    %dma_start3A_165 = tpu.memref_slice %arg3[%add3A_162] : memref<327680xi32, #tpu.memory_space<hbm>> -> memref<1024xi32, #tpu.memory_space<hbm>>
    %dma_start3A_166 = arith.constant 16384 : i32
    %dma_start3A_167 = tpu.memref_slice %arg6[%dma_start3A_166] : memref<20480xi32, #tpu.memory_space<vmem>> -> memref<1024xi32, #tpu.memory_space<vmem>>
    %dma_start3A_168 = tpu.memref_slice %arg3[%add3A_162] : memref<327680xi32, #tpu.memory_space<hbm>> -> memref<1024xi32, #tpu.memory_space<hbm>>
    tpu.enqueue_dma source(%dma_start3A_168 : memref<1024xi32, #tpu.memory_space<hbm>>) target(%dma_start3A_167 : memref<1024xi32, #tpu.memory_space<vmem>>) target_semaphore(%arg9 : memref<!tpu.dma_semaphore, #tpu.memory_space<semaphore_mem>>)
    %mul3A_169 = arith.constant 1024 : i32
    %mul3A_170 = arith.muli %arg1, %mul3A_169 : i32
    %add3A_171 = arith.constant 278528 : i32
    %add3A_172 = arith.addi %add3A_171, %mul3A_170 : i32
    %dma_start3A_173 = arith.constant 17408 : i32
    %dma_start3A_174 = tpu.memref_slice %arg6[%dma_start3A_173] : memref<20480xi32, #tpu.memory_space<vmem>> -> memref<1024xi32, #tpu.memory_space<vmem>>
    %dma_start3A_175 = tpu.memref_slice %arg3[%add3A_172] : memref<327680xi32, #tpu.memory_space<hbm>> -> memref<1024xi32, #tpu.memory_space<hbm>>
    %dma_start3A_176 = arith.constant 17408 : i32
    %dma_start3A_177 = tpu.memref_slice %arg6[%dma_start3A_176] : memref<20480xi32, #tpu.memory_space<vmem>> -> memref<1024xi32, #tpu.memory_space<vmem>>
    %dma_start3A_178 = tpu.memref_slice %arg3[%add3A_172] : memref<327680xi32, #tpu.memory_space<hbm>> -> memref<1024xi32, #tpu.memory_space<hbm>>
    tpu.enqueue_dma source(%dma_start3A_178 : memref<1024xi32, #tpu.memory_space<hbm>>) target(%dma_start3A_177 : memref<1024xi32, #tpu.memory_space<vmem>>) target_semaphore(%arg9 : memref<!tpu.dma_semaphore, #tpu.memory_space<semaphore_mem>>)
    %mul3A_179 = arith.constant 1024 : i32
    %mul3A_180 = arith.muli %arg1, %mul3A_179 : i32
    %add3A_181 = arith.constant 294912 : i32
    %add3A_182 = arith.addi %add3A_181, %mul3A_180 : i32
    %dma_start3A_183 = arith.constant 18432 : i32
    %dma_start3A_184 = tpu.memref_slice %arg6[%dma_start3A_183] : memref<20480xi32, #tpu.memory_space<vmem>> -> memref<1024xi32, #tpu.memory_space<vmem>>
    %dma_start3A_185 = tpu.memref_slice %arg3[%add3A_182] : memref<327680xi32, #tpu.memory_space<hbm>> -> memref<1024xi32, #tpu.memory_space<hbm>>
    %dma_start3A_186 = arith.constant 18432 : i32
    %dma_start3A_187 = tpu.memref_slice %arg6[%dma_start3A_186] : memref<20480xi32, #tpu.memory_space<vmem>> -> memref<1024xi32, #tpu.memory_space<vmem>>
    %dma_start3A_188 = tpu.memref_slice %arg3[%add3A_182] : memref<327680xi32, #tpu.memory_space<hbm>> -> memref<1024xi32, #tpu.memory_space<hbm>>
    tpu.enqueue_dma source(%dma_start3A_188 : memref<1024xi32, #tpu.memory_space<hbm>>) target(%dma_start3A_187 : memref<1024xi32, #tpu.memory_space<vmem>>) target_semaphore(%arg9 : memref<!tpu.dma_semaphore, #tpu.memory_space<semaphore_mem>>)
    %mul3A_189 = arith.constant 1024 : i32
    %mul3A_190 = arith.muli %arg1, %mul3A_189 : i32
    %add3A_191 = arith.constant 311296 : i32
    %add3A_192 = arith.addi %add3A_191, %mul3A_190 : i32
    %dma_start3A_193 = arith.constant 19456 : i32
    %dma_start3A_194 = tpu.memref_slice %arg6[%dma_start3A_193] : memref<20480xi32, #tpu.memory_space<vmem>> -> memref<1024xi32, #tpu.memory_space<vmem>>
    %dma_start3A_195 = tpu.memref_slice %arg3[%add3A_192] : memref<327680xi32, #tpu.memory_space<hbm>> -> memref<1024xi32, #tpu.memory_space<hbm>>
    %dma_start3A_196 = arith.constant 19456 : i32
    %dma_start3A_197 = tpu.memref_slice %arg6[%dma_start3A_196] : memref<20480xi32, #tpu.memory_space<vmem>> -> memref<1024xi32, #tpu.memory_space<vmem>>
    %dma_start3A_198 = tpu.memref_slice %arg3[%add3A_192] : memref<327680xi32, #tpu.memory_space<hbm>> -> memref<1024xi32, #tpu.memory_space<hbm>>
    tpu.enqueue_dma source(%dma_start3A_198 : memref<1024xi32, #tpu.memory_space<hbm>>) target(%dma_start3A_197 : memref<1024xi32, #tpu.memory_space<vmem>>) target_semaphore(%arg9 : memref<!tpu.dma_semaphore, #tpu.memory_space<semaphore_mem>>)
    %mul3A_199 = arith.constant 27520 : i32
    %mul3A_200 = arith.muli %arg1, %mul3A_199 : i32
    %add3A_201 = arith.constant 558464 : i32
    %add3A_202 = arith.addi %add3A_201, %mul3A_200 : i32
    %mul3A_203 = arith.constant 27520 : i32
    %mul3A_204 = arith.muli %arg1, %mul3A_203 : i32
    %add3A_205 = arith.constant 1000064 : i32
    %add3A_206 = arith.addi %add3A_205, %mul3A_204 : i32
    %mul3A_207 = arith.constant 128 : i32
    %mul3A_208 = arith.muli %mul3A_0, %mul3A_207 : i32
    %dma_start3A_209 = tpu.memref_slice %arg8[%add3A_206] : memref<1441664xf32, #tpu.memory_space<vmem_shared>> -> memref<27520xf32, #tpu.memory_space<vmem_shared>>
    %dma_start3A_210 = arith.constant 0 : i32
    %dma_start3A_211 = tpu.memref_slice %arg2[%mul3A_0, %dma_start3A_210] : memref<64x1000000xf32, #tpu.memory_space<hbm>> -> memref<1x1000000xf32, #tpu.memory_space<hbm>>
    %dma_start3A_212 = tpu.memref_squeeze %dma_start3A_211 : memref<1x1000000xf32, #tpu.memory_space<hbm>> -> memref<1000000xf32, #tpu.memory_space<hbm>>
    %dma_start3A_213 = tpu.memref_slice %dma_start3A_212[%add3A_202] : memref<1000000xf32, #tpu.memory_space<hbm>> -> memref<27520xf32, #tpu.memory_space<hbm>>
    tpu.enqueue_dma source(%dma_start3A_213 : memref<27520xf32, #tpu.memory_space<hbm>>) target(%dma_start3A_209 : memref<27520xf32, #tpu.memory_space<vmem_shared>>) target_semaphore(%arg10 : memref<!tpu.dma_semaphore, #tpu.memory_space<semaphore_mem>>)
    %eq3A = arith.constant 0 : i32
    %eq3A_214 = arith.cmpi eq, %arg1, %eq3A : i32
    %convert_element_type3A = arith.extui %eq3A_214 : i1 to i32
    %cond3A = arith.constant 0 : i32
    %cond3A_215 = arith.cmpi ne, %convert_element_type3A, %cond3A : i32
    scf.if %cond3A_215 {
      %dma_start3A_691 = arith.constant 1440384 : i32
      %dma_start3A_692 = tpu.memref_slice %arg8[%dma_start3A_691] : memref<1441664xf32, #tpu.memory_space<vmem_shared>> -> memref<640xf32, #tpu.memory_space<vmem_shared>>
      %dma_start3A_693 = arith.constant 0 : i32
      %dma_start3A_694 = tpu.memref_slice %arg2[%mul3A_0, %dma_start3A_693] : memref<64x1000000xf32, #tpu.memory_space<hbm>> -> memref<1x1000000xf32, #tpu.memory_space<hbm>>
      %dma_start3A_695 = tpu.memref_squeeze %dma_start3A_694 : memref<1x1000000xf32, #tpu.memory_space<hbm>> -> memref<1000000xf32, #tpu.memory_space<hbm>>
      %dma_start3A_696 = arith.constant 998784 : i32
      %dma_start3A_697 = tpu.memref_slice %dma_start3A_695[%dma_start3A_696] : memref<1000000xf32, #tpu.memory_space<hbm>> -> memref<640xf32, #tpu.memory_space<hbm>>
      tpu.enqueue_dma source(%dma_start3A_697 : memref<640xf32, #tpu.memory_space<hbm>>) target(%dma_start3A_692 : memref<640xf32, #tpu.memory_space<vmem_shared>>) target_semaphore(%arg10 : memref<!tpu.dma_semaphore, #tpu.memory_space<semaphore_mem>>)
    } else {
    }
    %eq3A_216 = arith.constant 1 : i32
    %eq3A_217 = arith.cmpi eq, %arg1, %eq3A_216 : i32
    %convert_element_type3A_218 = arith.extui %eq3A_217 : i1 to i32
    %cond3A_219 = arith.constant 0 : i32
    %cond3A_220 = arith.cmpi ne, %convert_element_type3A_218, %cond3A_219 : i32
    scf.if %cond3A_220 {
      %dma_start3A_691 = arith.constant 1441024 : i32
      %dma_start3A_692 = tpu.memref_slice %arg8[%dma_start3A_691] : memref<1441664xf32, #tpu.memory_space<vmem_shared>> -> memref<512xf32, #tpu.memory_space<vmem_shared>>
      %dma_start3A_693 = arith.constant 0 : i32
      %dma_start3A_694 = tpu.memref_slice %arg2[%mul3A_0, %dma_start3A_693] : memref<64x1000000xf32, #tpu.memory_space<hbm>> -> memref<1x1000000xf32, #tpu.memory_space<hbm>>
      %dma_start3A_695 = tpu.memref_squeeze %dma_start3A_694 : memref<1x1000000xf32, #tpu.memory_space<hbm>> -> memref<1000000xf32, #tpu.memory_space<hbm>>
      %dma_start3A_696 = arith.constant 999424 : i32
      %dma_start3A_697 = tpu.memref_slice %dma_start3A_695[%dma_start3A_696] : memref<1000000xf32, #tpu.memory_space<hbm>> -> memref<512xf32, #tpu.memory_space<hbm>>
      tpu.enqueue_dma source(%dma_start3A_697 : memref<512xf32, #tpu.memory_space<hbm>>) target(%dma_start3A_692 : memref<512xf32, #tpu.memory_space<vmem_shared>>) target_semaphore(%arg10 : memref<!tpu.dma_semaphore, #tpu.memory_space<semaphore_mem>>)
    } else {
    }
    %eq3A_221 = arith.constant 2 : i32
    %eq3A_222 = arith.cmpi eq, %arg1, %eq3A_221 : i32
    %convert_element_type3A_223 = arith.extui %eq3A_222 : i1 to i32
    %cond3A_224 = arith.constant 0 : i32
    %cond3A_225 = arith.cmpi ne, %convert_element_type3A_223, %cond3A_224 : i32
    scf.if %cond3A_225 {
      %dma_start3A_691 = arith.constant 1441536 : i32
      %dma_start3A_692 = tpu.memref_slice %arg8[%dma_start3A_691] : memref<1441664xf32, #tpu.memory_space<vmem_shared>> -> memref<128xf32, #tpu.memory_space<vmem_shared>>
      %dma_start3A_693 = tpu.memref_slice %arg4[%mul3A_208] : memref<8192xf32, #tpu.memory_space<hbm>> -> memref<128xf32, #tpu.memory_space<hbm>>
      tpu.enqueue_dma source(%dma_start3A_693 : memref<128xf32, #tpu.memory_space<hbm>>) target(%dma_start3A_692 : memref<128xf32, #tpu.memory_space<vmem_shared>>) target_semaphore(%arg10 : memref<!tpu.dma_semaphore, #tpu.memory_space<semaphore_mem>>)
    } else {
    }
    %mul3A_226 = arith.constant 34816 : i32
    %mul3A_227 = arith.muli %arg1, %mul3A_226 : i32
    %add3A_228 = arith.constant 0 : i32
    %add3A_229 = arith.addi %add3A_228, %mul3A_227 : i32
    %mul3A_230 = arith.constant 34816 : i32
    %mul3A_231 = arith.muli %arg1, %mul3A_230 : i32
    %add3A_232 = arith.constant 441600 : i32
    %add3A_233 = arith.addi %add3A_232, %mul3A_231 : i32
    %dma_start3A_234 = tpu.memref_slice %arg8[%add3A_233] : memref<1441664xf32, #tpu.memory_space<vmem_shared>> -> memref<34816xf32, #tpu.memory_space<vmem_shared>>
    %dma_start3A_235 = arith.constant 0 : i32
    %dma_start3A_236 = tpu.memref_slice %arg2[%mul3A_0, %dma_start3A_235] : memref<64x1000000xf32, #tpu.memory_space<hbm>> -> memref<1x1000000xf32, #tpu.memory_space<hbm>>
    %dma_start3A_237 = tpu.memref_squeeze %dma_start3A_236 : memref<1x1000000xf32, #tpu.memory_space<hbm>> -> memref<1000000xf32, #tpu.memory_space<hbm>>
    %dma_start3A_238 = tpu.memref_slice %dma_start3A_237[%add3A_229] : memref<1000000xf32, #tpu.memory_space<hbm>> -> memref<34816xf32, #tpu.memory_space<hbm>>
    tpu.enqueue_dma source(%dma_start3A_238 : memref<34816xf32, #tpu.memory_space<hbm>>) target(%dma_start3A_234 : memref<34816xf32, #tpu.memory_space<vmem_shared>>) target_semaphore(%arg10 : memref<!tpu.dma_semaphore, #tpu.memory_space<semaphore_mem>>)
    %eq3A_239 = arith.constant 0 : i32
    %eq3A_240 = arith.cmpi eq, %arg1, %eq3A_239 : i32
    %convert_element_type3A_241 = arith.extui %eq3A_240 : i1 to i32
    %cond3A_242 = arith.constant 0 : i32
    %cond3A_243 = arith.cmpi ne, %convert_element_type3A_241, %cond3A_242 : i32
    scf.if %cond3A_243 {
      %dma_start3A_691 = arith.constant 998656 : i32
      %dma_start3A_692 = tpu.memref_slice %arg8[%dma_start3A_691] : memref<1441664xf32, #tpu.memory_space<vmem_shared>> -> memref<1408xf32, #tpu.memory_space<vmem_shared>>
      %dma_start3A_693 = arith.constant 0 : i32
      %dma_start3A_694 = tpu.memref_slice %arg2[%mul3A_0, %dma_start3A_693] : memref<64x1000000xf32, #tpu.memory_space<hbm>> -> memref<1x1000000xf32, #tpu.memory_space<hbm>>
      %dma_start3A_695 = tpu.memref_squeeze %dma_start3A_694 : memref<1x1000000xf32, #tpu.memory_space<hbm>> -> memref<1000000xf32, #tpu.memory_space<hbm>>
      %dma_start3A_696 = arith.constant 557056 : i32
      %dma_start3A_697 = tpu.memref_slice %dma_start3A_695[%dma_start3A_696] : memref<1000000xf32, #tpu.memory_space<hbm>> -> memref<1408xf32, #tpu.memory_space<hbm>>
      tpu.enqueue_dma source(%dma_start3A_697 : memref<1408xf32, #tpu.memory_space<hbm>>) target(%dma_start3A_692 : memref<1408xf32, #tpu.memory_space<vmem_shared>>) target_semaphore(%arg10 : memref<!tpu.dma_semaphore, #tpu.memory_space<semaphore_mem>>)
    } else {
    }
    %add3A_244 = arith.constant 1 : i32
    %add3A_245 = arith.addi %mul3A_0, %add3A_244 : i32
    %mul3A_246 = arith.constant 27520 : i32
    %mul3A_247 = arith.muli %arg1, %mul3A_246 : i32
    %add3A_248 = arith.constant 0 : i32
    %add3A_249 = arith.addi %add3A_248, %mul3A_247 : i32
    %mul3A_250 = arith.constant 27520 : i32
    %mul3A_251 = arith.muli %arg1, %mul3A_250 : i32
    %add3A_252 = arith.constant 0 : i32
    %add3A_253 = arith.addi %add3A_252, %mul3A_251 : i32
    %dma_start3A_254 = tpu.memref_slice %arg8[%add3A_253] : memref<1441664xf32, #tpu.memory_space<vmem_shared>> -> memref<27520xf32, #tpu.memory_space<vmem_shared>>
    %dma_start3A_255 = arith.constant 0 : i32
    %dma_start3A_256 = tpu.memref_slice %arg2[%add3A_245, %dma_start3A_255] : memref<64x1000000xf32, #tpu.memory_space<hbm>> -> memref<1x1000000xf32, #tpu.memory_space<hbm>>
    %dma_start3A_257 = tpu.memref_squeeze %dma_start3A_256 : memref<1x1000000xf32, #tpu.memory_space<hbm>> -> memref<1000000xf32, #tpu.memory_space<hbm>>
    %dma_start3A_258 = tpu.memref_slice %dma_start3A_257[%add3A_249] : memref<1000000xf32, #tpu.memory_space<hbm>> -> memref<27520xf32, #tpu.memory_space<hbm>>
    tpu.enqueue_dma source(%dma_start3A_258 : memref<27520xf32, #tpu.memory_space<hbm>>) target(%dma_start3A_254 : memref<27520xf32, #tpu.memory_space<vmem_shared>>) target_semaphore(%arg11 : memref<!tpu.dma_semaphore, #tpu.memory_space<semaphore_mem>>)
    %eq3A_259 = arith.constant 0 : i32
    %eq3A_260 = arith.cmpi eq, %arg1, %eq3A_259 : i32
    %convert_element_type3A_261 = arith.extui %eq3A_260 : i1 to i32
    %cond3A_262 = arith.constant 0 : i32
    %cond3A_263 = arith.cmpi ne, %convert_element_type3A_261, %cond3A_262 : i32
    scf.if %cond3A_263 {
      %dma_start3A_691 = arith.constant 440320 : i32
      %dma_start3A_692 = tpu.memref_slice %arg8[%dma_start3A_691] : memref<1441664xf32, #tpu.memory_space<vmem_shared>> -> memref<1280xf32, #tpu.memory_space<vmem_shared>>
      %dma_start3A_693 = arith.constant 0 : i32
      %dma_start3A_694 = tpu.memref_slice %arg2[%add3A_245, %dma_start3A_693] : memref<64x1000000xf32, #tpu.memory_space<hbm>> -> memref<1x1000000xf32, #tpu.memory_space<hbm>>
      %dma_start3A_695 = tpu.memref_squeeze %dma_start3A_694 : memref<1x1000000xf32, #tpu.memory_space<hbm>> -> memref<1000000xf32, #tpu.memory_space<hbm>>
      %dma_start3A_696 = arith.constant 440320 : i32
      %dma_start3A_697 = tpu.memref_slice %dma_start3A_695[%dma_start3A_696] : memref<1000000xf32, #tpu.memory_space<hbm>> -> memref<1280xf32, #tpu.memory_space<hbm>>
      tpu.enqueue_dma source(%dma_start3A_697 : memref<1280xf32, #tpu.memory_space<hbm>>) target(%dma_start3A_692 : memref<1280xf32, #tpu.memory_space<vmem_shared>>) target_semaphore(%arg11 : memref<!tpu.dma_semaphore, #tpu.memory_space<semaphore_mem>>)
    } else {
    }
    %mul3A_264 = arith.constant 1024 : i32
    %mul3A_265 = arith.muli %arg1, %mul3A_264 : i32
    %add3A_266 = arith.constant 0 : i32
    %add3A_267 = arith.addi %add3A_266, %mul3A_265 : i32
    %dma_wait3A = arith.constant 0 : i32
    %dma_wait3A_268 = tpu.memref_slice %arg6[%dma_wait3A] : memref<20480xi32, #tpu.memory_space<vmem>> -> memref<1024xi32, #tpu.memory_space<vmem>>
    %dma_wait3A_269 = tpu.memref_slice %arg3[%add3A_267] : memref<327680xi32, #tpu.memory_space<hbm>> -> memref<1024xi32, #tpu.memory_space<hbm>>
    %dma_wait3A_270 = arith.constant 0 : i32
    %dma_wait3A_271 = tpu.memref_slice %arg6[%dma_wait3A_270] : memref<20480xi32, #tpu.memory_space<vmem>> -> memref<1024xi32, #tpu.memory_space<vmem>>
    %dma_wait3A_272 = tpu.memref_slice %arg3[%add3A_267] : memref<327680xi32, #tpu.memory_space<hbm>> -> memref<1024xi32, #tpu.memory_space<hbm>>
    tpu.wait_dma2 semaphore(%arg9 : memref<!tpu.dma_semaphore, #tpu.memory_space<semaphore_mem>>) src(%dma_wait3A_272 : memref<1024xi32, #tpu.memory_space<hbm>>) dst(%dma_wait3A_271 : memref<1024xi32, #tpu.memory_space<vmem>>)
    %mul3A_273 = arith.constant 1024 : i32
    %mul3A_274 = arith.muli %arg1, %mul3A_273 : i32
    %add3A_275 = arith.constant 16384 : i32
    %add3A_276 = arith.addi %add3A_275, %mul3A_274 : i32
    %dma_wait3A_277 = arith.constant 1024 : i32
    %dma_wait3A_278 = tpu.memref_slice %arg6[%dma_wait3A_277] : memref<20480xi32, #tpu.memory_space<vmem>> -> memref<1024xi32, #tpu.memory_space<vmem>>
    %dma_wait3A_279 = tpu.memref_slice %arg3[%add3A_276] : memref<327680xi32, #tpu.memory_space<hbm>> -> memref<1024xi32, #tpu.memory_space<hbm>>
    %dma_wait3A_280 = arith.constant 1024 : i32
    %dma_wait3A_281 = tpu.memref_slice %arg6[%dma_wait3A_280] : memref<20480xi32, #tpu.memory_space<vmem>> -> memref<1024xi32, #tpu.memory_space<vmem>>
    %dma_wait3A_282 = tpu.memref_slice %arg3[%add3A_276] : memref<327680xi32, #tpu.memory_space<hbm>> -> memref<1024xi32, #tpu.memory_space<hbm>>
    tpu.wait_dma2 semaphore(%arg9 : memref<!tpu.dma_semaphore, #tpu.memory_space<semaphore_mem>>) src(%dma_wait3A_282 : memref<1024xi32, #tpu.memory_space<hbm>>) dst(%dma_wait3A_281 : memref<1024xi32, #tpu.memory_space<vmem>>)
    %mul3A_283 = arith.constant 1024 : i32
    %mul3A_284 = arith.muli %arg1, %mul3A_283 : i32
    %add3A_285 = arith.constant 32768 : i32
    %add3A_286 = arith.addi %add3A_285, %mul3A_284 : i32
    %dma_wait3A_287 = arith.constant 2048 : i32
    %dma_wait3A_288 = tpu.memref_slice %arg6[%dma_wait3A_287] : memref<20480xi32, #tpu.memory_space<vmem>> -> memref<1024xi32, #tpu.memory_space<vmem>>
    %dma_wait3A_289 = tpu.memref_slice %arg3[%add3A_286] : memref<327680xi32, #tpu.memory_space<hbm>> -> memref<1024xi32, #tpu.memory_space<hbm>>
    %dma_wait3A_290 = arith.constant 2048 : i32
    %dma_wait3A_291 = tpu.memref_slice %arg6[%dma_wait3A_290] : memref<20480xi32, #tpu.memory_space<vmem>> -> memref<1024xi32, #tpu.memory_space<vmem>>
    %dma_wait3A_292 = tpu.memref_slice %arg3[%add3A_286] : memref<327680xi32, #tpu.memory_space<hbm>> -> memref<1024xi32, #tpu.memory_space<hbm>>
    tpu.wait_dma2 semaphore(%arg9 : memref<!tpu.dma_semaphore, #tpu.memory_space<semaphore_mem>>) src(%dma_wait3A_292 : memref<1024xi32, #tpu.memory_space<hbm>>) dst(%dma_wait3A_291 : memref<1024xi32, #tpu.memory_space<vmem>>)
    %mul3A_293 = arith.constant 1024 : i32
    %mul3A_294 = arith.muli %arg1, %mul3A_293 : i32
    %add3A_295 = arith.constant 49152 : i32
    %add3A_296 = arith.addi %add3A_295, %mul3A_294 : i32
    %dma_wait3A_297 = arith.constant 3072 : i32
    %dma_wait3A_298 = tpu.memref_slice %arg6[%dma_wait3A_297] : memref<20480xi32, #tpu.memory_space<vmem>> -> memref<1024xi32, #tpu.memory_space<vmem>>
    %dma_wait3A_299 = tpu.memref_slice %arg3[%add3A_296] : memref<327680xi32, #tpu.memory_space<hbm>> -> memref<1024xi32, #tpu.memory_space<hbm>>
    %dma_wait3A_300 = arith.constant 3072 : i32
    %dma_wait3A_301 = tpu.memref_slice %arg6[%dma_wait3A_300] : memref<20480xi32, #tpu.memory_space<vmem>> -> memref<1024xi32, #tpu.memory_space<vmem>>
    %dma_wait3A_302 = tpu.memref_slice %arg3[%add3A_296] : memref<327680xi32, #tpu.memory_space<hbm>> -> memref<1024xi32, #tpu.memory_space<hbm>>
    tpu.wait_dma2 semaphore(%arg9 : memref<!tpu.dma_semaphore, #tpu.memory_space<semaphore_mem>>) src(%dma_wait3A_302 : memref<1024xi32, #tpu.memory_space<hbm>>) dst(%dma_wait3A_301 : memref<1024xi32, #tpu.memory_space<vmem>>)
    %mul3A_303 = arith.constant 1024 : i32
    %mul3A_304 = arith.muli %arg1, %mul3A_303 : i32
    %add3A_305 = arith.constant 65536 : i32
    %add3A_306 = arith.addi %add3A_305, %mul3A_304 : i32
    %dma_wait3A_307 = arith.constant 4096 : i32
    %dma_wait3A_308 = tpu.memref_slice %arg6[%dma_wait3A_307] : memref<20480xi32, #tpu.memory_space<vmem>> -> memref<1024xi32, #tpu.memory_space<vmem>>
    %dma_wait3A_309 = tpu.memref_slice %arg3[%add3A_306] : memref<327680xi32, #tpu.memory_space<hbm>> -> memref<1024xi32, #tpu.memory_space<hbm>>
    %dma_wait3A_310 = arith.constant 4096 : i32
    %dma_wait3A_311 = tpu.memref_slice %arg6[%dma_wait3A_310] : memref<20480xi32, #tpu.memory_space<vmem>> -> memref<1024xi32, #tpu.memory_space<vmem>>
    %dma_wait3A_312 = tpu.memref_slice %arg3[%add3A_306] : memref<327680xi32, #tpu.memory_space<hbm>> -> memref<1024xi32, #tpu.memory_space<hbm>>
    tpu.wait_dma2 semaphore(%arg9 : memref<!tpu.dma_semaphore, #tpu.memory_space<semaphore_mem>>) src(%dma_wait3A_312 : memref<1024xi32, #tpu.memory_space<hbm>>) dst(%dma_wait3A_311 : memref<1024xi32, #tpu.memory_space<vmem>>)
    %mul3A_313 = arith.constant 1024 : i32
    %mul3A_314 = arith.muli %arg1, %mul3A_313 : i32
    %add3A_315 = arith.constant 81920 : i32
    %add3A_316 = arith.addi %add3A_315, %mul3A_314 : i32
    %dma_wait3A_317 = arith.constant 5120 : i32
    %dma_wait3A_318 = tpu.memref_slice %arg6[%dma_wait3A_317] : memref<20480xi32, #tpu.memory_space<vmem>> -> memref<1024xi32, #tpu.memory_space<vmem>>
    %dma_wait3A_319 = tpu.memref_slice %arg3[%add3A_316] : memref<327680xi32, #tpu.memory_space<hbm>> -> memref<1024xi32, #tpu.memory_space<hbm>>
    %dma_wait3A_320 = arith.constant 5120 : i32
    %dma_wait3A_321 = tpu.memref_slice %arg6[%dma_wait3A_320] : memref<20480xi32, #tpu.memory_space<vmem>> -> memref<1024xi32, #tpu.memory_space<vmem>>
    %dma_wait3A_322 = tpu.memref_slice %arg3[%add3A_316] : memref<327680xi32, #tpu.memory_space<hbm>> -> memref<1024xi32, #tpu.memory_space<hbm>>
    tpu.wait_dma2 semaphore(%arg9 : memref<!tpu.dma_semaphore, #tpu.memory_space<semaphore_mem>>) src(%dma_wait3A_322 : memref<1024xi32, #tpu.memory_space<hbm>>) dst(%dma_wait3A_321 : memref<1024xi32, #tpu.memory_space<vmem>>)
    %mul3A_323 = arith.constant 1024 : i32
    %mul3A_324 = arith.muli %arg1, %mul3A_323 : i32
    %add3A_325 = arith.constant 98304 : i32
    %add3A_326 = arith.addi %add3A_325, %mul3A_324 : i32
    %dma_wait3A_327 = arith.constant 6144 : i32
    %dma_wait3A_328 = tpu.memref_slice %arg6[%dma_wait3A_327] : memref<20480xi32, #tpu.memory_space<vmem>> -> memref<1024xi32, #tpu.memory_space<vmem>>
    %dma_wait3A_329 = tpu.memref_slice %arg3[%add3A_326] : memref<327680xi32, #tpu.memory_space<hbm>> -> memref<1024xi32, #tpu.memory_space<hbm>>
    %dma_wait3A_330 = arith.constant 6144 : i32
    %dma_wait3A_331 = tpu.memref_slice %arg6[%dma_wait3A_330] : memref<20480xi32, #tpu.memory_space<vmem>> -> memref<1024xi32, #tpu.memory_space<vmem>>
    %dma_wait3A_332 = tpu.memref_slice %arg3[%add3A_326] : memref<327680xi32, #tpu.memory_space<hbm>> -> memref<1024xi32, #tpu.memory_space<hbm>>
    tpu.wait_dma2 semaphore(%arg9 : memref<!tpu.dma_semaphore, #tpu.memory_space<semaphore_mem>>) src(%dma_wait3A_332 : memref<1024xi32, #tpu.memory_space<hbm>>) dst(%dma_wait3A_331 : memref<1024xi32, #tpu.memory_space<vmem>>)
    %mul3A_333 = arith.constant 1024 : i32
    %mul3A_334 = arith.muli %arg1, %mul3A_333 : i32
    %add3A_335 = arith.constant 114688 : i32
    %add3A_336 = arith.addi %add3A_335, %mul3A_334 : i32
    %dma_wait3A_337 = arith.constant 7168 : i32
    %dma_wait3A_338 = tpu.memref_slice %arg6[%dma_wait3A_337] : memref<20480xi32, #tpu.memory_space<vmem>> -> memref<1024xi32, #tpu.memory_space<vmem>>
    %dma_wait3A_339 = tpu.memref_slice %arg3[%add3A_336] : memref<327680xi32, #tpu.memory_space<hbm>> -> memref<1024xi32, #tpu.memory_space<hbm>>
    %dma_wait3A_340 = arith.constant 7168 : i32
    %dma_wait3A_341 = tpu.memref_slice %arg6[%dma_wait3A_340] : memref<20480xi32, #tpu.memory_space<vmem>> -> memref<1024xi32, #tpu.memory_space<vmem>>
    %dma_wait3A_342 = tpu.memref_slice %arg3[%add3A_336] : memref<327680xi32, #tpu.memory_space<hbm>> -> memref<1024xi32, #tpu.memory_space<hbm>>
    tpu.wait_dma2 semaphore(%arg9 : memref<!tpu.dma_semaphore, #tpu.memory_space<semaphore_mem>>) src(%dma_wait3A_342 : memref<1024xi32, #tpu.memory_space<hbm>>) dst(%dma_wait3A_341 : memref<1024xi32, #tpu.memory_space<vmem>>)
    %mul3A_343 = arith.constant 1024 : i32
    %mul3A_344 = arith.muli %arg1, %mul3A_343 : i32
    %add3A_345 = arith.constant 131072 : i32
    %add3A_346 = arith.addi %add3A_345, %mul3A_344 : i32
    %dma_wait3A_347 = arith.constant 8192 : i32
    %dma_wait3A_348 = tpu.memref_slice %arg6[%dma_wait3A_347] : memref<20480xi32, #tpu.memory_space<vmem>> -> memref<1024xi32, #tpu.memory_space<vmem>>
    %dma_wait3A_349 = tpu.memref_slice %arg3[%add3A_346] : memref<327680xi32, #tpu.memory_space<hbm>> -> memref<1024xi32, #tpu.memory_space<hbm>>
    %dma_wait3A_350 = arith.constant 8192 : i32
    %dma_wait3A_351 = tpu.memref_slice %arg6[%dma_wait3A_350] : memref<20480xi32, #tpu.memory_space<vmem>> -> memref<1024xi32, #tpu.memory_space<vmem>>
    %dma_wait3A_352 = tpu.memref_slice %arg3[%add3A_346] : memref<327680xi32, #tpu.memory_space<hbm>> -> memref<1024xi32, #tpu.memory_space<hbm>>
    tpu.wait_dma2 semaphore(%arg9 : memref<!tpu.dma_semaphore, #tpu.memory_space<semaphore_mem>>) src(%dma_wait3A_352 : memref<1024xi32, #tpu.memory_space<hbm>>) dst(%dma_wait3A_351 : memref<1024xi32, #tpu.memory_space<vmem>>)
    %mul3A_353 = arith.constant 1024 : i32
    %mul3A_354 = arith.muli %arg1, %mul3A_353 : i32
    %add3A_355 = arith.constant 147456 : i32
    %add3A_356 = arith.addi %add3A_355, %mul3A_354 : i32
    %dma_wait3A_357 = arith.constant 9216 : i32
    %dma_wait3A_358 = tpu.memref_slice %arg6[%dma_wait3A_357] : memref<20480xi32, #tpu.memory_space<vmem>> -> memref<1024xi32, #tpu.memory_space<vmem>>
    %dma_wait3A_359 = tpu.memref_slice %arg3[%add3A_356] : memref<327680xi32, #tpu.memory_space<hbm>> -> memref<1024xi32, #tpu.memory_space<hbm>>
    %dma_wait3A_360 = arith.constant 9216 : i32
    %dma_wait3A_361 = tpu.memref_slice %arg6[%dma_wait3A_360] : memref<20480xi32, #tpu.memory_space<vmem>> -> memref<1024xi32, #tpu.memory_space<vmem>>
    %dma_wait3A_362 = tpu.memref_slice %arg3[%add3A_356] : memref<327680xi32, #tpu.memory_space<hbm>> -> memref<1024xi32, #tpu.memory_space<hbm>>
    tpu.wait_dma2 semaphore(%arg9 : memref<!tpu.dma_semaphore, #tpu.memory_space<semaphore_mem>>) src(%dma_wait3A_362 : memref<1024xi32, #tpu.memory_space<hbm>>) dst(%dma_wait3A_361 : memref<1024xi32, #tpu.memory_space<vmem>>)
    %mul3A_363 = arith.constant 1024 : i32
    %mul3A_364 = arith.muli %arg1, %mul3A_363 : i32
    %add3A_365 = arith.constant 163840 : i32
    %add3A_366 = arith.addi %add3A_365, %mul3A_364 : i32
    %dma_wait3A_367 = arith.constant 10240 : i32
    %dma_wait3A_368 = tpu.memref_slice %arg6[%dma_wait3A_367] : memref<20480xi32, #tpu.memory_space<vmem>> -> memref<1024xi32, #tpu.memory_space<vmem>>
    %dma_wait3A_369 = tpu.memref_slice %arg3[%add3A_366] : memref<327680xi32, #tpu.memory_space<hbm>> -> memref<1024xi32, #tpu.memory_space<hbm>>
    %dma_wait3A_370 = arith.constant 10240 : i32
    %dma_wait3A_371 = tpu.memref_slice %arg6[%dma_wait3A_370] : memref<20480xi32, #tpu.memory_space<vmem>> -> memref<1024xi32, #tpu.memory_space<vmem>>
    %dma_wait3A_372 = tpu.memref_slice %arg3[%add3A_366] : memref<327680xi32, #tpu.memory_space<hbm>> -> memref<1024xi32, #tpu.memory_space<hbm>>
    tpu.wait_dma2 semaphore(%arg9 : memref<!tpu.dma_semaphore, #tpu.memory_space<semaphore_mem>>) src(%dma_wait3A_372 : memref<1024xi32, #tpu.memory_space<hbm>>) dst(%dma_wait3A_371 : memref<1024xi32, #tpu.memory_space<vmem>>)
    %mul3A_373 = arith.constant 1024 : i32
    %mul3A_374 = arith.muli %arg1, %mul3A_373 : i32
    %add3A_375 = arith.constant 180224 : i32
    %add3A_376 = arith.addi %add3A_375, %mul3A_374 : i32
    %dma_wait3A_377 = arith.constant 11264 : i32
    %dma_wait3A_378 = tpu.memref_slice %arg6[%dma_wait3A_377] : memref<20480xi32, #tpu.memory_space<vmem>> -> memref<1024xi32, #tpu.memory_space<vmem>>
    %dma_wait3A_379 = tpu.memref_slice %arg3[%add3A_376] : memref<327680xi32, #tpu.memory_space<hbm>> -> memref<1024xi32, #tpu.memory_space<hbm>>
    %dma_wait3A_380 = arith.constant 11264 : i32
    %dma_wait3A_381 = tpu.memref_slice %arg6[%dma_wait3A_380] : memref<20480xi32, #tpu.memory_space<vmem>> -> memref<1024xi32, #tpu.memory_space<vmem>>
    %dma_wait3A_382 = tpu.memref_slice %arg3[%add3A_376] : memref<327680xi32, #tpu.memory_space<hbm>> -> memref<1024xi32, #tpu.memory_space<hbm>>
    tpu.wait_dma2 semaphore(%arg9 : memref<!tpu.dma_semaphore, #tpu.memory_space<semaphore_mem>>) src(%dma_wait3A_382 : memref<1024xi32, #tpu.memory_space<hbm>>) dst(%dma_wait3A_381 : memref<1024xi32, #tpu.memory_space<vmem>>)
    %mul3A_383 = arith.constant 1024 : i32
    %mul3A_384 = arith.muli %arg1, %mul3A_383 : i32
    %add3A_385 = arith.constant 196608 : i32
    %add3A_386 = arith.addi %add3A_385, %mul3A_384 : i32
    %dma_wait3A_387 = arith.constant 12288 : i32
    %dma_wait3A_388 = tpu.memref_slice %arg6[%dma_wait3A_387] : memref<20480xi32, #tpu.memory_space<vmem>> -> memref<1024xi32, #tpu.memory_space<vmem>>
    %dma_wait3A_389 = tpu.memref_slice %arg3[%add3A_386] : memref<327680xi32, #tpu.memory_space<hbm>> -> memref<1024xi32, #tpu.memory_space<hbm>>
    %dma_wait3A_390 = arith.constant 12288 : i32
    %dma_wait3A_391 = tpu.memref_slice %arg6[%dma_wait3A_390] : memref<20480xi32, #tpu.memory_space<vmem>> -> memref<1024xi32, #tpu.memory_space<vmem>>
    %dma_wait3A_392 = tpu.memref_slice %arg3[%add3A_386] : memref<327680xi32, #tpu.memory_space<hbm>> -> memref<1024xi32, #tpu.memory_space<hbm>>
    tpu.wait_dma2 semaphore(%arg9 : memref<!tpu.dma_semaphore, #tpu.memory_space<semaphore_mem>>) src(%dma_wait3A_392 : memref<1024xi32, #tpu.memory_space<hbm>>) dst(%dma_wait3A_391 : memref<1024xi32, #tpu.memory_space<vmem>>)
    %mul3A_393 = arith.constant 1024 : i32
    %mul3A_394 = arith.muli %arg1, %mul3A_393 : i32
    %add3A_395 = arith.constant 212992 : i32
    %add3A_396 = arith.addi %add3A_395, %mul3A_394 : i32
    %dma_wait3A_397 = arith.constant 13312 : i32
    %dma_wait3A_398 = tpu.memref_slice %arg6[%dma_wait3A_397] : memref<20480xi32, #tpu.memory_space<vmem>> -> memref<1024xi32, #tpu.memory_space<vmem>>
    %dma_wait3A_399 = tpu.memref_slice %arg3[%add3A_396] : memref<327680xi32, #tpu.memory_space<hbm>> -> memref<1024xi32, #tpu.memory_space<hbm>>
    %dma_wait3A_400 = arith.constant 13312 : i32
    %dma_wait3A_401 = tpu.memref_slice %arg6[%dma_wait3A_400] : memref<20480xi32, #tpu.memory_space<vmem>> -> memref<1024xi32, #tpu.memory_space<vmem>>
    %dma_wait3A_402 = tpu.memref_slice %arg3[%add3A_396] : memref<327680xi32, #tpu.memory_space<hbm>> -> memref<1024xi32, #tpu.memory_space<hbm>>
    tpu.wait_dma2 semaphore(%arg9 : memref<!tpu.dma_semaphore, #tpu.memory_space<semaphore_mem>>) src(%dma_wait3A_402 : memref<1024xi32, #tpu.memory_space<hbm>>) dst(%dma_wait3A_401 : memref<1024xi32, #tpu.memory_space<vmem>>)
    %mul3A_403 = arith.constant 1024 : i32
    %mul3A_404 = arith.muli %arg1, %mul3A_403 : i32
    %add3A_405 = arith.constant 229376 : i32
    %add3A_406 = arith.addi %add3A_405, %mul3A_404 : i32
    %dma_wait3A_407 = arith.constant 14336 : i32
    %dma_wait3A_408 = tpu.memref_slice %arg6[%dma_wait3A_407] : memref<20480xi32, #tpu.memory_space<vmem>> -> memref<1024xi32, #tpu.memory_space<vmem>>
    %dma_wait3A_409 = tpu.memref_slice %arg3[%add3A_406] : memref<327680xi32, #tpu.memory_space<hbm>> -> memref<1024xi32, #tpu.memory_space<hbm>>
    %dma_wait3A_410 = arith.constant 14336 : i32
    %dma_wait3A_411 = tpu.memref_slice %arg6[%dma_wait3A_410] : memref<20480xi32, #tpu.memory_space<vmem>> -> memref<1024xi32, #tpu.memory_space<vmem>>
    %dma_wait3A_412 = tpu.memref_slice %arg3[%add3A_406] : memref<327680xi32, #tpu.memory_space<hbm>> -> memref<1024xi32, #tpu.memory_space<hbm>>
    tpu.wait_dma2 semaphore(%arg9 : memref<!tpu.dma_semaphore, #tpu.memory_space<semaphore_mem>>) src(%dma_wait3A_412 : memref<1024xi32, #tpu.memory_space<hbm>>) dst(%dma_wait3A_411 : memref<1024xi32, #tpu.memory_space<vmem>>)
    %mul3A_413 = arith.constant 1024 : i32
    %mul3A_414 = arith.muli %arg1, %mul3A_413 : i32
    %add3A_415 = arith.constant 245760 : i32
    %add3A_416 = arith.addi %add3A_415, %mul3A_414 : i32
    %dma_wait3A_417 = arith.constant 15360 : i32
    %dma_wait3A_418 = tpu.memref_slice %arg6[%dma_wait3A_417] : memref<20480xi32, #tpu.memory_space<vmem>> -> memref<1024xi32, #tpu.memory_space<vmem>>
    %dma_wait3A_419 = tpu.memref_slice %arg3[%add3A_416] : memref<327680xi32, #tpu.memory_space<hbm>> -> memref<1024xi32, #tpu.memory_space<hbm>>
    %dma_wait3A_420 = arith.constant 15360 : i32
    %dma_wait3A_421 = tpu.memref_slice %arg6[%dma_wait3A_420] : memref<20480xi32, #tpu.memory_space<vmem>> -> memref<1024xi32, #tpu.memory_space<vmem>>
    %dma_wait3A_422 = tpu.memref_slice %arg3[%add3A_416] : memref<327680xi32, #tpu.memory_space<hbm>> -> memref<1024xi32, #tpu.memory_space<hbm>>
    tpu.wait_dma2 semaphore(%arg9 : memref<!tpu.dma_semaphore, #tpu.memory_space<semaphore_mem>>) src(%dma_wait3A_422 : memref<1024xi32, #tpu.memory_space<hbm>>) dst(%dma_wait3A_421 : memref<1024xi32, #tpu.memory_space<vmem>>)
    %mul3A_423 = arith.constant 1024 : i32
    %mul3A_424 = arith.muli %arg1, %mul3A_423 : i32
    %add3A_425 = arith.constant 262144 : i32
    %add3A_426 = arith.addi %add3A_425, %mul3A_424 : i32
    %dma_wait3A_427 = arith.constant 16384 : i32
    %dma_wait3A_428 = tpu.memref_slice %arg6[%dma_wait3A_427] : memref<20480xi32, #tpu.memory_space<vmem>> -> memref<1024xi32, #tpu.memory_space<vmem>>
    %dma_wait3A_429 = tpu.memref_slice %arg3[%add3A_426] : memref<327680xi32, #tpu.memory_space<hbm>> -> memref<1024xi32, #tpu.memory_space<hbm>>
    %dma_wait3A_430 = arith.constant 16384 : i32
    %dma_wait3A_431 = tpu.memref_slice %arg6[%dma_wait3A_430] : memref<20480xi32, #tpu.memory_space<vmem>> -> memref<1024xi32, #tpu.memory_space<vmem>>
    %dma_wait3A_432 = tpu.memref_slice %arg3[%add3A_426] : memref<327680xi32, #tpu.memory_space<hbm>> -> memref<1024xi32, #tpu.memory_space<hbm>>
    tpu.wait_dma2 semaphore(%arg9 : memref<!tpu.dma_semaphore, #tpu.memory_space<semaphore_mem>>) src(%dma_wait3A_432 : memref<1024xi32, #tpu.memory_space<hbm>>) dst(%dma_wait3A_431 : memref<1024xi32, #tpu.memory_space<vmem>>)
    %mul3A_433 = arith.constant 1024 : i32
    %mul3A_434 = arith.muli %arg1, %mul3A_433 : i32
    %add3A_435 = arith.constant 278528 : i32
    %add3A_436 = arith.addi %add3A_435, %mul3A_434 : i32
    %dma_wait3A_437 = arith.constant 17408 : i32
    %dma_wait3A_438 = tpu.memref_slice %arg6[%dma_wait3A_437] : memref<20480xi32, #tpu.memory_space<vmem>> -> memref<1024xi32, #tpu.memory_space<vmem>>
    %dma_wait3A_439 = tpu.memref_slice %arg3[%add3A_436] : memref<327680xi32, #tpu.memory_space<hbm>> -> memref<1024xi32, #tpu.memory_space<hbm>>
    %dma_wait3A_440 = arith.constant 17408 : i32
    %dma_wait3A_441 = tpu.memref_slice %arg6[%dma_wait3A_440] : memref<20480xi32, #tpu.memory_space<vmem>> -> memref<1024xi32, #tpu.memory_space<vmem>>
    %dma_wait3A_442 = tpu.memref_slice %arg3[%add3A_436] : memref<327680xi32, #tpu.memory_space<hbm>> -> memref<1024xi32, #tpu.memory_space<hbm>>
    tpu.wait_dma2 semaphore(%arg9 : memref<!tpu.dma_semaphore, #tpu.memory_space<semaphore_mem>>) src(%dma_wait3A_442 : memref<1024xi32, #tpu.memory_space<hbm>>) dst(%dma_wait3A_441 : memref<1024xi32, #tpu.memory_space<vmem>>)
    %mul3A_443 = arith.constant 1024 : i32
    %mul3A_444 = arith.muli %arg1, %mul3A_443 : i32
    %add3A_445 = arith.constant 294912 : i32
    %add3A_446 = arith.addi %add3A_445, %mul3A_444 : i32
    %dma_wait3A_447 = arith.constant 18432 : i32
    %dma_wait3A_448 = tpu.memref_slice %arg6[%dma_wait3A_447] : memref<20480xi32, #tpu.memory_space<vmem>> -> memref<1024xi32, #tpu.memory_space<vmem>>
    %dma_wait3A_449 = tpu.memref_slice %arg3[%add3A_446] : memref<327680xi32, #tpu.memory_space<hbm>> -> memref<1024xi32, #tpu.memory_space<hbm>>
    %dma_wait3A_450 = arith.constant 18432 : i32
    %dma_wait3A_451 = tpu.memref_slice %arg6[%dma_wait3A_450] : memref<20480xi32, #tpu.memory_space<vmem>> -> memref<1024xi32, #tpu.memory_space<vmem>>
    %dma_wait3A_452 = tpu.memref_slice %arg3[%add3A_446] : memref<327680xi32, #tpu.memory_space<hbm>> -> memref<1024xi32, #tpu.memory_space<hbm>>
    tpu.wait_dma2 semaphore(%arg9 : memref<!tpu.dma_semaphore, #tpu.memory_space<semaphore_mem>>) src(%dma_wait3A_452 : memref<1024xi32, #tpu.memory_space<hbm>>) dst(%dma_wait3A_451 : memref<1024xi32, #tpu.memory_space<vmem>>)
    %mul3A_453 = arith.constant 1024 : i32
    %mul3A_454 = arith.muli %arg1, %mul3A_453 : i32
    %add3A_455 = arith.constant 311296 : i32
    %add3A_456 = arith.addi %add3A_455, %mul3A_454 : i32
    %dma_wait3A_457 = arith.constant 19456 : i32
    %dma_wait3A_458 = tpu.memref_slice %arg6[%dma_wait3A_457] : memref<20480xi32, #tpu.memory_space<vmem>> -> memref<1024xi32, #tpu.memory_space<vmem>>
    %dma_wait3A_459 = tpu.memref_slice %arg3[%add3A_456] : memref<327680xi32, #tpu.memory_space<hbm>> -> memref<1024xi32, #tpu.memory_space<hbm>>
    %dma_wait3A_460 = arith.constant 19456 : i32
    %dma_wait3A_461 = tpu.memref_slice %arg6[%dma_wait3A_460] : memref<20480xi32, #tpu.memory_space<vmem>> -> memref<1024xi32, #tpu.memory_space<vmem>>
    %dma_wait3A_462 = tpu.memref_slice %arg3[%add3A_456] : memref<327680xi32, #tpu.memory_space<hbm>> -> memref<1024xi32, #tpu.memory_space<hbm>>
    tpu.wait_dma2 semaphore(%arg9 : memref<!tpu.dma_semaphore, #tpu.memory_space<semaphore_mem>>) src(%dma_wait3A_462 : memref<1024xi32, #tpu.memory_space<hbm>>) dst(%dma_wait3A_461 : memref<1024xi32, #tpu.memory_space<vmem>>)
    %scan3A = arith.constant 0 : i32
    %scan3A_463 = arith.constant 0 : i32
    %scan3A_464 = arith.constant 16 : i32
    %scan3A_465 = arith.addi %scan3A_463, %scan3A_464 : i32
    %scan3A_466 = arith.constant 1 : i32
    scf.for %scan3A_691 = %scan3A_463 to %scan3A_465 step %scan3A_466  : i32 {
      %mul3A_692 = arith.constant 2 : i32
      %mul3A_693 = arith.muli %mul3A_692, %scan3A_691 : i32
      %add3A_694 = arith.addi %mul3A_0, %mul3A_693 : i32
      %mul3A_695 = arith.constant 27520 : i32
      %mul3A_696 = arith.muli %arg1, %mul3A_695 : i32
      %add3A_697 = arith.constant 558464 : i32
      %add3A_698 = arith.addi %add3A_697, %mul3A_696 : i32
      %mul3A_699 = arith.constant 27520 : i32
      %mul3A_700 = arith.muli %arg1, %mul3A_699 : i32
      %add3A_701 = arith.constant 1000064 : i32
      %add3A_702 = arith.addi %add3A_701, %mul3A_700 : i32
      %mul3A_703 = arith.constant 128 : i32
      %mul3A_704 = arith.muli %add3A_694, %mul3A_703 : i32
      %dma_wait3A_705 = tpu.memref_slice %arg8[%add3A_702] : memref<1441664xf32, #tpu.memory_space<vmem_shared>> -> memref<27520xf32, #tpu.memory_space<vmem_shared>>
      %dma_wait3A_706 = arith.constant 0 : i32
      %dma_wait3A_707 = tpu.memref_slice %arg2[%add3A_694, %dma_wait3A_706] : memref<64x1000000xf32, #tpu.memory_space<hbm>> -> memref<1x1000000xf32, #tpu.memory_space<hbm>>
      %dma_wait3A_708 = tpu.memref_squeeze %dma_wait3A_707 : memref<1x1000000xf32, #tpu.memory_space<hbm>> -> memref<1000000xf32, #tpu.memory_space<hbm>>
      %dma_wait3A_709 = tpu.memref_slice %dma_wait3A_708[%add3A_698] : memref<1000000xf32, #tpu.memory_space<hbm>> -> memref<27520xf32, #tpu.memory_space<hbm>>
      tpu.wait_dma2 semaphore(%arg10 : memref<!tpu.dma_semaphore, #tpu.memory_space<semaphore_mem>>) src(%dma_wait3A_709 : memref<27520xf32, #tpu.memory_space<hbm>>) dst(%dma_wait3A_705 : memref<27520xf32, #tpu.memory_space<vmem_shared>>)
      %eq3A_710 = arith.constant 0 : i32
      %eq3A_711 = arith.cmpi eq, %arg1, %eq3A_710 : i32
      %convert_element_type3A_712 = arith.extui %eq3A_711 : i1 to i32
      %cond3A_713 = arith.constant 0 : i32
      %cond3A_714 = arith.cmpi ne, %convert_element_type3A_712, %cond3A_713 : i32
      scf.if %cond3A_714 {
        %dma_wait3A_1290 = arith.constant 1440384 : i32
        %dma_wait3A_1291 = tpu.memref_slice %arg8[%dma_wait3A_1290] : memref<1441664xf32, #tpu.memory_space<vmem_shared>> -> memref<640xf32, #tpu.memory_space<vmem_shared>>
        %dma_wait3A_1292 = arith.constant 0 : i32
        %dma_wait3A_1293 = tpu.memref_slice %arg2[%add3A_694, %dma_wait3A_1292] : memref<64x1000000xf32, #tpu.memory_space<hbm>> -> memref<1x1000000xf32, #tpu.memory_space<hbm>>
        %dma_wait3A_1294 = tpu.memref_squeeze %dma_wait3A_1293 : memref<1x1000000xf32, #tpu.memory_space<hbm>> -> memref<1000000xf32, #tpu.memory_space<hbm>>
        %dma_wait3A_1295 = arith.constant 998784 : i32
        %dma_wait3A_1296 = tpu.memref_slice %dma_wait3A_1294[%dma_wait3A_1295] : memref<1000000xf32, #tpu.memory_space<hbm>> -> memref<640xf32, #tpu.memory_space<hbm>>
        tpu.wait_dma2 semaphore(%arg10 : memref<!tpu.dma_semaphore, #tpu.memory_space<semaphore_mem>>) src(%dma_wait3A_1296 : memref<640xf32, #tpu.memory_space<hbm>>) dst(%dma_wait3A_1291 : memref<640xf32, #tpu.memory_space<vmem_shared>>)
      } else {
      }
      %eq3A_715 = arith.constant 1 : i32
      %eq3A_716 = arith.cmpi eq, %arg1, %eq3A_715 : i32
      %convert_element_type3A_717 = arith.extui %eq3A_716 : i1 to i32
      %cond3A_718 = arith.constant 0 : i32
      %cond3A_719 = arith.cmpi ne, %convert_element_type3A_717, %cond3A_718 : i32
      scf.if %cond3A_719 {
        %dma_wait3A_1290 = arith.constant 1441024 : i32
        %dma_wait3A_1291 = tpu.memref_slice %arg8[%dma_wait3A_1290] : memref<1441664xf32, #tpu.memory_space<vmem_shared>> -> memref<512xf32, #tpu.memory_space<vmem_shared>>
        %dma_wait3A_1292 = arith.constant 0 : i32
        %dma_wait3A_1293 = tpu.memref_slice %arg2[%add3A_694, %dma_wait3A_1292] : memref<64x1000000xf32, #tpu.memory_space<hbm>> -> memref<1x1000000xf32, #tpu.memory_space<hbm>>
        %dma_wait3A_1294 = tpu.memref_squeeze %dma_wait3A_1293 : memref<1x1000000xf32, #tpu.memory_space<hbm>> -> memref<1000000xf32, #tpu.memory_space<hbm>>
        %dma_wait3A_1295 = arith.constant 999424 : i32
        %dma_wait3A_1296 = tpu.memref_slice %dma_wait3A_1294[%dma_wait3A_1295] : memref<1000000xf32, #tpu.memory_space<hbm>> -> memref<512xf32, #tpu.memory_space<hbm>>
        tpu.wait_dma2 semaphore(%arg10 : memref<!tpu.dma_semaphore, #tpu.memory_space<semaphore_mem>>) src(%dma_wait3A_1296 : memref<512xf32, #tpu.memory_space<hbm>>) dst(%dma_wait3A_1291 : memref<512xf32, #tpu.memory_space<vmem_shared>>)
      } else {
      }
      %eq3A_720 = arith.constant 2 : i32
      %eq3A_721 = arith.cmpi eq, %arg1, %eq3A_720 : i32
      %convert_element_type3A_722 = arith.extui %eq3A_721 : i1 to i32
      %cond3A_723 = arith.constant 0 : i32
      %cond3A_724 = arith.cmpi ne, %convert_element_type3A_722, %cond3A_723 : i32
      scf.if %cond3A_724 {
        %dma_wait3A_1290 = arith.constant 1441536 : i32
        %dma_wait3A_1291 = tpu.memref_slice %arg8[%dma_wait3A_1290] : memref<1441664xf32, #tpu.memory_space<vmem_shared>> -> memref<128xf32, #tpu.memory_space<vmem_shared>>
        %dma_wait3A_1292 = tpu.memref_slice %arg4[%mul3A_704] : memref<8192xf32, #tpu.memory_space<hbm>> -> memref<128xf32, #tpu.memory_space<hbm>>
        tpu.wait_dma2 semaphore(%arg10 : memref<!tpu.dma_semaphore, #tpu.memory_space<semaphore_mem>>) src(%dma_wait3A_1292 : memref<128xf32, #tpu.memory_space<hbm>>) dst(%dma_wait3A_1291 : memref<128xf32, #tpu.memory_space<vmem_shared>>)
      } else {
      }
      %mul3A_725 = arith.constant 34816 : i32
      %mul3A_726 = arith.muli %arg1, %mul3A_725 : i32
      %add3A_727 = arith.constant 0 : i32
      %add3A_728 = arith.addi %add3A_727, %mul3A_726 : i32
      %mul3A_729 = arith.constant 34816 : i32
      %mul3A_730 = arith.muli %arg1, %mul3A_729 : i32
      %add3A_731 = arith.constant 441600 : i32
      %add3A_732 = arith.addi %add3A_731, %mul3A_730 : i32
      %dma_wait3A_733 = tpu.memref_slice %arg8[%add3A_732] : memref<1441664xf32, #tpu.memory_space<vmem_shared>> -> memref<34816xf32, #tpu.memory_space<vmem_shared>>
      %dma_wait3A_734 = arith.constant 0 : i32
      %dma_wait3A_735 = tpu.memref_slice %arg2[%add3A_694, %dma_wait3A_734] : memref<64x1000000xf32, #tpu.memory_space<hbm>> -> memref<1x1000000xf32, #tpu.memory_space<hbm>>
      %dma_wait3A_736 = tpu.memref_squeeze %dma_wait3A_735 : memref<1x1000000xf32, #tpu.memory_space<hbm>> -> memref<1000000xf32, #tpu.memory_space<hbm>>
      %dma_wait3A_737 = tpu.memref_slice %dma_wait3A_736[%add3A_728] : memref<1000000xf32, #tpu.memory_space<hbm>> -> memref<34816xf32, #tpu.memory_space<hbm>>
      tpu.wait_dma2 semaphore(%arg10 : memref<!tpu.dma_semaphore, #tpu.memory_space<semaphore_mem>>) src(%dma_wait3A_737 : memref<34816xf32, #tpu.memory_space<hbm>>) dst(%dma_wait3A_733 : memref<34816xf32, #tpu.memory_space<vmem_shared>>)
      %eq3A_738 = arith.constant 0 : i32
      %eq3A_739 = arith.cmpi eq, %arg1, %eq3A_738 : i32
      %convert_element_type3A_740 = arith.extui %eq3A_739 : i1 to i32
      %cond3A_741 = arith.constant 0 : i32
      %cond3A_742 = arith.cmpi ne, %convert_element_type3A_740, %cond3A_741 : i32
      scf.if %cond3A_742 {
        %dma_wait3A_1290 = arith.constant 998656 : i32
        %dma_wait3A_1291 = tpu.memref_slice %arg8[%dma_wait3A_1290] : memref<1441664xf32, #tpu.memory_space<vmem_shared>> -> memref<1408xf32, #tpu.memory_space<vmem_shared>>
        %dma_wait3A_1292 = arith.constant 0 : i32
        %dma_wait3A_1293 = tpu.memref_slice %arg2[%add3A_694, %dma_wait3A_1292] : memref<64x1000000xf32, #tpu.memory_space<hbm>> -> memref<1x1000000xf32, #tpu.memory_space<hbm>>
        %dma_wait3A_1294 = tpu.memref_squeeze %dma_wait3A_1293 : memref<1x1000000xf32, #tpu.memory_space<hbm>> -> memref<1000000xf32, #tpu.memory_space<hbm>>
        %dma_wait3A_1295 = arith.constant 557056 : i32
        %dma_wait3A_1296 = tpu.memref_slice %dma_wait3A_1294[%dma_wait3A_1295] : memref<1000000xf32, #tpu.memory_space<hbm>> -> memref<1408xf32, #tpu.memory_space<hbm>>
        tpu.wait_dma2 semaphore(%arg10 : memref<!tpu.dma_semaphore, #tpu.memory_space<semaphore_mem>>) src(%dma_wait3A_1296 : memref<1408xf32, #tpu.memory_space<hbm>>) dst(%dma_wait3A_1291 : memref<1408xf32, #tpu.memory_space<vmem_shared>>)
      } else {
      }
      %barrier3A = arith.constant 0 : index
      tpu.barrier barrier_id(%barrier3A)
      %ge3A = arith.constant 1 : i32
      %ge3A_743 = arith.cmpi sge, %mul3A_693, %ge3A : i32
      %convert_element_type3A_744 = arith.extui %ge3A_743 : i1 to i32
      %cond3A_745 = arith.constant 0 : i32
      %cond3A_746 = arith.cmpi ne, %convert_element_type3A_744, %cond3A_745 : i32
      scf.if %cond3A_746 {
        %sub3A_1290 = arith.constant 1 : i32
        %sub3A_1291 = arith.subi %add3A_694, %sub3A_1290 : i32
        %mul3A_1292 = arith.constant 1024 : i32
        %mul3A_1293 = arith.muli %arg1, %mul3A_1292 : i32
        %dma_wait3A_1294 = arith.constant 0 : i32
        %dma_wait3A_1295 = arith.constant 0 : i32
        %dma_wait3A_1296 = tpu.memref_slice %arg7[%dma_wait3A_1295] : memref<20480xf32, #tpu.memory_space<vmem>> -> memref<1024xf32, #tpu.memory_space<vmem>>
        %dma_wait3A_1297 = tpu.memref_slice %arg5[%dma_wait3A_1294, %sub3A_1291, %mul3A_1293] : memref<20x64x16384xf32, #tpu.memory_space<hbm>> -> memref<1x1x1024xf32, #tpu.memory_space<hbm>>
        %dma_wait3A_1298 = tpu.memref_squeeze %dma_wait3A_1297 : memref<1x1x1024xf32, #tpu.memory_space<hbm>> -> memref<1024xf32, #tpu.memory_space<hbm>>
        %dma_wait3A_1299 = tpu.memref_slice %arg5[%dma_wait3A_1294, %sub3A_1291, %mul3A_1293] : memref<20x64x16384xf32, #tpu.memory_space<hbm>> -> memref<1x1x1024xf32, #tpu.memory_space<hbm>>
        %dma_wait3A_1300 = tpu.memref_squeeze %dma_wait3A_1299 : memref<1x1x1024xf32, #tpu.memory_space<hbm>> -> memref<1024xf32, #tpu.memory_space<hbm>>
        %dma_wait3A_1301 = arith.constant 0 : i32
        %dma_wait3A_1302 = tpu.memref_slice %arg7[%dma_wait3A_1301] : memref<20480xf32, #tpu.memory_space<vmem>> -> memref<1024xf32, #tpu.memory_space<vmem>>
        tpu.wait_dma2 semaphore(%arg13 : memref<!tpu.dma_semaphore, #tpu.memory_space<semaphore_mem>>) src(%dma_wait3A_1302 : memref<1024xf32, #tpu.memory_space<vmem>>) dst(%dma_wait3A_1300 : memref<1024xf32, #tpu.memory_space<hbm>>)
        %mul3A_1303 = arith.constant 1024 : i32
        %mul3A_1304 = arith.muli %arg1, %mul3A_1303 : i32
        %dma_wait3A_1305 = arith.constant 1 : i32
        %dma_wait3A_1306 = arith.constant 1024 : i32
        %dma_wait3A_1307 = tpu.memref_slice %arg7[%dma_wait3A_1306] : memref<20480xf32, #tpu.memory_space<vmem>> -> memref<1024xf32, #tpu.memory_space<vmem>>
        %dma_wait3A_1308 = tpu.memref_slice %arg5[%dma_wait3A_1305, %sub3A_1291, %mul3A_1304] : memref<20x64x16384xf32, #tpu.memory_space<hbm>> -> memref<1x1x1024xf32, #tpu.memory_space<hbm>>
        %dma_wait3A_1309 = tpu.memref_squeeze %dma_wait3A_1308 : memref<1x1x1024xf32, #tpu.memory_space<hbm>> -> memref<1024xf32, #tpu.memory_space<hbm>>
        %dma_wait3A_1310 = tpu.memref_slice %arg5[%dma_wait3A_1305, %sub3A_1291, %mul3A_1304] : memref<20x64x16384xf32, #tpu.memory_space<hbm>> -> memref<1x1x1024xf32, #tpu.memory_space<hbm>>
        %dma_wait3A_1311 = tpu.memref_squeeze %dma_wait3A_1310 : memref<1x1x1024xf32, #tpu.memory_space<hbm>> -> memref<1024xf32, #tpu.memory_space<hbm>>
        %dma_wait3A_1312 = arith.constant 1024 : i32
        %dma_wait3A_1313 = tpu.memref_slice %arg7[%dma_wait3A_1312] : memref<20480xf32, #tpu.memory_space<vmem>> -> memref<1024xf32, #tpu.memory_space<vmem>>
        tpu.wait_dma2 semaphore(%arg13 : memref<!tpu.dma_semaphore, #tpu.memory_space<semaphore_mem>>) src(%dma_wait3A_1313 : memref<1024xf32, #tpu.memory_space<vmem>>) dst(%dma_wait3A_1311 : memref<1024xf32, #tpu.memory_space<hbm>>)
        %mul3A_1314 = arith.constant 1024 : i32
        %mul3A_1315 = arith.muli %arg1, %mul3A_1314 : i32
        %dma_wait3A_1316 = arith.constant 2 : i32
        %dma_wait3A_1317 = arith.constant 2048 : i32
        %dma_wait3A_1318 = tpu.memref_slice %arg7[%dma_wait3A_1317] : memref<20480xf32, #tpu.memory_space<vmem>> -> memref<1024xf32, #tpu.memory_space<vmem>>
        %dma_wait3A_1319 = tpu.memref_slice %arg5[%dma_wait3A_1316, %sub3A_1291, %mul3A_1315] : memref<20x64x16384xf32, #tpu.memory_space<hbm>> -> memref<1x1x1024xf32, #tpu.memory_space<hbm>>
        %dma_wait3A_1320 = tpu.memref_squeeze %dma_wait3A_1319 : memref<1x1x1024xf32, #tpu.memory_space<hbm>> -> memref<1024xf32, #tpu.memory_space<hbm>>
        %dma_wait3A_1321 = tpu.memref_slice %arg5[%dma_wait3A_1316, %sub3A_1291, %mul3A_1315] : memref<20x64x16384xf32, #tpu.memory_space<hbm>> -> memref<1x1x1024xf32, #tpu.memory_space<hbm>>
        %dma_wait3A_1322 = tpu.memref_squeeze %dma_wait3A_1321 : memref<1x1x1024xf32, #tpu.memory_space<hbm>> -> memref<1024xf32, #tpu.memory_space<hbm>>
        %dma_wait3A_1323 = arith.constant 2048 : i32
        %dma_wait3A_1324 = tpu.memref_slice %arg7[%dma_wait3A_1323] : memref<20480xf32, #tpu.memory_space<vmem>> -> memref<1024xf32, #tpu.memory_space<vmem>>
        tpu.wait_dma2 semaphore(%arg13 : memref<!tpu.dma_semaphore, #tpu.memory_space<semaphore_mem>>) src(%dma_wait3A_1324 : memref<1024xf32, #tpu.memory_space<vmem>>) dst(%dma_wait3A_1322 : memref<1024xf32, #tpu.memory_space<hbm>>)
        %mul3A_1325 = arith.constant 1024 : i32
        %mul3A_1326 = arith.muli %arg1, %mul3A_1325 : i32
        %dma_wait3A_1327 = arith.constant 3 : i32
        %dma_wait3A_1328 = arith.constant 3072 : i32
        %dma_wait3A_1329 = tpu.memref_slice %arg7[%dma_wait3A_1328] : memref<20480xf32, #tpu.memory_space<vmem>> -> memref<1024xf32, #tpu.memory_space<vmem>>
        %dma_wait3A_1330 = tpu.memref_slice %arg5[%dma_wait3A_1327, %sub3A_1291, %mul3A_1326] : memref<20x64x16384xf32, #tpu.memory_space<hbm>> -> memref<1x1x1024xf32, #tpu.memory_space<hbm>>
        %dma_wait3A_1331 = tpu.memref_squeeze %dma_wait3A_1330 : memref<1x1x1024xf32, #tpu.memory_space<hbm>> -> memref<1024xf32, #tpu.memory_space<hbm>>
        %dma_wait3A_1332 = tpu.memref_slice %arg5[%dma_wait3A_1327, %sub3A_1291, %mul3A_1326] : memref<20x64x16384xf32, #tpu.memory_space<hbm>> -> memref<1x1x1024xf32, #tpu.memory_space<hbm>>
        %dma_wait3A_1333 = tpu.memref_squeeze %dma_wait3A_1332 : memref<1x1x1024xf32, #tpu.memory_space<hbm>> -> memref<1024xf32, #tpu.memory_space<hbm>>
        %dma_wait3A_1334 = arith.constant 3072 : i32
        %dma_wait3A_1335 = tpu.memref_slice %arg7[%dma_wait3A_1334] : memref<20480xf32, #tpu.memory_space<vmem>> -> memref<1024xf32, #tpu.memory_space<vmem>>
        tpu.wait_dma2 semaphore(%arg13 : memref<!tpu.dma_semaphore, #tpu.memory_space<semaphore_mem>>) src(%dma_wait3A_1335 : memref<1024xf32, #tpu.memory_space<vmem>>) dst(%dma_wait3A_1333 : memref<1024xf32, #tpu.memory_space<hbm>>)
        %mul3A_1336 = arith.constant 1024 : i32
        %mul3A_1337 = arith.muli %arg1, %mul3A_1336 : i32
        %dma_wait3A_1338 = arith.constant 4 : i32
        %dma_wait3A_1339 = arith.constant 4096 : i32
        %dma_wait3A_1340 = tpu.memref_slice %arg7[%dma_wait3A_1339] : memref<20480xf32, #tpu.memory_space<vmem>> -> memref<1024xf32, #tpu.memory_space<vmem>>
        %dma_wait3A_1341 = tpu.memref_slice %arg5[%dma_wait3A_1338, %sub3A_1291, %mul3A_1337] : memref<20x64x16384xf32, #tpu.memory_space<hbm>> -> memref<1x1x1024xf32, #tpu.memory_space<hbm>>
        %dma_wait3A_1342 = tpu.memref_squeeze %dma_wait3A_1341 : memref<1x1x1024xf32, #tpu.memory_space<hbm>> -> memref<1024xf32, #tpu.memory_space<hbm>>
        %dma_wait3A_1343 = tpu.memref_slice %arg5[%dma_wait3A_1338, %sub3A_1291, %mul3A_1337] : memref<20x64x16384xf32, #tpu.memory_space<hbm>> -> memref<1x1x1024xf32, #tpu.memory_space<hbm>>
        %dma_wait3A_1344 = tpu.memref_squeeze %dma_wait3A_1343 : memref<1x1x1024xf32, #tpu.memory_space<hbm>> -> memref<1024xf32, #tpu.memory_space<hbm>>
        %dma_wait3A_1345 = arith.constant 4096 : i32
        %dma_wait3A_1346 = tpu.memref_slice %arg7[%dma_wait3A_1345] : memref<20480xf32, #tpu.memory_space<vmem>> -> memref<1024xf32, #tpu.memory_space<vmem>>
        tpu.wait_dma2 semaphore(%arg13 : memref<!tpu.dma_semaphore, #tpu.memory_space<semaphore_mem>>) src(%dma_wait3A_1346 : memref<1024xf32, #tpu.memory_space<vmem>>) dst(%dma_wait3A_1344 : memref<1024xf32, #tpu.memory_space<hbm>>)
        %mul3A_1347 = arith.constant 1024 : i32
        %mul3A_1348 = arith.muli %arg1, %mul3A_1347 : i32
        %dma_wait3A_1349 = arith.constant 5 : i32
        %dma_wait3A_1350 = arith.constant 5120 : i32
        %dma_wait3A_1351 = tpu.memref_slice %arg7[%dma_wait3A_1350] : memref<20480xf32, #tpu.memory_space<vmem>> -> memref<1024xf32, #tpu.memory_space<vmem>>
        %dma_wait3A_1352 = tpu.memref_slice %arg5[%dma_wait3A_1349, %sub3A_1291, %mul3A_1348] : memref<20x64x16384xf32, #tpu.memory_space<hbm>> -> memref<1x1x1024xf32, #tpu.memory_space<hbm>>
        %dma_wait3A_1353 = tpu.memref_squeeze %dma_wait3A_1352 : memref<1x1x1024xf32, #tpu.memory_space<hbm>> -> memref<1024xf32, #tpu.memory_space<hbm>>
        %dma_wait3A_1354 = tpu.memref_slice %arg5[%dma_wait3A_1349, %sub3A_1291, %mul3A_1348] : memref<20x64x16384xf32, #tpu.memory_space<hbm>> -> memref<1x1x1024xf32, #tpu.memory_space<hbm>>
        %dma_wait3A_1355 = tpu.memref_squeeze %dma_wait3A_1354 : memref<1x1x1024xf32, #tpu.memory_space<hbm>> -> memref<1024xf32, #tpu.memory_space<hbm>>
        %dma_wait3A_1356 = arith.constant 5120 : i32
        %dma_wait3A_1357 = tpu.memref_slice %arg7[%dma_wait3A_1356] : memref<20480xf32, #tpu.memory_space<vmem>> -> memref<1024xf32, #tpu.memory_space<vmem>>
        tpu.wait_dma2 semaphore(%arg13 : memref<!tpu.dma_semaphore, #tpu.memory_space<semaphore_mem>>) src(%dma_wait3A_1357 : memref<1024xf32, #tpu.memory_space<vmem>>) dst(%dma_wait3A_1355 : memref<1024xf32, #tpu.memory_space<hbm>>)
        %mul3A_1358 = arith.constant 1024 : i32
        %mul3A_1359 = arith.muli %arg1, %mul3A_1358 : i32
        %dma_wait3A_1360 = arith.constant 6 : i32
        %dma_wait3A_1361 = arith.constant 6144 : i32
        %dma_wait3A_1362 = tpu.memref_slice %arg7[%dma_wait3A_1361] : memref<20480xf32, #tpu.memory_space<vmem>> -> memref<1024xf32, #tpu.memory_space<vmem>>
        %dma_wait3A_1363 = tpu.memref_slice %arg5[%dma_wait3A_1360, %sub3A_1291, %mul3A_1359] : memref<20x64x16384xf32, #tpu.memory_space<hbm>> -> memref<1x1x1024xf32, #tpu.memory_space<hbm>>
        %dma_wait3A_1364 = tpu.memref_squeeze %dma_wait3A_1363 : memref<1x1x1024xf32, #tpu.memory_space<hbm>> -> memref<1024xf32, #tpu.memory_space<hbm>>
        %dma_wait3A_1365 = tpu.memref_slice %arg5[%dma_wait3A_1360, %sub3A_1291, %mul3A_1359] : memref<20x64x16384xf32, #tpu.memory_space<hbm>> -> memref<1x1x1024xf32, #tpu.memory_space<hbm>>
        %dma_wait3A_1366 = tpu.memref_squeeze %dma_wait3A_1365 : memref<1x1x1024xf32, #tpu.memory_space<hbm>> -> memref<1024xf32, #tpu.memory_space<hbm>>
        %dma_wait3A_1367 = arith.constant 6144 : i32
        %dma_wait3A_1368 = tpu.memref_slice %arg7[%dma_wait3A_1367] : memref<20480xf32, #tpu.memory_space<vmem>> -> memref<1024xf32, #tpu.memory_space<vmem>>
        tpu.wait_dma2 semaphore(%arg13 : memref<!tpu.dma_semaphore, #tpu.memory_space<semaphore_mem>>) src(%dma_wait3A_1368 : memref<1024xf32, #tpu.memory_space<vmem>>) dst(%dma_wait3A_1366 : memref<1024xf32, #tpu.memory_space<hbm>>)
        %mul3A_1369 = arith.constant 1024 : i32
        %mul3A_1370 = arith.muli %arg1, %mul3A_1369 : i32
        %dma_wait3A_1371 = arith.constant 7 : i32
        %dma_wait3A_1372 = arith.constant 7168 : i32
        %dma_wait3A_1373 = tpu.memref_slice %arg7[%dma_wait3A_1372] : memref<20480xf32, #tpu.memory_space<vmem>> -> memref<1024xf32, #tpu.memory_space<vmem>>
        %dma_wait3A_1374 = tpu.memref_slice %arg5[%dma_wait3A_1371, %sub3A_1291, %mul3A_1370] : memref<20x64x16384xf32, #tpu.memory_space<hbm>> -> memref<1x1x1024xf32, #tpu.memory_space<hbm>>
        %dma_wait3A_1375 = tpu.memref_squeeze %dma_wait3A_1374 : memref<1x1x1024xf32, #tpu.memory_space<hbm>> -> memref<1024xf32, #tpu.memory_space<hbm>>
        %dma_wait3A_1376 = tpu.memref_slice %arg5[%dma_wait3A_1371, %sub3A_1291, %mul3A_1370] : memref<20x64x16384xf32, #tpu.memory_space<hbm>> -> memref<1x1x1024xf32, #tpu.memory_space<hbm>>
        %dma_wait3A_1377 = tpu.memref_squeeze %dma_wait3A_1376 : memref<1x1x1024xf32, #tpu.memory_space<hbm>> -> memref<1024xf32, #tpu.memory_space<hbm>>
        %dma_wait3A_1378 = arith.constant 7168 : i32
        %dma_wait3A_1379 = tpu.memref_slice %arg7[%dma_wait3A_1378] : memref<20480xf32, #tpu.memory_space<vmem>> -> memref<1024xf32, #tpu.memory_space<vmem>>
        tpu.wait_dma2 semaphore(%arg13 : memref<!tpu.dma_semaphore, #tpu.memory_space<semaphore_mem>>) src(%dma_wait3A_1379 : memref<1024xf32, #tpu.memory_space<vmem>>) dst(%dma_wait3A_1377 : memref<1024xf32, #tpu.memory_space<hbm>>)
        %mul3A_1380 = arith.constant 1024 : i32
        %mul3A_1381 = arith.muli %arg1, %mul3A_1380 : i32
        %dma_wait3A_1382 = arith.constant 8 : i32
        %dma_wait3A_1383 = arith.constant 8192 : i32
        %dma_wait3A_1384 = tpu.memref_slice %arg7[%dma_wait3A_1383] : memref<20480xf32, #tpu.memory_space<vmem>> -> memref<1024xf32, #tpu.memory_space<vmem>>
        %dma_wait3A_1385 = tpu.memref_slice %arg5[%dma_wait3A_1382, %sub3A_1291, %mul3A_1381] : memref<20x64x16384xf32, #tpu.memory_space<hbm>> -> memref<1x1x1024xf32, #tpu.memory_space<hbm>>
        %dma_wait3A_1386 = tpu.memref_squeeze %dma_wait3A_1385 : memref<1x1x1024xf32, #tpu.memory_space<hbm>> -> memref<1024xf32, #tpu.memory_space<hbm>>
        %dma_wait3A_1387 = tpu.memref_slice %arg5[%dma_wait3A_1382, %sub3A_1291, %mul3A_1381] : memref<20x64x16384xf32, #tpu.memory_space<hbm>> -> memref<1x1x1024xf32, #tpu.memory_space<hbm>>
        %dma_wait3A_1388 = tpu.memref_squeeze %dma_wait3A_1387 : memref<1x1x1024xf32, #tpu.memory_space<hbm>> -> memref<1024xf32, #tpu.memory_space<hbm>>
        %dma_wait3A_1389 = arith.constant 8192 : i32
        %dma_wait3A_1390 = tpu.memref_slice %arg7[%dma_wait3A_1389] : memref<20480xf32, #tpu.memory_space<vmem>> -> memref<1024xf32, #tpu.memory_space<vmem>>
        tpu.wait_dma2 semaphore(%arg13 : memref<!tpu.dma_semaphore, #tpu.memory_space<semaphore_mem>>) src(%dma_wait3A_1390 : memref<1024xf32, #tpu.memory_space<vmem>>) dst(%dma_wait3A_1388 : memref<1024xf32, #tpu.memory_space<hbm>>)
        %mul3A_1391 = arith.constant 1024 : i32
        %mul3A_1392 = arith.muli %arg1, %mul3A_1391 : i32
        %dma_wait3A_1393 = arith.constant 9 : i32
        %dma_wait3A_1394 = arith.constant 9216 : i32
        %dma_wait3A_1395 = tpu.memref_slice %arg7[%dma_wait3A_1394] : memref<20480xf32, #tpu.memory_space<vmem>> -> memref<1024xf32, #tpu.memory_space<vmem>>
        %dma_wait3A_1396 = tpu.memref_slice %arg5[%dma_wait3A_1393, %sub3A_1291, %mul3A_1392] : memref<20x64x16384xf32, #tpu.memory_space<hbm>> -> memref<1x1x1024xf32, #tpu.memory_space<hbm>>
        %dma_wait3A_1397 = tpu.memref_squeeze %dma_wait3A_1396 : memref<1x1x1024xf32, #tpu.memory_space<hbm>> -> memref<1024xf32, #tpu.memory_space<hbm>>
        %dma_wait3A_1398 = tpu.memref_slice %arg5[%dma_wait3A_1393, %sub3A_1291, %mul3A_1392] : memref<20x64x16384xf32, #tpu.memory_space<hbm>> -> memref<1x1x1024xf32, #tpu.memory_space<hbm>>
        %dma_wait3A_1399 = tpu.memref_squeeze %dma_wait3A_1398 : memref<1x1x1024xf32, #tpu.memory_space<hbm>> -> memref<1024xf32, #tpu.memory_space<hbm>>
        %dma_wait3A_1400 = arith.constant 9216 : i32
        %dma_wait3A_1401 = tpu.memref_slice %arg7[%dma_wait3A_1400] : memref<20480xf32, #tpu.memory_space<vmem>> -> memref<1024xf32, #tpu.memory_space<vmem>>
        tpu.wait_dma2 semaphore(%arg13 : memref<!tpu.dma_semaphore, #tpu.memory_space<semaphore_mem>>) src(%dma_wait3A_1401 : memref<1024xf32, #tpu.memory_space<vmem>>) dst(%dma_wait3A_1399 : memref<1024xf32, #tpu.memory_space<hbm>>)
        %mul3A_1402 = arith.constant 1024 : i32
        %mul3A_1403 = arith.muli %arg1, %mul3A_1402 : i32
        %dma_wait3A_1404 = arith.constant 10 : i32
        %dma_wait3A_1405 = arith.constant 10240 : i32
        %dma_wait3A_1406 = tpu.memref_slice %arg7[%dma_wait3A_1405] : memref<20480xf32, #tpu.memory_space<vmem>> -> memref<1024xf32, #tpu.memory_space<vmem>>
        %dma_wait3A_1407 = tpu.memref_slice %arg5[%dma_wait3A_1404, %sub3A_1291, %mul3A_1403] : memref<20x64x16384xf32, #tpu.memory_space<hbm>> -> memref<1x1x1024xf32, #tpu.memory_space<hbm>>
        %dma_wait3A_1408 = tpu.memref_squeeze %dma_wait3A_1407 : memref<1x1x1024xf32, #tpu.memory_space<hbm>> -> memref<1024xf32, #tpu.memory_space<hbm>>
        %dma_wait3A_1409 = tpu.memref_slice %arg5[%dma_wait3A_1404, %sub3A_1291, %mul3A_1403] : memref<20x64x16384xf32, #tpu.memory_space<hbm>> -> memref<1x1x1024xf32, #tpu.memory_space<hbm>>
        %dma_wait3A_1410 = tpu.memref_squeeze %dma_wait3A_1409 : memref<1x1x1024xf32, #tpu.memory_space<hbm>> -> memref<1024xf32, #tpu.memory_space<hbm>>
        %dma_wait3A_1411 = arith.constant 10240 : i32
        %dma_wait3A_1412 = tpu.memref_slice %arg7[%dma_wait3A_1411] : memref<20480xf32, #tpu.memory_space<vmem>> -> memref<1024xf32, #tpu.memory_space<vmem>>
        tpu.wait_dma2 semaphore(%arg13 : memref<!tpu.dma_semaphore, #tpu.memory_space<semaphore_mem>>) src(%dma_wait3A_1412 : memref<1024xf32, #tpu.memory_space<vmem>>) dst(%dma_wait3A_1410 : memref<1024xf32, #tpu.memory_space<hbm>>)
        %mul3A_1413 = arith.constant 1024 : i32
        %mul3A_1414 = arith.muli %arg1, %mul3A_1413 : i32
        %dma_wait3A_1415 = arith.constant 11 : i32
        %dma_wait3A_1416 = arith.constant 11264 : i32
        %dma_wait3A_1417 = tpu.memref_slice %arg7[%dma_wait3A_1416] : memref<20480xf32, #tpu.memory_space<vmem>> -> memref<1024xf32, #tpu.memory_space<vmem>>
        %dma_wait3A_1418 = tpu.memref_slice %arg5[%dma_wait3A_1415, %sub3A_1291, %mul3A_1414] : memref<20x64x16384xf32, #tpu.memory_space<hbm>> -> memref<1x1x1024xf32, #tpu.memory_space<hbm>>
        %dma_wait3A_1419 = tpu.memref_squeeze %dma_wait3A_1418 : memref<1x1x1024xf32, #tpu.memory_space<hbm>> -> memref<1024xf32, #tpu.memory_space<hbm>>
        %dma_wait3A_1420 = tpu.memref_slice %arg5[%dma_wait3A_1415, %sub3A_1291, %mul3A_1414] : memref<20x64x16384xf32, #tpu.memory_space<hbm>> -> memref<1x1x1024xf32, #tpu.memory_space<hbm>>
        %dma_wait3A_1421 = tpu.memref_squeeze %dma_wait3A_1420 : memref<1x1x1024xf32, #tpu.memory_space<hbm>> -> memref<1024xf32, #tpu.memory_space<hbm>>
        %dma_wait3A_1422 = arith.constant 11264 : i32
        %dma_wait3A_1423 = tpu.memref_slice %arg7[%dma_wait3A_1422] : memref<20480xf32, #tpu.memory_space<vmem>> -> memref<1024xf32, #tpu.memory_space<vmem>>
        tpu.wait_dma2 semaphore(%arg13 : memref<!tpu.dma_semaphore, #tpu.memory_space<semaphore_mem>>) src(%dma_wait3A_1423 : memref<1024xf32, #tpu.memory_space<vmem>>) dst(%dma_wait3A_1421 : memref<1024xf32, #tpu.memory_space<hbm>>)
        %mul3A_1424 = arith.constant 1024 : i32
        %mul3A_1425 = arith.muli %arg1, %mul3A_1424 : i32
        %dma_wait3A_1426 = arith.constant 12 : i32
        %dma_wait3A_1427 = arith.constant 12288 : i32
        %dma_wait3A_1428 = tpu.memref_slice %arg7[%dma_wait3A_1427] : memref<20480xf32, #tpu.memory_space<vmem>> -> memref<1024xf32, #tpu.memory_space<vmem>>
        %dma_wait3A_1429 = tpu.memref_slice %arg5[%dma_wait3A_1426, %sub3A_1291, %mul3A_1425] : memref<20x64x16384xf32, #tpu.memory_space<hbm>> -> memref<1x1x1024xf32, #tpu.memory_space<hbm>>
        %dma_wait3A_1430 = tpu.memref_squeeze %dma_wait3A_1429 : memref<1x1x1024xf32, #tpu.memory_space<hbm>> -> memref<1024xf32, #tpu.memory_space<hbm>>
        %dma_wait3A_1431 = tpu.memref_slice %arg5[%dma_wait3A_1426, %sub3A_1291, %mul3A_1425] : memref<20x64x16384xf32, #tpu.memory_space<hbm>> -> memref<1x1x1024xf32, #tpu.memory_space<hbm>>
        %dma_wait3A_1432 = tpu.memref_squeeze %dma_wait3A_1431 : memref<1x1x1024xf32, #tpu.memory_space<hbm>> -> memref<1024xf32, #tpu.memory_space<hbm>>
        %dma_wait3A_1433 = arith.constant 12288 : i32
        %dma_wait3A_1434 = tpu.memref_slice %arg7[%dma_wait3A_1433] : memref<20480xf32, #tpu.memory_space<vmem>> -> memref<1024xf32, #tpu.memory_space<vmem>>
        tpu.wait_dma2 semaphore(%arg13 : memref<!tpu.dma_semaphore, #tpu.memory_space<semaphore_mem>>) src(%dma_wait3A_1434 : memref<1024xf32, #tpu.memory_space<vmem>>) dst(%dma_wait3A_1432 : memref<1024xf32, #tpu.memory_space<hbm>>)
        %mul3A_1435 = arith.constant 1024 : i32
        %mul3A_1436 = arith.muli %arg1, %mul3A_1435 : i32
        %dma_wait3A_1437 = arith.constant 13 : i32
        %dma_wait3A_1438 = arith.constant 13312 : i32
        %dma_wait3A_1439 = tpu.memref_slice %arg7[%dma_wait3A_1438] : memref<20480xf32, #tpu.memory_space<vmem>> -> memref<1024xf32, #tpu.memory_space<vmem>>
        %dma_wait3A_1440 = tpu.memref_slice %arg5[%dma_wait3A_1437, %sub3A_1291, %mul3A_1436] : memref<20x64x16384xf32, #tpu.memory_space<hbm>> -> memref<1x1x1024xf32, #tpu.memory_space<hbm>>
        %dma_wait3A_1441 = tpu.memref_squeeze %dma_wait3A_1440 : memref<1x1x1024xf32, #tpu.memory_space<hbm>> -> memref<1024xf32, #tpu.memory_space<hbm>>
        %dma_wait3A_1442 = tpu.memref_slice %arg5[%dma_wait3A_1437, %sub3A_1291, %mul3A_1436] : memref<20x64x16384xf32, #tpu.memory_space<hbm>> -> memref<1x1x1024xf32, #tpu.memory_space<hbm>>
        %dma_wait3A_1443 = tpu.memref_squeeze %dma_wait3A_1442 : memref<1x1x1024xf32, #tpu.memory_space<hbm>> -> memref<1024xf32, #tpu.memory_space<hbm>>
        %dma_wait3A_1444 = arith.constant 13312 : i32
        %dma_wait3A_1445 = tpu.memref_slice %arg7[%dma_wait3A_1444] : memref<20480xf32, #tpu.memory_space<vmem>> -> memref<1024xf32, #tpu.memory_space<vmem>>
        tpu.wait_dma2 semaphore(%arg13 : memref<!tpu.dma_semaphore, #tpu.memory_space<semaphore_mem>>) src(%dma_wait3A_1445 : memref<1024xf32, #tpu.memory_space<vmem>>) dst(%dma_wait3A_1443 : memref<1024xf32, #tpu.memory_space<hbm>>)
        %mul3A_1446 = arith.constant 1024 : i32
        %mul3A_1447 = arith.muli %arg1, %mul3A_1446 : i32
        %dma_wait3A_1448 = arith.constant 14 : i32
        %dma_wait3A_1449 = arith.constant 14336 : i32
        %dma_wait3A_1450 = tpu.memref_slice %arg7[%dma_wait3A_1449] : memref<20480xf32, #tpu.memory_space<vmem>> -> memref<1024xf32, #tpu.memory_space<vmem>>
        %dma_wait3A_1451 = tpu.memref_slice %arg5[%dma_wait3A_1448, %sub3A_1291, %mul3A_1447] : memref<20x64x16384xf32, #tpu.memory_space<hbm>> -> memref<1x1x1024xf32, #tpu.memory_space<hbm>>
        %dma_wait3A_1452 = tpu.memref_squeeze %dma_wait3A_1451 : memref<1x1x1024xf32, #tpu.memory_space<hbm>> -> memref<1024xf32, #tpu.memory_space<hbm>>
        %dma_wait3A_1453 = tpu.memref_slice %arg5[%dma_wait3A_1448, %sub3A_1291, %mul3A_1447] : memref<20x64x16384xf32, #tpu.memory_space<hbm>> -> memref<1x1x1024xf32, #tpu.memory_space<hbm>>
        %dma_wait3A_1454 = tpu.memref_squeeze %dma_wait3A_1453 : memref<1x1x1024xf32, #tpu.memory_space<hbm>> -> memref<1024xf32, #tpu.memory_space<hbm>>
        %dma_wait3A_1455 = arith.constant 14336 : i32
        %dma_wait3A_1456 = tpu.memref_slice %arg7[%dma_wait3A_1455] : memref<20480xf32, #tpu.memory_space<vmem>> -> memref<1024xf32, #tpu.memory_space<vmem>>
        tpu.wait_dma2 semaphore(%arg13 : memref<!tpu.dma_semaphore, #tpu.memory_space<semaphore_mem>>) src(%dma_wait3A_1456 : memref<1024xf32, #tpu.memory_space<vmem>>) dst(%dma_wait3A_1454 : memref<1024xf32, #tpu.memory_space<hbm>>)
        %mul3A_1457 = arith.constant 1024 : i32
        %mul3A_1458 = arith.muli %arg1, %mul3A_1457 : i32
        %dma_wait3A_1459 = arith.constant 15 : i32
        %dma_wait3A_1460 = arith.constant 15360 : i32
        %dma_wait3A_1461 = tpu.memref_slice %arg7[%dma_wait3A_1460] : memref<20480xf32, #tpu.memory_space<vmem>> -> memref<1024xf32, #tpu.memory_space<vmem>>
        %dma_wait3A_1462 = tpu.memref_slice %arg5[%dma_wait3A_1459, %sub3A_1291, %mul3A_1458] : memref<20x64x16384xf32, #tpu.memory_space<hbm>> -> memref<1x1x1024xf32, #tpu.memory_space<hbm>>
        %dma_wait3A_1463 = tpu.memref_squeeze %dma_wait3A_1462 : memref<1x1x1024xf32, #tpu.memory_space<hbm>> -> memref<1024xf32, #tpu.memory_space<hbm>>
        %dma_wait3A_1464 = tpu.memref_slice %arg5[%dma_wait3A_1459, %sub3A_1291, %mul3A_1458] : memref<20x64x16384xf32, #tpu.memory_space<hbm>> -> memref<1x1x1024xf32, #tpu.memory_space<hbm>>
        %dma_wait3A_1465 = tpu.memref_squeeze %dma_wait3A_1464 : memref<1x1x1024xf32, #tpu.memory_space<hbm>> -> memref<1024xf32, #tpu.memory_space<hbm>>
        %dma_wait3A_1466 = arith.constant 15360 : i32
        %dma_wait3A_1467 = tpu.memref_slice %arg7[%dma_wait3A_1466] : memref<20480xf32, #tpu.memory_space<vmem>> -> memref<1024xf32, #tpu.memory_space<vmem>>
        tpu.wait_dma2 semaphore(%arg13 : memref<!tpu.dma_semaphore, #tpu.memory_space<semaphore_mem>>) src(%dma_wait3A_1467 : memref<1024xf32, #tpu.memory_space<vmem>>) dst(%dma_wait3A_1465 : memref<1024xf32, #tpu.memory_space<hbm>>)
        %mul3A_1468 = arith.constant 1024 : i32
        %mul3A_1469 = arith.muli %arg1, %mul3A_1468 : i32
        %dma_wait3A_1470 = arith.constant 16 : i32
        %dma_wait3A_1471 = arith.constant 16384 : i32
        %dma_wait3A_1472 = tpu.memref_slice %arg7[%dma_wait3A_1471] : memref<20480xf32, #tpu.memory_space<vmem>> -> memref<1024xf32, #tpu.memory_space<vmem>>
        %dma_wait3A_1473 = tpu.memref_slice %arg5[%dma_wait3A_1470, %sub3A_1291, %mul3A_1469] : memref<20x64x16384xf32, #tpu.memory_space<hbm>> -> memref<1x1x1024xf32, #tpu.memory_space<hbm>>
        %dma_wait3A_1474 = tpu.memref_squeeze %dma_wait3A_1473 : memref<1x1x1024xf32, #tpu.memory_space<hbm>> -> memref<1024xf32, #tpu.memory_space<hbm>>
        %dma_wait3A_1475 = tpu.memref_slice %arg5[%dma_wait3A_1470, %sub3A_1291, %mul3A_1469] : memref<20x64x16384xf32, #tpu.memory_space<hbm>> -> memref<1x1x1024xf32, #tpu.memory_space<hbm>>
        %dma_wait3A_1476 = tpu.memref_squeeze %dma_wait3A_1475 : memref<1x1x1024xf32, #tpu.memory_space<hbm>> -> memref<1024xf32, #tpu.memory_space<hbm>>
        %dma_wait3A_1477 = arith.constant 16384 : i32
        %dma_wait3A_1478 = tpu.memref_slice %arg7[%dma_wait3A_1477] : memref<20480xf32, #tpu.memory_space<vmem>> -> memref<1024xf32, #tpu.memory_space<vmem>>
        tpu.wait_dma2 semaphore(%arg13 : memref<!tpu.dma_semaphore, #tpu.memory_space<semaphore_mem>>) src(%dma_wait3A_1478 : memref<1024xf32, #tpu.memory_space<vmem>>) dst(%dma_wait3A_1476 : memref<1024xf32, #tpu.memory_space<hbm>>)
        %mul3A_1479 = arith.constant 1024 : i32
        %mul3A_1480 = arith.muli %arg1, %mul3A_1479 : i32
        %dma_wait3A_1481 = arith.constant 17 : i32
        %dma_wait3A_1482 = arith.constant 17408 : i32
        %dma_wait3A_1483 = tpu.memref_slice %arg7[%dma_wait3A_1482] : memref<20480xf32, #tpu.memory_space<vmem>> -> memref<1024xf32, #tpu.memory_space<vmem>>
        %dma_wait3A_1484 = tpu.memref_slice %arg5[%dma_wait3A_1481, %sub3A_1291, %mul3A_1480] : memref<20x64x16384xf32, #tpu.memory_space<hbm>> -> memref<1x1x1024xf32, #tpu.memory_space<hbm>>
        %dma_wait3A_1485 = tpu.memref_squeeze %dma_wait3A_1484 : memref<1x1x1024xf32, #tpu.memory_space<hbm>> -> memref<1024xf32, #tpu.memory_space<hbm>>
        %dma_wait3A_1486 = tpu.memref_slice %arg5[%dma_wait3A_1481, %sub3A_1291, %mul3A_1480] : memref<20x64x16384xf32, #tpu.memory_space<hbm>> -> memref<1x1x1024xf32, #tpu.memory_space<hbm>>
        %dma_wait3A_1487 = tpu.memref_squeeze %dma_wait3A_1486 : memref<1x1x1024xf32, #tpu.memory_space<hbm>> -> memref<1024xf32, #tpu.memory_space<hbm>>
        %dma_wait3A_1488 = arith.constant 17408 : i32
        %dma_wait3A_1489 = tpu.memref_slice %arg7[%dma_wait3A_1488] : memref<20480xf32, #tpu.memory_space<vmem>> -> memref<1024xf32, #tpu.memory_space<vmem>>
        tpu.wait_dma2 semaphore(%arg13 : memref<!tpu.dma_semaphore, #tpu.memory_space<semaphore_mem>>) src(%dma_wait3A_1489 : memref<1024xf32, #tpu.memory_space<vmem>>) dst(%dma_wait3A_1487 : memref<1024xf32, #tpu.memory_space<hbm>>)
        %mul3A_1490 = arith.constant 1024 : i32
        %mul3A_1491 = arith.muli %arg1, %mul3A_1490 : i32
        %dma_wait3A_1492 = arith.constant 18 : i32
        %dma_wait3A_1493 = arith.constant 18432 : i32
        %dma_wait3A_1494 = tpu.memref_slice %arg7[%dma_wait3A_1493] : memref<20480xf32, #tpu.memory_space<vmem>> -> memref<1024xf32, #tpu.memory_space<vmem>>
        %dma_wait3A_1495 = tpu.memref_slice %arg5[%dma_wait3A_1492, %sub3A_1291, %mul3A_1491] : memref<20x64x16384xf32, #tpu.memory_space<hbm>> -> memref<1x1x1024xf32, #tpu.memory_space<hbm>>
        %dma_wait3A_1496 = tpu.memref_squeeze %dma_wait3A_1495 : memref<1x1x1024xf32, #tpu.memory_space<hbm>> -> memref<1024xf32, #tpu.memory_space<hbm>>
        %dma_wait3A_1497 = tpu.memref_slice %arg5[%dma_wait3A_1492, %sub3A_1291, %mul3A_1491] : memref<20x64x16384xf32, #tpu.memory_space<hbm>> -> memref<1x1x1024xf32, #tpu.memory_space<hbm>>
        %dma_wait3A_1498 = tpu.memref_squeeze %dma_wait3A_1497 : memref<1x1x1024xf32, #tpu.memory_space<hbm>> -> memref<1024xf32, #tpu.memory_space<hbm>>
        %dma_wait3A_1499 = arith.constant 18432 : i32
        %dma_wait3A_1500 = tpu.memref_slice %arg7[%dma_wait3A_1499] : memref<20480xf32, #tpu.memory_space<vmem>> -> memref<1024xf32, #tpu.memory_space<vmem>>
        tpu.wait_dma2 semaphore(%arg13 : memref<!tpu.dma_semaphore, #tpu.memory_space<semaphore_mem>>) src(%dma_wait3A_1500 : memref<1024xf32, #tpu.memory_space<vmem>>) dst(%dma_wait3A_1498 : memref<1024xf32, #tpu.memory_space<hbm>>)
        %mul3A_1501 = arith.constant 1024 : i32
        %mul3A_1502 = arith.muli %arg1, %mul3A_1501 : i32
        %dma_wait3A_1503 = arith.constant 19 : i32
        %dma_wait3A_1504 = arith.constant 19456 : i32
        %dma_wait3A_1505 = tpu.memref_slice %arg7[%dma_wait3A_1504] : memref<20480xf32, #tpu.memory_space<vmem>> -> memref<1024xf32, #tpu.memory_space<vmem>>
        %dma_wait3A_1506 = tpu.memref_slice %arg5[%dma_wait3A_1503, %sub3A_1291, %mul3A_1502] : memref<20x64x16384xf32, #tpu.memory_space<hbm>> -> memref<1x1x1024xf32, #tpu.memory_space<hbm>>
        %dma_wait3A_1507 = tpu.memref_squeeze %dma_wait3A_1506 : memref<1x1x1024xf32, #tpu.memory_space<hbm>> -> memref<1024xf32, #tpu.memory_space<hbm>>
        %dma_wait3A_1508 = tpu.memref_slice %arg5[%dma_wait3A_1503, %sub3A_1291, %mul3A_1502] : memref<20x64x16384xf32, #tpu.memory_space<hbm>> -> memref<1x1x1024xf32, #tpu.memory_space<hbm>>
        %dma_wait3A_1509 = tpu.memref_squeeze %dma_wait3A_1508 : memref<1x1x1024xf32, #tpu.memory_space<hbm>> -> memref<1024xf32, #tpu.memory_space<hbm>>
        %dma_wait3A_1510 = arith.constant 19456 : i32
        %dma_wait3A_1511 = tpu.memref_slice %arg7[%dma_wait3A_1510] : memref<20480xf32, #tpu.memory_space<vmem>> -> memref<1024xf32, #tpu.memory_space<vmem>>
        tpu.wait_dma2 semaphore(%arg13 : memref<!tpu.dma_semaphore, #tpu.memory_space<semaphore_mem>>) src(%dma_wait3A_1511 : memref<1024xf32, #tpu.memory_space<vmem>>) dst(%dma_wait3A_1509 : memref<1024xf32, #tpu.memory_space<hbm>>)
      } else {
      }
      %dma_start3A_747 = arith.constant 441600 : i32
      %dma_start3A_748 = tpu.memref_slice %arg8[%dma_start3A_747] : memref<1441664xf32, #tpu.memory_space<vmem_shared>> -> memref<1000064xf32, #tpu.memory_space<vmem_shared>>
      %dma_start3A_749 = arith.constant 0 : i32
      %dma_start3A_750 = tpu.memref_slice %dma_start3A_748[%dma_start3A_749] : memref<1000064xf32, #tpu.memory_space<vmem_shared>> -> memref<1000064xf32, #tpu.memory_space<vmem_shared>>
      tpu.enqueue_indirect_dma source(%dma_start3A_750 : memref<1000064xf32, #tpu.memory_space<vmem_shared>>) target(%arg7 : memref<20480xf32, #tpu.memory_space<vmem>>) offsets(%arg6 : memref<20480xi32, #tpu.memory_space<vmem>>) semaphore(%arg12 : memref<!tpu.dma_semaphore, #tpu.memory_space<semaphore_mem>>)
      %dma_wait3A_751 = arith.constant 441600 : i32
      %dma_wait3A_752 = tpu.memref_slice %arg8[%dma_wait3A_751] : memref<1441664xf32, #tpu.memory_space<vmem_shared>> -> memref<1000064xf32, #tpu.memory_space<vmem_shared>>
      %dma_wait3A_753 = arith.constant 0 : i32
      %dma_wait3A_754 = tpu.memref_slice %dma_wait3A_752[%dma_wait3A_753] : memref<1000064xf32, #tpu.memory_space<vmem_shared>> -> memref<1000064xf32, #tpu.memory_space<vmem_shared>>
      tpu.wait_indirect_dma semaphore(%arg12 : memref<!tpu.dma_semaphore, #tpu.memory_space<semaphore_mem>>) src(%dma_wait3A_754 : memref<1000064xf32, #tpu.memory_space<vmem_shared>>) dst(%arg7 : memref<20480xf32, #tpu.memory_space<vmem>>)
      %mul3A_755 = arith.constant 1024 : i32
      %mul3A_756 = arith.muli %arg1, %mul3A_755 : i32
      %dma_start3A_757 = arith.constant 0 : i32
      %dma_start3A_758 = arith.constant 0 : i32
      %dma_start3A_759 = tpu.memref_slice %arg7[%dma_start3A_758] : memref<20480xf32, #tpu.memory_space<vmem>> -> memref<1024xf32, #tpu.memory_space<vmem>>
      %dma_start3A_760 = tpu.memref_slice %arg5[%dma_start3A_757, %add3A_694, %mul3A_756] : memref<20x64x16384xf32, #tpu.memory_space<hbm>> -> memref<1x1x1024xf32, #tpu.memory_space<hbm>>
      %dma_start3A_761 = tpu.memref_squeeze %dma_start3A_760 : memref<1x1x1024xf32, #tpu.memory_space<hbm>> -> memref<1024xf32, #tpu.memory_space<hbm>>
      %dma_start3A_762 = tpu.memref_slice %arg5[%dma_start3A_757, %add3A_694, %mul3A_756] : memref<20x64x16384xf32, #tpu.memory_space<hbm>> -> memref<1x1x1024xf32, #tpu.memory_space<hbm>>
      %dma_start3A_763 = tpu.memref_squeeze %dma_start3A_762 : memref<1x1x1024xf32, #tpu.memory_space<hbm>> -> memref<1024xf32, #tpu.memory_space<hbm>>
      %dma_start3A_764 = arith.constant 0 : i32
      %dma_start3A_765 = tpu.memref_slice %arg7[%dma_start3A_764] : memref<20480xf32, #tpu.memory_space<vmem>> -> memref<1024xf32, #tpu.memory_space<vmem>>
      tpu.enqueue_dma source(%dma_start3A_765 : memref<1024xf32, #tpu.memory_space<vmem>>) target(%dma_start3A_763 : memref<1024xf32, #tpu.memory_space<hbm>>) target_semaphore(%arg13 : memref<!tpu.dma_semaphore, #tpu.memory_space<semaphore_mem>>)
      %mul3A_766 = arith.constant 1024 : i32
      %mul3A_767 = arith.muli %arg1, %mul3A_766 : i32
      %dma_start3A_768 = arith.constant 1 : i32
      %dma_start3A_769 = arith.constant 1024 : i32
      %dma_start3A_770 = tpu.memref_slice %arg7[%dma_start3A_769] : memref<20480xf32, #tpu.memory_space<vmem>> -> memref<1024xf32, #tpu.memory_space<vmem>>
      %dma_start3A_771 = tpu.memref_slice %arg5[%dma_start3A_768, %add3A_694, %mul3A_767] : memref<20x64x16384xf32, #tpu.memory_space<hbm>> -> memref<1x1x1024xf32, #tpu.memory_space<hbm>>
      %dma_start3A_772 = tpu.memref_squeeze %dma_start3A_771 : memref<1x1x1024xf32, #tpu.memory_space<hbm>> -> memref<1024xf32, #tpu.memory_space<hbm>>
      %dma_start3A_773 = tpu.memref_slice %arg5[%dma_start3A_768, %add3A_694, %mul3A_767] : memref<20x64x16384xf32, #tpu.memory_space<hbm>> -> memref<1x1x1024xf32, #tpu.memory_space<hbm>>
      %dma_start3A_774 = tpu.memref_squeeze %dma_start3A_773 : memref<1x1x1024xf32, #tpu.memory_space<hbm>> -> memref<1024xf32, #tpu.memory_space<hbm>>
      %dma_start3A_775 = arith.constant 1024 : i32
      %dma_start3A_776 = tpu.memref_slice %arg7[%dma_start3A_775] : memref<20480xf32, #tpu.memory_space<vmem>> -> memref<1024xf32, #tpu.memory_space<vmem>>
      tpu.enqueue_dma source(%dma_start3A_776 : memref<1024xf32, #tpu.memory_space<vmem>>) target(%dma_start3A_774 : memref<1024xf32, #tpu.memory_space<hbm>>) target_semaphore(%arg13 : memref<!tpu.dma_semaphore, #tpu.memory_space<semaphore_mem>>)
      %mul3A_777 = arith.constant 1024 : i32
      %mul3A_778 = arith.muli %arg1, %mul3A_777 : i32
      %dma_start3A_779 = arith.constant 2 : i32
      %dma_start3A_780 = arith.constant 2048 : i32
      %dma_start3A_781 = tpu.memref_slice %arg7[%dma_start3A_780] : memref<20480xf32, #tpu.memory_space<vmem>> -> memref<1024xf32, #tpu.memory_space<vmem>>
      %dma_start3A_782 = tpu.memref_slice %arg5[%dma_start3A_779, %add3A_694, %mul3A_778] : memref<20x64x16384xf32, #tpu.memory_space<hbm>> -> memref<1x1x1024xf32, #tpu.memory_space<hbm>>
      %dma_start3A_783 = tpu.memref_squeeze %dma_start3A_782 : memref<1x1x1024xf32, #tpu.memory_space<hbm>> -> memref<1024xf32, #tpu.memory_space<hbm>>
      %dma_start3A_784 = tpu.memref_slice %arg5[%dma_start3A_779, %add3A_694, %mul3A_778] : memref<20x64x16384xf32, #tpu.memory_space<hbm>> -> memref<1x1x1024xf32, #tpu.memory_space<hbm>>
      %dma_start3A_785 = tpu.memref_squeeze %dma_start3A_784 : memref<1x1x1024xf32, #tpu.memory_space<hbm>> -> memref<1024xf32, #tpu.memory_space<hbm>>
      %dma_start3A_786 = arith.constant 2048 : i32
      %dma_start3A_787 = tpu.memref_slice %arg7[%dma_start3A_786] : memref<20480xf32, #tpu.memory_space<vmem>> -> memref<1024xf32, #tpu.memory_space<vmem>>
      tpu.enqueue_dma source(%dma_start3A_787 : memref<1024xf32, #tpu.memory_space<vmem>>) target(%dma_start3A_785 : memref<1024xf32, #tpu.memory_space<hbm>>) target_semaphore(%arg13 : memref<!tpu.dma_semaphore, #tpu.memory_space<semaphore_mem>>)
      %mul3A_788 = arith.constant 1024 : i32
      %mul3A_789 = arith.muli %arg1, %mul3A_788 : i32
      %dma_start3A_790 = arith.constant 3 : i32
      %dma_start3A_791 = arith.constant 3072 : i32
      %dma_start3A_792 = tpu.memref_slice %arg7[%dma_start3A_791] : memref<20480xf32, #tpu.memory_space<vmem>> -> memref<1024xf32, #tpu.memory_space<vmem>>
      %dma_start3A_793 = tpu.memref_slice %arg5[%dma_start3A_790, %add3A_694, %mul3A_789] : memref<20x64x16384xf32, #tpu.memory_space<hbm>> -> memref<1x1x1024xf32, #tpu.memory_space<hbm>>
      %dma_start3A_794 = tpu.memref_squeeze %dma_start3A_793 : memref<1x1x1024xf32, #tpu.memory_space<hbm>> -> memref<1024xf32, #tpu.memory_space<hbm>>
      %dma_start3A_795 = tpu.memref_slice %arg5[%dma_start3A_790, %add3A_694, %mul3A_789] : memref<20x64x16384xf32, #tpu.memory_space<hbm>> -> memref<1x1x1024xf32, #tpu.memory_space<hbm>>
      %dma_start3A_796 = tpu.memref_squeeze %dma_start3A_795 : memref<1x1x1024xf32, #tpu.memory_space<hbm>> -> memref<1024xf32, #tpu.memory_space<hbm>>
      %dma_start3A_797 = arith.constant 3072 : i32
      %dma_start3A_798 = tpu.memref_slice %arg7[%dma_start3A_797] : memref<20480xf32, #tpu.memory_space<vmem>> -> memref<1024xf32, #tpu.memory_space<vmem>>
      tpu.enqueue_dma source(%dma_start3A_798 : memref<1024xf32, #tpu.memory_space<vmem>>) target(%dma_start3A_796 : memref<1024xf32, #tpu.memory_space<hbm>>) target_semaphore(%arg13 : memref<!tpu.dma_semaphore, #tpu.memory_space<semaphore_mem>>)
      %mul3A_799 = arith.constant 1024 : i32
      %mul3A_800 = arith.muli %arg1, %mul3A_799 : i32
      %dma_start3A_801 = arith.constant 4 : i32
      %dma_start3A_802 = arith.constant 4096 : i32
      %dma_start3A_803 = tpu.memref_slice %arg7[%dma_start3A_802] : memref<20480xf32, #tpu.memory_space<vmem>> -> memref<1024xf32, #tpu.memory_space<vmem>>
      %dma_start3A_804 = tpu.memref_slice %arg5[%dma_start3A_801, %add3A_694, %mul3A_800] : memref<20x64x16384xf32, #tpu.memory_space<hbm>> -> memref<1x1x1024xf32, #tpu.memory_space<hbm>>
      %dma_start3A_805 = tpu.memref_squeeze %dma_start3A_804 : memref<1x1x1024xf32, #tpu.memory_space<hbm>> -> memref<1024xf32, #tpu.memory_space<hbm>>
      %dma_start3A_806 = tpu.memref_slice %arg5[%dma_start3A_801, %add3A_694, %mul3A_800] : memref<20x64x16384xf32, #tpu.memory_space<hbm>> -> memref<1x1x1024xf32, #tpu.memory_space<hbm>>
      %dma_start3A_807 = tpu.memref_squeeze %dma_start3A_806 : memref<1x1x1024xf32, #tpu.memory_space<hbm>> -> memref<1024xf32, #tpu.memory_space<hbm>>
      %dma_start3A_808 = arith.constant 4096 : i32
      %dma_start3A_809 = tpu.memref_slice %arg7[%dma_start3A_808] : memref<20480xf32, #tpu.memory_space<vmem>> -> memref<1024xf32, #tpu.memory_space<vmem>>
      tpu.enqueue_dma source(%dma_start3A_809 : memref<1024xf32, #tpu.memory_space<vmem>>) target(%dma_start3A_807 : memref<1024xf32, #tpu.memory_space<hbm>>) target_semaphore(%arg13 : memref<!tpu.dma_semaphore, #tpu.memory_space<semaphore_mem>>)
      %mul3A_810 = arith.constant 1024 : i32
      %mul3A_811 = arith.muli %arg1, %mul3A_810 : i32
      %dma_start3A_812 = arith.constant 5 : i32
      %dma_start3A_813 = arith.constant 5120 : i32
      %dma_start3A_814 = tpu.memref_slice %arg7[%dma_start3A_813] : memref<20480xf32, #tpu.memory_space<vmem>> -> memref<1024xf32, #tpu.memory_space<vmem>>
      %dma_start3A_815 = tpu.memref_slice %arg5[%dma_start3A_812, %add3A_694, %mul3A_811] : memref<20x64x16384xf32, #tpu.memory_space<hbm>> -> memref<1x1x1024xf32, #tpu.memory_space<hbm>>
      %dma_start3A_816 = tpu.memref_squeeze %dma_start3A_815 : memref<1x1x1024xf32, #tpu.memory_space<hbm>> -> memref<1024xf32, #tpu.memory_space<hbm>>
      %dma_start3A_817 = tpu.memref_slice %arg5[%dma_start3A_812, %add3A_694, %mul3A_811] : memref<20x64x16384xf32, #tpu.memory_space<hbm>> -> memref<1x1x1024xf32, #tpu.memory_space<hbm>>
      %dma_start3A_818 = tpu.memref_squeeze %dma_start3A_817 : memref<1x1x1024xf32, #tpu.memory_space<hbm>> -> memref<1024xf32, #tpu.memory_space<hbm>>
      %dma_start3A_819 = arith.constant 5120 : i32
      %dma_start3A_820 = tpu.memref_slice %arg7[%dma_start3A_819] : memref<20480xf32, #tpu.memory_space<vmem>> -> memref<1024xf32, #tpu.memory_space<vmem>>
      tpu.enqueue_dma source(%dma_start3A_820 : memref<1024xf32, #tpu.memory_space<vmem>>) target(%dma_start3A_818 : memref<1024xf32, #tpu.memory_space<hbm>>) target_semaphore(%arg13 : memref<!tpu.dma_semaphore, #tpu.memory_space<semaphore_mem>>)
      %mul3A_821 = arith.constant 1024 : i32
      %mul3A_822 = arith.muli %arg1, %mul3A_821 : i32
      %dma_start3A_823 = arith.constant 6 : i32
      %dma_start3A_824 = arith.constant 6144 : i32
      %dma_start3A_825 = tpu.memref_slice %arg7[%dma_start3A_824] : memref<20480xf32, #tpu.memory_space<vmem>> -> memref<1024xf32, #tpu.memory_space<vmem>>
      %dma_start3A_826 = tpu.memref_slice %arg5[%dma_start3A_823, %add3A_694, %mul3A_822] : memref<20x64x16384xf32, #tpu.memory_space<hbm>> -> memref<1x1x1024xf32, #tpu.memory_space<hbm>>
      %dma_start3A_827 = tpu.memref_squeeze %dma_start3A_826 : memref<1x1x1024xf32, #tpu.memory_space<hbm>> -> memref<1024xf32, #tpu.memory_space<hbm>>
      %dma_start3A_828 = tpu.memref_slice %arg5[%dma_start3A_823, %add3A_694, %mul3A_822] : memref<20x64x16384xf32, #tpu.memory_space<hbm>> -> memref<1x1x1024xf32, #tpu.memory_space<hbm>>
      %dma_start3A_829 = tpu.memref_squeeze %dma_start3A_828 : memref<1x1x1024xf32, #tpu.memory_space<hbm>> -> memref<1024xf32, #tpu.memory_space<hbm>>
      %dma_start3A_830 = arith.constant 6144 : i32
      %dma_start3A_831 = tpu.memref_slice %arg7[%dma_start3A_830] : memref<20480xf32, #tpu.memory_space<vmem>> -> memref<1024xf32, #tpu.memory_space<vmem>>
      tpu.enqueue_dma source(%dma_start3A_831 : memref<1024xf32, #tpu.memory_space<vmem>>) target(%dma_start3A_829 : memref<1024xf32, #tpu.memory_space<hbm>>) target_semaphore(%arg13 : memref<!tpu.dma_semaphore, #tpu.memory_space<semaphore_mem>>)
      %mul3A_832 = arith.constant 1024 : i32
      %mul3A_833 = arith.muli %arg1, %mul3A_832 : i32
      %dma_start3A_834 = arith.constant 7 : i32
      %dma_start3A_835 = arith.constant 7168 : i32
      %dma_start3A_836 = tpu.memref_slice %arg7[%dma_start3A_835] : memref<20480xf32, #tpu.memory_space<vmem>> -> memref<1024xf32, #tpu.memory_space<vmem>>
      %dma_start3A_837 = tpu.memref_slice %arg5[%dma_start3A_834, %add3A_694, %mul3A_833] : memref<20x64x16384xf32, #tpu.memory_space<hbm>> -> memref<1x1x1024xf32, #tpu.memory_space<hbm>>
      %dma_start3A_838 = tpu.memref_squeeze %dma_start3A_837 : memref<1x1x1024xf32, #tpu.memory_space<hbm>> -> memref<1024xf32, #tpu.memory_space<hbm>>
      %dma_start3A_839 = tpu.memref_slice %arg5[%dma_start3A_834, %add3A_694, %mul3A_833] : memref<20x64x16384xf32, #tpu.memory_space<hbm>> -> memref<1x1x1024xf32, #tpu.memory_space<hbm>>
      %dma_start3A_840 = tpu.memref_squeeze %dma_start3A_839 : memref<1x1x1024xf32, #tpu.memory_space<hbm>> -> memref<1024xf32, #tpu.memory_space<hbm>>
      %dma_start3A_841 = arith.constant 7168 : i32
      %dma_start3A_842 = tpu.memref_slice %arg7[%dma_start3A_841] : memref<20480xf32, #tpu.memory_space<vmem>> -> memref<1024xf32, #tpu.memory_space<vmem>>
      tpu.enqueue_dma source(%dma_start3A_842 : memref<1024xf32, #tpu.memory_space<vmem>>) target(%dma_start3A_840 : memref<1024xf32, #tpu.memory_space<hbm>>) target_semaphore(%arg13 : memref<!tpu.dma_semaphore, #tpu.memory_space<semaphore_mem>>)
      %mul3A_843 = arith.constant 1024 : i32
      %mul3A_844 = arith.muli %arg1, %mul3A_843 : i32
      %dma_start3A_845 = arith.constant 8 : i32
      %dma_start3A_846 = arith.constant 8192 : i32
      %dma_start3A_847 = tpu.memref_slice %arg7[%dma_start3A_846] : memref<20480xf32, #tpu.memory_space<vmem>> -> memref<1024xf32, #tpu.memory_space<vmem>>
      %dma_start3A_848 = tpu.memref_slice %arg5[%dma_start3A_845, %add3A_694, %mul3A_844] : memref<20x64x16384xf32, #tpu.memory_space<hbm>> -> memref<1x1x1024xf32, #tpu.memory_space<hbm>>
      %dma_start3A_849 = tpu.memref_squeeze %dma_start3A_848 : memref<1x1x1024xf32, #tpu.memory_space<hbm>> -> memref<1024xf32, #tpu.memory_space<hbm>>
      %dma_start3A_850 = tpu.memref_slice %arg5[%dma_start3A_845, %add3A_694, %mul3A_844] : memref<20x64x16384xf32, #tpu.memory_space<hbm>> -> memref<1x1x1024xf32, #tpu.memory_space<hbm>>
      %dma_start3A_851 = tpu.memref_squeeze %dma_start3A_850 : memref<1x1x1024xf32, #tpu.memory_space<hbm>> -> memref<1024xf32, #tpu.memory_space<hbm>>
      %dma_start3A_852 = arith.constant 8192 : i32
      %dma_start3A_853 = tpu.memref_slice %arg7[%dma_start3A_852] : memref<20480xf32, #tpu.memory_space<vmem>> -> memref<1024xf32, #tpu.memory_space<vmem>>
      tpu.enqueue_dma source(%dma_start3A_853 : memref<1024xf32, #tpu.memory_space<vmem>>) target(%dma_start3A_851 : memref<1024xf32, #tpu.memory_space<hbm>>) target_semaphore(%arg13 : memref<!tpu.dma_semaphore, #tpu.memory_space<semaphore_mem>>)
      %mul3A_854 = arith.constant 1024 : i32
      %mul3A_855 = arith.muli %arg1, %mul3A_854 : i32
      %dma_start3A_856 = arith.constant 9 : i32
      %dma_start3A_857 = arith.constant 9216 : i32
      %dma_start3A_858 = tpu.memref_slice %arg7[%dma_start3A_857] : memref<20480xf32, #tpu.memory_space<vmem>> -> memref<1024xf32, #tpu.memory_space<vmem>>
      %dma_start3A_859 = tpu.memref_slice %arg5[%dma_start3A_856, %add3A_694, %mul3A_855] : memref<20x64x16384xf32, #tpu.memory_space<hbm>> -> memref<1x1x1024xf32, #tpu.memory_space<hbm>>
      %dma_start3A_860 = tpu.memref_squeeze %dma_start3A_859 : memref<1x1x1024xf32, #tpu.memory_space<hbm>> -> memref<1024xf32, #tpu.memory_space<hbm>>
      %dma_start3A_861 = tpu.memref_slice %arg5[%dma_start3A_856, %add3A_694, %mul3A_855] : memref<20x64x16384xf32, #tpu.memory_space<hbm>> -> memref<1x1x1024xf32, #tpu.memory_space<hbm>>
      %dma_start3A_862 = tpu.memref_squeeze %dma_start3A_861 : memref<1x1x1024xf32, #tpu.memory_space<hbm>> -> memref<1024xf32, #tpu.memory_space<hbm>>
      %dma_start3A_863 = arith.constant 9216 : i32
      %dma_start3A_864 = tpu.memref_slice %arg7[%dma_start3A_863] : memref<20480xf32, #tpu.memory_space<vmem>> -> memref<1024xf32, #tpu.memory_space<vmem>>
      tpu.enqueue_dma source(%dma_start3A_864 : memref<1024xf32, #tpu.memory_space<vmem>>) target(%dma_start3A_862 : memref<1024xf32, #tpu.memory_space<hbm>>) target_semaphore(%arg13 : memref<!tpu.dma_semaphore, #tpu.memory_space<semaphore_mem>>)
      %mul3A_865 = arith.constant 1024 : i32
      %mul3A_866 = arith.muli %arg1, %mul3A_865 : i32
      %dma_start3A_867 = arith.constant 10 : i32
      %dma_start3A_868 = arith.constant 10240 : i32
      %dma_start3A_869 = tpu.memref_slice %arg7[%dma_start3A_868] : memref<20480xf32, #tpu.memory_space<vmem>> -> memref<1024xf32, #tpu.memory_space<vmem>>
      %dma_start3A_870 = tpu.memref_slice %arg5[%dma_start3A_867, %add3A_694, %mul3A_866] : memref<20x64x16384xf32, #tpu.memory_space<hbm>> -> memref<1x1x1024xf32, #tpu.memory_space<hbm>>
      %dma_start3A_871 = tpu.memref_squeeze %dma_start3A_870 : memref<1x1x1024xf32, #tpu.memory_space<hbm>> -> memref<1024xf32, #tpu.memory_space<hbm>>
      %dma_start3A_872 = tpu.memref_slice %arg5[%dma_start3A_867, %add3A_694, %mul3A_866] : memref<20x64x16384xf32, #tpu.memory_space<hbm>> -> memref<1x1x1024xf32, #tpu.memory_space<hbm>>
      %dma_start3A_873 = tpu.memref_squeeze %dma_start3A_872 : memref<1x1x1024xf32, #tpu.memory_space<hbm>> -> memref<1024xf32, #tpu.memory_space<hbm>>
      %dma_start3A_874 = arith.constant 10240 : i32
      %dma_start3A_875 = tpu.memref_slice %arg7[%dma_start3A_874] : memref<20480xf32, #tpu.memory_space<vmem>> -> memref<1024xf32, #tpu.memory_space<vmem>>
      tpu.enqueue_dma source(%dma_start3A_875 : memref<1024xf32, #tpu.memory_space<vmem>>) target(%dma_start3A_873 : memref<1024xf32, #tpu.memory_space<hbm>>) target_semaphore(%arg13 : memref<!tpu.dma_semaphore, #tpu.memory_space<semaphore_mem>>)
      %mul3A_876 = arith.constant 1024 : i32
      %mul3A_877 = arith.muli %arg1, %mul3A_876 : i32
      %dma_start3A_878 = arith.constant 11 : i32
      %dma_start3A_879 = arith.constant 11264 : i32
      %dma_start3A_880 = tpu.memref_slice %arg7[%dma_start3A_879] : memref<20480xf32, #tpu.memory_space<vmem>> -> memref<1024xf32, #tpu.memory_space<vmem>>
      %dma_start3A_881 = tpu.memref_slice %arg5[%dma_start3A_878, %add3A_694, %mul3A_877] : memref<20x64x16384xf32, #tpu.memory_space<hbm>> -> memref<1x1x1024xf32, #tpu.memory_space<hbm>>
      %dma_start3A_882 = tpu.memref_squeeze %dma_start3A_881 : memref<1x1x1024xf32, #tpu.memory_space<hbm>> -> memref<1024xf32, #tpu.memory_space<hbm>>
      %dma_start3A_883 = tpu.memref_slice %arg5[%dma_start3A_878, %add3A_694, %mul3A_877] : memref<20x64x16384xf32, #tpu.memory_space<hbm>> -> memref<1x1x1024xf32, #tpu.memory_space<hbm>>
      %dma_start3A_884 = tpu.memref_squeeze %dma_start3A_883 : memref<1x1x1024xf32, #tpu.memory_space<hbm>> -> memref<1024xf32, #tpu.memory_space<hbm>>
      %dma_start3A_885 = arith.constant 11264 : i32
      %dma_start3A_886 = tpu.memref_slice %arg7[%dma_start3A_885] : memref<20480xf32, #tpu.memory_space<vmem>> -> memref<1024xf32, #tpu.memory_space<vmem>>
      tpu.enqueue_dma source(%dma_start3A_886 : memref<1024xf32, #tpu.memory_space<vmem>>) target(%dma_start3A_884 : memref<1024xf32, #tpu.memory_space<hbm>>) target_semaphore(%arg13 : memref<!tpu.dma_semaphore, #tpu.memory_space<semaphore_mem>>)
      %mul3A_887 = arith.constant 1024 : i32
      %mul3A_888 = arith.muli %arg1, %mul3A_887 : i32
      %dma_start3A_889 = arith.constant 12 : i32
      %dma_start3A_890 = arith.constant 12288 : i32
      %dma_start3A_891 = tpu.memref_slice %arg7[%dma_start3A_890] : memref<20480xf32, #tpu.memory_space<vmem>> -> memref<1024xf32, #tpu.memory_space<vmem>>
      %dma_start3A_892 = tpu.memref_slice %arg5[%dma_start3A_889, %add3A_694, %mul3A_888] : memref<20x64x16384xf32, #tpu.memory_space<hbm>> -> memref<1x1x1024xf32, #tpu.memory_space<hbm>>
      %dma_start3A_893 = tpu.memref_squeeze %dma_start3A_892 : memref<1x1x1024xf32, #tpu.memory_space<hbm>> -> memref<1024xf32, #tpu.memory_space<hbm>>
      %dma_start3A_894 = tpu.memref_slice %arg5[%dma_start3A_889, %add3A_694, %mul3A_888] : memref<20x64x16384xf32, #tpu.memory_space<hbm>> -> memref<1x1x1024xf32, #tpu.memory_space<hbm>>
      %dma_start3A_895 = tpu.memref_squeeze %dma_start3A_894 : memref<1x1x1024xf32, #tpu.memory_space<hbm>> -> memref<1024xf32, #tpu.memory_space<hbm>>
      %dma_start3A_896 = arith.constant 12288 : i32
      %dma_start3A_897 = tpu.memref_slice %arg7[%dma_start3A_896] : memref<20480xf32, #tpu.memory_space<vmem>> -> memref<1024xf32, #tpu.memory_space<vmem>>
      tpu.enqueue_dma source(%dma_start3A_897 : memref<1024xf32, #tpu.memory_space<vmem>>) target(%dma_start3A_895 : memref<1024xf32, #tpu.memory_space<hbm>>) target_semaphore(%arg13 : memref<!tpu.dma_semaphore, #tpu.memory_space<semaphore_mem>>)
      %mul3A_898 = arith.constant 1024 : i32
      %mul3A_899 = arith.muli %arg1, %mul3A_898 : i32
      %dma_start3A_900 = arith.constant 13 : i32
      %dma_start3A_901 = arith.constant 13312 : i32
      %dma_start3A_902 = tpu.memref_slice %arg7[%dma_start3A_901] : memref<20480xf32, #tpu.memory_space<vmem>> -> memref<1024xf32, #tpu.memory_space<vmem>>
      %dma_start3A_903 = tpu.memref_slice %arg5[%dma_start3A_900, %add3A_694, %mul3A_899] : memref<20x64x16384xf32, #tpu.memory_space<hbm>> -> memref<1x1x1024xf32, #tpu.memory_space<hbm>>
      %dma_start3A_904 = tpu.memref_squeeze %dma_start3A_903 : memref<1x1x1024xf32, #tpu.memory_space<hbm>> -> memref<1024xf32, #tpu.memory_space<hbm>>
      %dma_start3A_905 = tpu.memref_slice %arg5[%dma_start3A_900, %add3A_694, %mul3A_899] : memref<20x64x16384xf32, #tpu.memory_space<hbm>> -> memref<1x1x1024xf32, #tpu.memory_space<hbm>>
      %dma_start3A_906 = tpu.memref_squeeze %dma_start3A_905 : memref<1x1x1024xf32, #tpu.memory_space<hbm>> -> memref<1024xf32, #tpu.memory_space<hbm>>
      %dma_start3A_907 = arith.constant 13312 : i32
      %dma_start3A_908 = tpu.memref_slice %arg7[%dma_start3A_907] : memref<20480xf32, #tpu.memory_space<vmem>> -> memref<1024xf32, #tpu.memory_space<vmem>>
      tpu.enqueue_dma source(%dma_start3A_908 : memref<1024xf32, #tpu.memory_space<vmem>>) target(%dma_start3A_906 : memref<1024xf32, #tpu.memory_space<hbm>>) target_semaphore(%arg13 : memref<!tpu.dma_semaphore, #tpu.memory_space<semaphore_mem>>)
      %mul3A_909 = arith.constant 1024 : i32
      %mul3A_910 = arith.muli %arg1, %mul3A_909 : i32
      %dma_start3A_911 = arith.constant 14 : i32
      %dma_start3A_912 = arith.constant 14336 : i32
      %dma_start3A_913 = tpu.memref_slice %arg7[%dma_start3A_912] : memref<20480xf32, #tpu.memory_space<vmem>> -> memref<1024xf32, #tpu.memory_space<vmem>>
      %dma_start3A_914 = tpu.memref_slice %arg5[%dma_start3A_911, %add3A_694, %mul3A_910] : memref<20x64x16384xf32, #tpu.memory_space<hbm>> -> memref<1x1x1024xf32, #tpu.memory_space<hbm>>
      %dma_start3A_915 = tpu.memref_squeeze %dma_start3A_914 : memref<1x1x1024xf32, #tpu.memory_space<hbm>> -> memref<1024xf32, #tpu.memory_space<hbm>>
      %dma_start3A_916 = tpu.memref_slice %arg5[%dma_start3A_911, %add3A_694, %mul3A_910] : memref<20x64x16384xf32, #tpu.memory_space<hbm>> -> memref<1x1x1024xf32, #tpu.memory_space<hbm>>
      %dma_start3A_917 = tpu.memref_squeeze %dma_start3A_916 : memref<1x1x1024xf32, #tpu.memory_space<hbm>> -> memref<1024xf32, #tpu.memory_space<hbm>>
      %dma_start3A_918 = arith.constant 14336 : i32
      %dma_start3A_919 = tpu.memref_slice %arg7[%dma_start3A_918] : memref<20480xf32, #tpu.memory_space<vmem>> -> memref<1024xf32, #tpu.memory_space<vmem>>
      tpu.enqueue_dma source(%dma_start3A_919 : memref<1024xf32, #tpu.memory_space<vmem>>) target(%dma_start3A_917 : memref<1024xf32, #tpu.memory_space<hbm>>) target_semaphore(%arg13 : memref<!tpu.dma_semaphore, #tpu.memory_space<semaphore_mem>>)
      %mul3A_920 = arith.constant 1024 : i32
      %mul3A_921 = arith.muli %arg1, %mul3A_920 : i32
      %dma_start3A_922 = arith.constant 15 : i32
      %dma_start3A_923 = arith.constant 15360 : i32
      %dma_start3A_924 = tpu.memref_slice %arg7[%dma_start3A_923] : memref<20480xf32, #tpu.memory_space<vmem>> -> memref<1024xf32, #tpu.memory_space<vmem>>
      %dma_start3A_925 = tpu.memref_slice %arg5[%dma_start3A_922, %add3A_694, %mul3A_921] : memref<20x64x16384xf32, #tpu.memory_space<hbm>> -> memref<1x1x1024xf32, #tpu.memory_space<hbm>>
      %dma_start3A_926 = tpu.memref_squeeze %dma_start3A_925 : memref<1x1x1024xf32, #tpu.memory_space<hbm>> -> memref<1024xf32, #tpu.memory_space<hbm>>
      %dma_start3A_927 = tpu.memref_slice %arg5[%dma_start3A_922, %add3A_694, %mul3A_921] : memref<20x64x16384xf32, #tpu.memory_space<hbm>> -> memref<1x1x1024xf32, #tpu.memory_space<hbm>>
      %dma_start3A_928 = tpu.memref_squeeze %dma_start3A_927 : memref<1x1x1024xf32, #tpu.memory_space<hbm>> -> memref<1024xf32, #tpu.memory_space<hbm>>
      %dma_start3A_929 = arith.constant 15360 : i32
      %dma_start3A_930 = tpu.memref_slice %arg7[%dma_start3A_929] : memref<20480xf32, #tpu.memory_space<vmem>> -> memref<1024xf32, #tpu.memory_space<vmem>>
      tpu.enqueue_dma source(%dma_start3A_930 : memref<1024xf32, #tpu.memory_space<vmem>>) target(%dma_start3A_928 : memref<1024xf32, #tpu.memory_space<hbm>>) target_semaphore(%arg13 : memref<!tpu.dma_semaphore, #tpu.memory_space<semaphore_mem>>)
      %mul3A_931 = arith.constant 1024 : i32
      %mul3A_932 = arith.muli %arg1, %mul3A_931 : i32
      %dma_start3A_933 = arith.constant 16 : i32
      %dma_start3A_934 = arith.constant 16384 : i32
      %dma_start3A_935 = tpu.memref_slice %arg7[%dma_start3A_934] : memref<20480xf32, #tpu.memory_space<vmem>> -> memref<1024xf32, #tpu.memory_space<vmem>>
      %dma_start3A_936 = tpu.memref_slice %arg5[%dma_start3A_933, %add3A_694, %mul3A_932] : memref<20x64x16384xf32, #tpu.memory_space<hbm>> -> memref<1x1x1024xf32, #tpu.memory_space<hbm>>
      %dma_start3A_937 = tpu.memref_squeeze %dma_start3A_936 : memref<1x1x1024xf32, #tpu.memory_space<hbm>> -> memref<1024xf32, #tpu.memory_space<hbm>>
      %dma_start3A_938 = tpu.memref_slice %arg5[%dma_start3A_933, %add3A_694, %mul3A_932] : memref<20x64x16384xf32, #tpu.memory_space<hbm>> -> memref<1x1x1024xf32, #tpu.memory_space<hbm>>
      %dma_start3A_939 = tpu.memref_squeeze %dma_start3A_938 : memref<1x1x1024xf32, #tpu.memory_space<hbm>> -> memref<1024xf32, #tpu.memory_space<hbm>>
      %dma_start3A_940 = arith.constant 16384 : i32
      %dma_start3A_941 = tpu.memref_slice %arg7[%dma_start3A_940] : memref<20480xf32, #tpu.memory_space<vmem>> -> memref<1024xf32, #tpu.memory_space<vmem>>
      tpu.enqueue_dma source(%dma_start3A_941 : memref<1024xf32, #tpu.memory_space<vmem>>) target(%dma_start3A_939 : memref<1024xf32, #tpu.memory_space<hbm>>) target_semaphore(%arg13 : memref<!tpu.dma_semaphore, #tpu.memory_space<semaphore_mem>>)
      %mul3A_942 = arith.constant 1024 : i32
      %mul3A_943 = arith.muli %arg1, %mul3A_942 : i32
      %dma_start3A_944 = arith.constant 17 : i32
      %dma_start3A_945 = arith.constant 17408 : i32
      %dma_start3A_946 = tpu.memref_slice %arg7[%dma_start3A_945] : memref<20480xf32, #tpu.memory_space<vmem>> -> memref<1024xf32, #tpu.memory_space<vmem>>
      %dma_start3A_947 = tpu.memref_slice %arg5[%dma_start3A_944, %add3A_694, %mul3A_943] : memref<20x64x16384xf32, #tpu.memory_space<hbm>> -> memref<1x1x1024xf32, #tpu.memory_space<hbm>>
      %dma_start3A_948 = tpu.memref_squeeze %dma_start3A_947 : memref<1x1x1024xf32, #tpu.memory_space<hbm>> -> memref<1024xf32, #tpu.memory_space<hbm>>
      %dma_start3A_949 = tpu.memref_slice %arg5[%dma_start3A_944, %add3A_694, %mul3A_943] : memref<20x64x16384xf32, #tpu.memory_space<hbm>> -> memref<1x1x1024xf32, #tpu.memory_space<hbm>>
      %dma_start3A_950 = tpu.memref_squeeze %dma_start3A_949 : memref<1x1x1024xf32, #tpu.memory_space<hbm>> -> memref<1024xf32, #tpu.memory_space<hbm>>
      %dma_start3A_951 = arith.constant 17408 : i32
      %dma_start3A_952 = tpu.memref_slice %arg7[%dma_start3A_951] : memref<20480xf32, #tpu.memory_space<vmem>> -> memref<1024xf32, #tpu.memory_space<vmem>>
      tpu.enqueue_dma source(%dma_start3A_952 : memref<1024xf32, #tpu.memory_space<vmem>>) target(%dma_start3A_950 : memref<1024xf32, #tpu.memory_space<hbm>>) target_semaphore(%arg13 : memref<!tpu.dma_semaphore, #tpu.memory_space<semaphore_mem>>)
      %mul3A_953 = arith.constant 1024 : i32
      %mul3A_954 = arith.muli %arg1, %mul3A_953 : i32
      %dma_start3A_955 = arith.constant 18 : i32
      %dma_start3A_956 = arith.constant 18432 : i32
      %dma_start3A_957 = tpu.memref_slice %arg7[%dma_start3A_956] : memref<20480xf32, #tpu.memory_space<vmem>> -> memref<1024xf32, #tpu.memory_space<vmem>>
      %dma_start3A_958 = tpu.memref_slice %arg5[%dma_start3A_955, %add3A_694, %mul3A_954] : memref<20x64x16384xf32, #tpu.memory_space<hbm>> -> memref<1x1x1024xf32, #tpu.memory_space<hbm>>
      %dma_start3A_959 = tpu.memref_squeeze %dma_start3A_958 : memref<1x1x1024xf32, #tpu.memory_space<hbm>> -> memref<1024xf32, #tpu.memory_space<hbm>>
      %dma_start3A_960 = tpu.memref_slice %arg5[%dma_start3A_955, %add3A_694, %mul3A_954] : memref<20x64x16384xf32, #tpu.memory_space<hbm>> -> memref<1x1x1024xf32, #tpu.memory_space<hbm>>
      %dma_start3A_961 = tpu.memref_squeeze %dma_start3A_960 : memref<1x1x1024xf32, #tpu.memory_space<hbm>> -> memref<1024xf32, #tpu.memory_space<hbm>>
      %dma_start3A_962 = arith.constant 18432 : i32
      %dma_start3A_963 = tpu.memref_slice %arg7[%dma_start3A_962] : memref<20480xf32, #tpu.memory_space<vmem>> -> memref<1024xf32, #tpu.memory_space<vmem>>
      tpu.enqueue_dma source(%dma_start3A_963 : memref<1024xf32, #tpu.memory_space<vmem>>) target(%dma_start3A_961 : memref<1024xf32, #tpu.memory_space<hbm>>) target_semaphore(%arg13 : memref<!tpu.dma_semaphore, #tpu.memory_space<semaphore_mem>>)
      %mul3A_964 = arith.constant 1024 : i32
      %mul3A_965 = arith.muli %arg1, %mul3A_964 : i32
      %dma_start3A_966 = arith.constant 19 : i32
      %dma_start3A_967 = arith.constant 19456 : i32
      %dma_start3A_968 = tpu.memref_slice %arg7[%dma_start3A_967] : memref<20480xf32, #tpu.memory_space<vmem>> -> memref<1024xf32, #tpu.memory_space<vmem>>
      %dma_start3A_969 = tpu.memref_slice %arg5[%dma_start3A_966, %add3A_694, %mul3A_965] : memref<20x64x16384xf32, #tpu.memory_space<hbm>> -> memref<1x1x1024xf32, #tpu.memory_space<hbm>>
      %dma_start3A_970 = tpu.memref_squeeze %dma_start3A_969 : memref<1x1x1024xf32, #tpu.memory_space<hbm>> -> memref<1024xf32, #tpu.memory_space<hbm>>
      %dma_start3A_971 = tpu.memref_slice %arg5[%dma_start3A_966, %add3A_694, %mul3A_965] : memref<20x64x16384xf32, #tpu.memory_space<hbm>> -> memref<1x1x1024xf32, #tpu.memory_space<hbm>>
      %dma_start3A_972 = tpu.memref_squeeze %dma_start3A_971 : memref<1x1x1024xf32, #tpu.memory_space<hbm>> -> memref<1024xf32, #tpu.memory_space<hbm>>
      %dma_start3A_973 = arith.constant 19456 : i32
      %dma_start3A_974 = tpu.memref_slice %arg7[%dma_start3A_973] : memref<20480xf32, #tpu.memory_space<vmem>> -> memref<1024xf32, #tpu.memory_space<vmem>>
      tpu.enqueue_dma source(%dma_start3A_974 : memref<1024xf32, #tpu.memory_space<vmem>>) target(%dma_start3A_972 : memref<1024xf32, #tpu.memory_space<hbm>>) target_semaphore(%arg13 : memref<!tpu.dma_semaphore, #tpu.memory_space<semaphore_mem>>)
      %barrier3A_975 = arith.constant 0 : index
      tpu.barrier barrier_id(%barrier3A_975)
      %add3A_976 = arith.constant 1 : i32
      %add3A_977 = arith.addi %mul3A_693, %add3A_976 : i32
      %lt3A = arith.constant 32 : i32
      %lt3A_978 = arith.cmpi slt, %add3A_977, %lt3A : i32
      %convert_element_type3A_979 = arith.extui %lt3A_978 : i1 to i32
      %cond3A_980 = arith.constant 0 : i32
      %cond3A_981 = arith.cmpi ne, %convert_element_type3A_979, %cond3A_980 : i32
      scf.if %cond3A_981 {
        %add3A_1290 = arith.constant 1 : i32
        %add3A_1291 = arith.addi %add3A_694, %add3A_1290 : i32
        %mul3A_1292 = arith.constant 34816 : i32
        %mul3A_1293 = arith.muli %arg1, %mul3A_1292 : i32
        %add3A_1294 = arith.constant 441600 : i32
        %add3A_1295 = arith.addi %add3A_1294, %mul3A_1293 : i32
        %mul3A_1296 = arith.constant 34816 : i32
        %mul3A_1297 = arith.muli %arg1, %mul3A_1296 : i32
        %add3A_1298 = arith.constant 441600 : i32
        %add3A_1299 = arith.addi %add3A_1298, %mul3A_1297 : i32
        %mul3A_1300 = arith.constant 128 : i32
        %mul3A_1301 = arith.muli %add3A_1291, %mul3A_1300 : i32
        %dma_start3A_1302 = tpu.memref_slice %arg8[%add3A_1299] : memref<1441664xf32, #tpu.memory_space<vmem_shared>> -> memref<34816xf32, #tpu.memory_space<vmem_shared>>
        %dma_start3A_1303 = arith.constant 0 : i32
        %dma_start3A_1304 = tpu.memref_slice %arg2[%add3A_1291, %dma_start3A_1303] : memref<64x1000000xf32, #tpu.memory_space<hbm>> -> memref<1x1000000xf32, #tpu.memory_space<hbm>>
        %dma_start3A_1305 = tpu.memref_squeeze %dma_start3A_1304 : memref<1x1000000xf32, #tpu.memory_space<hbm>> -> memref<1000000xf32, #tpu.memory_space<hbm>>
        %dma_start3A_1306 = tpu.memref_slice %dma_start3A_1305[%add3A_1295] : memref<1000000xf32, #tpu.memory_space<hbm>> -> memref<34816xf32, #tpu.memory_space<hbm>>
        tpu.enqueue_dma source(%dma_start3A_1306 : memref<34816xf32, #tpu.memory_space<hbm>>) target(%dma_start3A_1302 : memref<34816xf32, #tpu.memory_space<vmem_shared>>) target_semaphore(%arg11 : memref<!tpu.dma_semaphore, #tpu.memory_space<semaphore_mem>>)
        %eq3A_1307 = arith.constant 0 : i32
        %eq3A_1308 = arith.cmpi eq, %arg1, %eq3A_1307 : i32
        %convert_element_type3A_1309 = arith.extui %eq3A_1308 : i1 to i32
        %cond3A_1310 = arith.constant 0 : i32
        %cond3A_1311 = arith.cmpi ne, %convert_element_type3A_1309, %cond3A_1310 : i32
        scf.if %cond3A_1311 {
          %dma_start3A_1322 = arith.constant 998656 : i32
          %dma_start3A_1323 = tpu.memref_slice %arg8[%dma_start3A_1322] : memref<1441664xf32, #tpu.memory_space<vmem_shared>> -> memref<768xf32, #tpu.memory_space<vmem_shared>>
          %dma_start3A_1324 = arith.constant 0 : i32
          %dma_start3A_1325 = tpu.memref_slice %arg2[%add3A_1291, %dma_start3A_1324] : memref<64x1000000xf32, #tpu.memory_space<hbm>> -> memref<1x1000000xf32, #tpu.memory_space<hbm>>
          %dma_start3A_1326 = tpu.memref_squeeze %dma_start3A_1325 : memref<1x1000000xf32, #tpu.memory_space<hbm>> -> memref<1000000xf32, #tpu.memory_space<hbm>>
          %dma_start3A_1327 = arith.constant 998656 : i32
          %dma_start3A_1328 = tpu.memref_slice %dma_start3A_1326[%dma_start3A_1327] : memref<1000000xf32, #tpu.memory_space<hbm>> -> memref<768xf32, #tpu.memory_space<hbm>>
          tpu.enqueue_dma source(%dma_start3A_1328 : memref<768xf32, #tpu.memory_space<hbm>>) target(%dma_start3A_1323 : memref<768xf32, #tpu.memory_space<vmem_shared>>) target_semaphore(%arg11 : memref<!tpu.dma_semaphore, #tpu.memory_space<semaphore_mem>>)
        } else {
        }
        %eq3A_1312 = arith.constant 1 : i32
        %eq3A_1313 = arith.cmpi eq, %arg1, %eq3A_1312 : i32
        %convert_element_type3A_1314 = arith.extui %eq3A_1313 : i1 to i32
        %cond3A_1315 = arith.constant 0 : i32
        %cond3A_1316 = arith.cmpi ne, %convert_element_type3A_1314, %cond3A_1315 : i32
        scf.if %cond3A_1316 {
          %dma_start3A_1322 = arith.constant 999424 : i32
          %dma_start3A_1323 = tpu.memref_slice %arg8[%dma_start3A_1322] : memref<1441664xf32, #tpu.memory_space<vmem_shared>> -> memref<512xf32, #tpu.memory_space<vmem_shared>>
          %dma_start3A_1324 = arith.constant 0 : i32
          %dma_start3A_1325 = tpu.memref_slice %arg2[%add3A_1291, %dma_start3A_1324] : memref<64x1000000xf32, #tpu.memory_space<hbm>> -> memref<1x1000000xf32, #tpu.memory_space<hbm>>
          %dma_start3A_1326 = tpu.memref_squeeze %dma_start3A_1325 : memref<1x1000000xf32, #tpu.memory_space<hbm>> -> memref<1000000xf32, #tpu.memory_space<hbm>>
          %dma_start3A_1327 = arith.constant 999424 : i32
          %dma_start3A_1328 = tpu.memref_slice %dma_start3A_1326[%dma_start3A_1327] : memref<1000000xf32, #tpu.memory_space<hbm>> -> memref<512xf32, #tpu.memory_space<hbm>>
          tpu.enqueue_dma source(%dma_start3A_1328 : memref<512xf32, #tpu.memory_space<hbm>>) target(%dma_start3A_1323 : memref<512xf32, #tpu.memory_space<vmem_shared>>) target_semaphore(%arg11 : memref<!tpu.dma_semaphore, #tpu.memory_space<semaphore_mem>>)
        } else {
        }
        %eq3A_1317 = arith.constant 2 : i32
        %eq3A_1318 = arith.cmpi eq, %arg1, %eq3A_1317 : i32
        %convert_element_type3A_1319 = arith.extui %eq3A_1318 : i1 to i32
        %cond3A_1320 = arith.constant 0 : i32
        %cond3A_1321 = arith.cmpi ne, %convert_element_type3A_1319, %cond3A_1320 : i32
        scf.if %cond3A_1321 {
          %dma_start3A_1322 = arith.constant 999936 : i32
          %dma_start3A_1323 = tpu.memref_slice %arg8[%dma_start3A_1322] : memref<1441664xf32, #tpu.memory_space<vmem_shared>> -> memref<128xf32, #tpu.memory_space<vmem_shared>>
          %dma_start3A_1324 = tpu.memref_slice %arg4[%mul3A_1301] : memref<8192xf32, #tpu.memory_space<hbm>> -> memref<128xf32, #tpu.memory_space<hbm>>
          tpu.enqueue_dma source(%dma_start3A_1324 : memref<128xf32, #tpu.memory_space<hbm>>) target(%dma_start3A_1323 : memref<128xf32, #tpu.memory_space<vmem_shared>>) target_semaphore(%arg11 : memref<!tpu.dma_semaphore, #tpu.memory_space<semaphore_mem>>)
        } else {
        }
      } else {
      }
      %add3A_982 = arith.constant 2 : i32
      %add3A_983 = arith.addi %mul3A_693, %add3A_982 : i32
      %lt3A_984 = arith.constant 32 : i32
      %lt3A_985 = arith.cmpi slt, %add3A_983, %lt3A_984 : i32
      %convert_element_type3A_986 = arith.extui %lt3A_985 : i1 to i32
      %cond3A_987 = arith.constant 0 : i32
      %cond3A_988 = arith.cmpi ne, %convert_element_type3A_986, %cond3A_987 : i32
      scf.if %cond3A_988 {
        %add3A_1290 = arith.constant 2 : i32
        %add3A_1291 = arith.addi %add3A_694, %add3A_1290 : i32
        %mul3A_1292 = arith.constant 27520 : i32
        %mul3A_1293 = arith.muli %arg1, %mul3A_1292 : i32
        %add3A_1294 = arith.constant 558464 : i32
        %add3A_1295 = arith.addi %add3A_1294, %mul3A_1293 : i32
        %mul3A_1296 = arith.constant 27520 : i32
        %mul3A_1297 = arith.muli %arg1, %mul3A_1296 : i32
        %add3A_1298 = arith.constant 1000064 : i32
        %add3A_1299 = arith.addi %add3A_1298, %mul3A_1297 : i32
        %mul3A_1300 = arith.constant 128 : i32
        %mul3A_1301 = arith.muli %add3A_1291, %mul3A_1300 : i32
        %dma_start3A_1302 = tpu.memref_slice %arg8[%add3A_1299] : memref<1441664xf32, #tpu.memory_space<vmem_shared>> -> memref<27520xf32, #tpu.memory_space<vmem_shared>>
        %dma_start3A_1303 = arith.constant 0 : i32
        %dma_start3A_1304 = tpu.memref_slice %arg2[%add3A_1291, %dma_start3A_1303] : memref<64x1000000xf32, #tpu.memory_space<hbm>> -> memref<1x1000000xf32, #tpu.memory_space<hbm>>
        %dma_start3A_1305 = tpu.memref_squeeze %dma_start3A_1304 : memref<1x1000000xf32, #tpu.memory_space<hbm>> -> memref<1000000xf32, #tpu.memory_space<hbm>>
        %dma_start3A_1306 = tpu.memref_slice %dma_start3A_1305[%add3A_1295] : memref<1000000xf32, #tpu.memory_space<hbm>> -> memref<27520xf32, #tpu.memory_space<hbm>>
        tpu.enqueue_dma source(%dma_start3A_1306 : memref<27520xf32, #tpu.memory_space<hbm>>) target(%dma_start3A_1302 : memref<27520xf32, #tpu.memory_space<vmem_shared>>) target_semaphore(%arg10 : memref<!tpu.dma_semaphore, #tpu.memory_space<semaphore_mem>>)
        %eq3A_1307 = arith.constant 0 : i32
        %eq3A_1308 = arith.cmpi eq, %arg1, %eq3A_1307 : i32
        %convert_element_type3A_1309 = arith.extui %eq3A_1308 : i1 to i32
        %cond3A_1310 = arith.constant 0 : i32
        %cond3A_1311 = arith.cmpi ne, %convert_element_type3A_1309, %cond3A_1310 : i32
        scf.if %cond3A_1311 {
          %dma_start3A_1322 = arith.constant 1440384 : i32
          %dma_start3A_1323 = tpu.memref_slice %arg8[%dma_start3A_1322] : memref<1441664xf32, #tpu.memory_space<vmem_shared>> -> memref<640xf32, #tpu.memory_space<vmem_shared>>
          %dma_start3A_1324 = arith.constant 0 : i32
          %dma_start3A_1325 = tpu.memref_slice %arg2[%add3A_1291, %dma_start3A_1324] : memref<64x1000000xf32, #tpu.memory_space<hbm>> -> memref<1x1000000xf32, #tpu.memory_space<hbm>>
          %dma_start3A_1326 = tpu.memref_squeeze %dma_start3A_1325 : memref<1x1000000xf32, #tpu.memory_space<hbm>> -> memref<1000000xf32, #tpu.memory_space<hbm>>
          %dma_start3A_1327 = arith.constant 998784 : i32
          %dma_start3A_1328 = tpu.memref_slice %dma_start3A_1326[%dma_start3A_1327] : memref<1000000xf32, #tpu.memory_space<hbm>> -> memref<640xf32, #tpu.memory_space<hbm>>
          tpu.enqueue_dma source(%dma_start3A_1328 : memref<640xf32, #tpu.memory_space<hbm>>) target(%dma_start3A_1323 : memref<640xf32, #tpu.memory_space<vmem_shared>>) target_semaphore(%arg10 : memref<!tpu.dma_semaphore, #tpu.memory_space<semaphore_mem>>)
        } else {
        }
        %eq3A_1312 = arith.constant 1 : i32
        %eq3A_1313 = arith.cmpi eq, %arg1, %eq3A_1312 : i32
        %convert_element_type3A_1314 = arith.extui %eq3A_1313 : i1 to i32
        %cond3A_1315 = arith.constant 0 : i32
        %cond3A_1316 = arith.cmpi ne, %convert_element_type3A_1314, %cond3A_1315 : i32
        scf.if %cond3A_1316 {
          %dma_start3A_1322 = arith.constant 1441024 : i32
          %dma_start3A_1323 = tpu.memref_slice %arg8[%dma_start3A_1322] : memref<1441664xf32, #tpu.memory_space<vmem_shared>> -> memref<512xf32, #tpu.memory_space<vmem_shared>>
          %dma_start3A_1324 = arith.constant 0 : i32
          %dma_start3A_1325 = tpu.memref_slice %arg2[%add3A_1291, %dma_start3A_1324] : memref<64x1000000xf32, #tpu.memory_space<hbm>> -> memref<1x1000000xf32, #tpu.memory_space<hbm>>
          %dma_start3A_1326 = tpu.memref_squeeze %dma_start3A_1325 : memref<1x1000000xf32, #tpu.memory_space<hbm>> -> memref<1000000xf32, #tpu.memory_space<hbm>>
          %dma_start3A_1327 = arith.constant 999424 : i32
          %dma_start3A_1328 = tpu.memref_slice %dma_start3A_1326[%dma_start3A_1327] : memref<1000000xf32, #tpu.memory_space<hbm>> -> memref<512xf32, #tpu.memory_space<hbm>>
          tpu.enqueue_dma source(%dma_start3A_1328 : memref<512xf32, #tpu.memory_space<hbm>>) target(%dma_start3A_1323 : memref<512xf32, #tpu.memory_space<vmem_shared>>) target_semaphore(%arg10 : memref<!tpu.dma_semaphore, #tpu.memory_space<semaphore_mem>>)
        } else {
        }
        %eq3A_1317 = arith.constant 2 : i32
        %eq3A_1318 = arith.cmpi eq, %arg1, %eq3A_1317 : i32
        %convert_element_type3A_1319 = arith.extui %eq3A_1318 : i1 to i32
        %cond3A_1320 = arith.constant 0 : i32
        %cond3A_1321 = arith.cmpi ne, %convert_element_type3A_1319, %cond3A_1320 : i32
        scf.if %cond3A_1321 {
          %dma_start3A_1322 = arith.constant 1441536 : i32
          %dma_start3A_1323 = tpu.memref_slice %arg8[%dma_start3A_1322] : memref<1441664xf32, #tpu.memory_space<vmem_shared>> -> memref<128xf32, #tpu.memory_space<vmem_shared>>
          %dma_start3A_1324 = tpu.memref_slice %arg4[%mul3A_1301] : memref<8192xf32, #tpu.memory_space<hbm>> -> memref<128xf32, #tpu.memory_space<hbm>>
          tpu.enqueue_dma source(%dma_start3A_1324 : memref<128xf32, #tpu.memory_space<hbm>>) target(%dma_start3A_1323 : memref<128xf32, #tpu.memory_space<vmem_shared>>) target_semaphore(%arg10 : memref<!tpu.dma_semaphore, #tpu.memory_space<semaphore_mem>>)
        } else {
        }
      } else {
      }
      %add3A_989 = arith.constant 1 : i32
      %add3A_990 = arith.addi %mul3A_693, %add3A_989 : i32
      %add3A_991 = arith.constant 1 : i32
      %add3A_992 = arith.addi %add3A_694, %add3A_991 : i32
      %mul3A_993 = arith.constant 27520 : i32
      %mul3A_994 = arith.muli %arg1, %mul3A_993 : i32
      %add3A_995 = arith.constant 0 : i32
      %add3A_996 = arith.addi %add3A_995, %mul3A_994 : i32
      %mul3A_997 = arith.constant 27520 : i32
      %mul3A_998 = arith.muli %arg1, %mul3A_997 : i32
      %add3A_999 = arith.constant 0 : i32
      %add3A_1000 = arith.addi %add3A_999, %mul3A_998 : i32
      %dma_wait3A_1001 = tpu.memref_slice %arg8[%add3A_1000] : memref<1441664xf32, #tpu.memory_space<vmem_shared>> -> memref<27520xf32, #tpu.memory_space<vmem_shared>>
      %dma_wait3A_1002 = arith.constant 0 : i32
      %dma_wait3A_1003 = tpu.memref_slice %arg2[%add3A_992, %dma_wait3A_1002] : memref<64x1000000xf32, #tpu.memory_space<hbm>> -> memref<1x1000000xf32, #tpu.memory_space<hbm>>
      %dma_wait3A_1004 = tpu.memref_squeeze %dma_wait3A_1003 : memref<1x1000000xf32, #tpu.memory_space<hbm>> -> memref<1000000xf32, #tpu.memory_space<hbm>>
      %dma_wait3A_1005 = tpu.memref_slice %dma_wait3A_1004[%add3A_996] : memref<1000000xf32, #tpu.memory_space<hbm>> -> memref<27520xf32, #tpu.memory_space<hbm>>
      tpu.wait_dma2 semaphore(%arg11 : memref<!tpu.dma_semaphore, #tpu.memory_space<semaphore_mem>>) src(%dma_wait3A_1005 : memref<27520xf32, #tpu.memory_space<hbm>>) dst(%dma_wait3A_1001 : memref<27520xf32, #tpu.memory_space<vmem_shared>>)
      %eq3A_1006 = arith.constant 0 : i32
      %eq3A_1007 = arith.cmpi eq, %arg1, %eq3A_1006 : i32
      %convert_element_type3A_1008 = arith.extui %eq3A_1007 : i1 to i32
      %cond3A_1009 = arith.constant 0 : i32
      %cond3A_1010 = arith.cmpi ne, %convert_element_type3A_1008, %cond3A_1009 : i32
      scf.if %cond3A_1010 {
        %dma_wait3A_1290 = arith.constant 440320 : i32
        %dma_wait3A_1291 = tpu.memref_slice %arg8[%dma_wait3A_1290] : memref<1441664xf32, #tpu.memory_space<vmem_shared>> -> memref<1280xf32, #tpu.memory_space<vmem_shared>>
        %dma_wait3A_1292 = arith.constant 0 : i32
        %dma_wait3A_1293 = tpu.memref_slice %arg2[%add3A_992, %dma_wait3A_1292] : memref<64x1000000xf32, #tpu.memory_space<hbm>> -> memref<1x1000000xf32, #tpu.memory_space<hbm>>
        %dma_wait3A_1294 = tpu.memref_squeeze %dma_wait3A_1293 : memref<1x1000000xf32, #tpu.memory_space<hbm>> -> memref<1000000xf32, #tpu.memory_space<hbm>>
        %dma_wait3A_1295 = arith.constant 440320 : i32
        %dma_wait3A_1296 = tpu.memref_slice %dma_wait3A_1294[%dma_wait3A_1295] : memref<1000000xf32, #tpu.memory_space<hbm>> -> memref<1280xf32, #tpu.memory_space<hbm>>
        tpu.wait_dma2 semaphore(%arg11 : memref<!tpu.dma_semaphore, #tpu.memory_space<semaphore_mem>>) src(%dma_wait3A_1296 : memref<1280xf32, #tpu.memory_space<hbm>>) dst(%dma_wait3A_1291 : memref<1280xf32, #tpu.memory_space<vmem_shared>>)
      } else {
      }
      %mul3A_1011 = arith.constant 34816 : i32
      %mul3A_1012 = arith.muli %arg1, %mul3A_1011 : i32
      %add3A_1013 = arith.constant 441600 : i32
      %add3A_1014 = arith.addi %add3A_1013, %mul3A_1012 : i32
      %mul3A_1015 = arith.constant 34816 : i32
      %mul3A_1016 = arith.muli %arg1, %mul3A_1015 : i32
      %add3A_1017 = arith.constant 441600 : i32
      %add3A_1018 = arith.addi %add3A_1017, %mul3A_1016 : i32
      %mul3A_1019 = arith.constant 128 : i32
      %mul3A_1020 = arith.muli %add3A_992, %mul3A_1019 : i32
      %dma_wait3A_1021 = tpu.memref_slice %arg8[%add3A_1018] : memref<1441664xf32, #tpu.memory_space<vmem_shared>> -> memref<34816xf32, #tpu.memory_space<vmem_shared>>
      %dma_wait3A_1022 = arith.constant 0 : i32
      %dma_wait3A_1023 = tpu.memref_slice %arg2[%add3A_992, %dma_wait3A_1022] : memref<64x1000000xf32, #tpu.memory_space<hbm>> -> memref<1x1000000xf32, #tpu.memory_space<hbm>>
      %dma_wait3A_1024 = tpu.memref_squeeze %dma_wait3A_1023 : memref<1x1000000xf32, #tpu.memory_space<hbm>> -> memref<1000000xf32, #tpu.memory_space<hbm>>
      %dma_wait3A_1025 = tpu.memref_slice %dma_wait3A_1024[%add3A_1014] : memref<1000000xf32, #tpu.memory_space<hbm>> -> memref<34816xf32, #tpu.memory_space<hbm>>
      tpu.wait_dma2 semaphore(%arg11 : memref<!tpu.dma_semaphore, #tpu.memory_space<semaphore_mem>>) src(%dma_wait3A_1025 : memref<34816xf32, #tpu.memory_space<hbm>>) dst(%dma_wait3A_1021 : memref<34816xf32, #tpu.memory_space<vmem_shared>>)
      %eq3A_1026 = arith.constant 0 : i32
      %eq3A_1027 = arith.cmpi eq, %arg1, %eq3A_1026 : i32
      %convert_element_type3A_1028 = arith.extui %eq3A_1027 : i1 to i32
      %cond3A_1029 = arith.constant 0 : i32
      %cond3A_1030 = arith.cmpi ne, %convert_element_type3A_1028, %cond3A_1029 : i32
      scf.if %cond3A_1030 {
        %dma_wait3A_1290 = arith.constant 998656 : i32
        %dma_wait3A_1291 = tpu.memref_slice %arg8[%dma_wait3A_1290] : memref<1441664xf32, #tpu.memory_space<vmem_shared>> -> memref<768xf32, #tpu.memory_space<vmem_shared>>
        %dma_wait3A_1292 = arith.constant 0 : i32
        %dma_wait3A_1293 = tpu.memref_slice %arg2[%add3A_992, %dma_wait3A_1292] : memref<64x1000000xf32, #tpu.memory_space<hbm>> -> memref<1x1000000xf32, #tpu.memory_space<hbm>>
        %dma_wait3A_1294 = tpu.memref_squeeze %dma_wait3A_1293 : memref<1x1000000xf32, #tpu.memory_space<hbm>> -> memref<1000000xf32, #tpu.memory_space<hbm>>
        %dma_wait3A_1295 = arith.constant 998656 : i32
        %dma_wait3A_1296 = tpu.memref_slice %dma_wait3A_1294[%dma_wait3A_1295] : memref<1000000xf32, #tpu.memory_space<hbm>> -> memref<768xf32, #tpu.memory_space<hbm>>
        tpu.wait_dma2 semaphore(%arg11 : memref<!tpu.dma_semaphore, #tpu.memory_space<semaphore_mem>>) src(%dma_wait3A_1296 : memref<768xf32, #tpu.memory_space<hbm>>) dst(%dma_wait3A_1291 : memref<768xf32, #tpu.memory_space<vmem_shared>>)
      } else {
      }
      %eq3A_1031 = arith.constant 1 : i32
      %eq3A_1032 = arith.cmpi eq, %arg1, %eq3A_1031 : i32
      %convert_element_type3A_1033 = arith.extui %eq3A_1032 : i1 to i32
      %cond3A_1034 = arith.constant 0 : i32
      %cond3A_1035 = arith.cmpi ne, %convert_element_type3A_1033, %cond3A_1034 : i32
      scf.if %cond3A_1035 {
        %dma_wait3A_1290 = arith.constant 999424 : i32
        %dma_wait3A_1291 = tpu.memref_slice %arg8[%dma_wait3A_1290] : memref<1441664xf32, #tpu.memory_space<vmem_shared>> -> memref<512xf32, #tpu.memory_space<vmem_shared>>
        %dma_wait3A_1292 = arith.constant 0 : i32
        %dma_wait3A_1293 = tpu.memref_slice %arg2[%add3A_992, %dma_wait3A_1292] : memref<64x1000000xf32, #tpu.memory_space<hbm>> -> memref<1x1000000xf32, #tpu.memory_space<hbm>>
        %dma_wait3A_1294 = tpu.memref_squeeze %dma_wait3A_1293 : memref<1x1000000xf32, #tpu.memory_space<hbm>> -> memref<1000000xf32, #tpu.memory_space<hbm>>
        %dma_wait3A_1295 = arith.constant 999424 : i32
        %dma_wait3A_1296 = tpu.memref_slice %dma_wait3A_1294[%dma_wait3A_1295] : memref<1000000xf32, #tpu.memory_space<hbm>> -> memref<512xf32, #tpu.memory_space<hbm>>
        tpu.wait_dma2 semaphore(%arg11 : memref<!tpu.dma_semaphore, #tpu.memory_space<semaphore_mem>>) src(%dma_wait3A_1296 : memref<512xf32, #tpu.memory_space<hbm>>) dst(%dma_wait3A_1291 : memref<512xf32, #tpu.memory_space<vmem_shared>>)
      } else {
      }
      %eq3A_1036 = arith.constant 2 : i32
      %eq3A_1037 = arith.cmpi eq, %arg1, %eq3A_1036 : i32
      %convert_element_type3A_1038 = arith.extui %eq3A_1037 : i1 to i32
      %cond3A_1039 = arith.constant 0 : i32
      %cond3A_1040 = arith.cmpi ne, %convert_element_type3A_1038, %cond3A_1039 : i32
      scf.if %cond3A_1040 {
        %dma_wait3A_1290 = arith.constant 999936 : i32
        %dma_wait3A_1291 = tpu.memref_slice %arg8[%dma_wait3A_1290] : memref<1441664xf32, #tpu.memory_space<vmem_shared>> -> memref<128xf32, #tpu.memory_space<vmem_shared>>
        %dma_wait3A_1292 = tpu.memref_slice %arg4[%mul3A_1020] : memref<8192xf32, #tpu.memory_space<hbm>> -> memref<128xf32, #tpu.memory_space<hbm>>
        tpu.wait_dma2 semaphore(%arg11 : memref<!tpu.dma_semaphore, #tpu.memory_space<semaphore_mem>>) src(%dma_wait3A_1292 : memref<128xf32, #tpu.memory_space<hbm>>) dst(%dma_wait3A_1291 : memref<128xf32, #tpu.memory_space<vmem_shared>>)
      } else {
      }
      %barrier3A_1041 = arith.constant 0 : index
      tpu.barrier barrier_id(%barrier3A_1041)
      %ge3A_1042 = arith.constant 1 : i32
      %ge3A_1043 = arith.cmpi sge, %add3A_990, %ge3A_1042 : i32
      %convert_element_type3A_1044 = arith.extui %ge3A_1043 : i1 to i32
      %cond3A_1045 = arith.constant 0 : i32
      %cond3A_1046 = arith.cmpi ne, %convert_element_type3A_1044, %cond3A_1045 : i32
      scf.if %cond3A_1046 {
        %sub3A_1290 = arith.constant 1 : i32
        %sub3A_1291 = arith.subi %add3A_992, %sub3A_1290 : i32
        %mul3A_1292 = arith.constant 1024 : i32
        %mul3A_1293 = arith.muli %arg1, %mul3A_1292 : i32
        %dma_wait3A_1294 = arith.constant 0 : i32
        %dma_wait3A_1295 = arith.constant 0 : i32
        %dma_wait3A_1296 = tpu.memref_slice %arg7[%dma_wait3A_1295] : memref<20480xf32, #tpu.memory_space<vmem>> -> memref<1024xf32, #tpu.memory_space<vmem>>
        %dma_wait3A_1297 = tpu.memref_slice %arg5[%dma_wait3A_1294, %sub3A_1291, %mul3A_1293] : memref<20x64x16384xf32, #tpu.memory_space<hbm>> -> memref<1x1x1024xf32, #tpu.memory_space<hbm>>
        %dma_wait3A_1298 = tpu.memref_squeeze %dma_wait3A_1297 : memref<1x1x1024xf32, #tpu.memory_space<hbm>> -> memref<1024xf32, #tpu.memory_space<hbm>>
        %dma_wait3A_1299 = tpu.memref_slice %arg5[%dma_wait3A_1294, %sub3A_1291, %mul3A_1293] : memref<20x64x16384xf32, #tpu.memory_space<hbm>> -> memref<1x1x1024xf32, #tpu.memory_space<hbm>>
        %dma_wait3A_1300 = tpu.memref_squeeze %dma_wait3A_1299 : memref<1x1x1024xf32, #tpu.memory_space<hbm>> -> memref<1024xf32, #tpu.memory_space<hbm>>
        %dma_wait3A_1301 = arith.constant 0 : i32
        %dma_wait3A_1302 = tpu.memref_slice %arg7[%dma_wait3A_1301] : memref<20480xf32, #tpu.memory_space<vmem>> -> memref<1024xf32, #tpu.memory_space<vmem>>
        tpu.wait_dma2 semaphore(%arg13 : memref<!tpu.dma_semaphore, #tpu.memory_space<semaphore_mem>>) src(%dma_wait3A_1302 : memref<1024xf32, #tpu.memory_space<vmem>>) dst(%dma_wait3A_1300 : memref<1024xf32, #tpu.memory_space<hbm>>)
        %mul3A_1303 = arith.constant 1024 : i32
        %mul3A_1304 = arith.muli %arg1, %mul3A_1303 : i32
        %dma_wait3A_1305 = arith.constant 1 : i32
        %dma_wait3A_1306 = arith.constant 1024 : i32
        %dma_wait3A_1307 = tpu.memref_slice %arg7[%dma_wait3A_1306] : memref<20480xf32, #tpu.memory_space<vmem>> -> memref<1024xf32, #tpu.memory_space<vmem>>
        %dma_wait3A_1308 = tpu.memref_slice %arg5[%dma_wait3A_1305, %sub3A_1291, %mul3A_1304] : memref<20x64x16384xf32, #tpu.memory_space<hbm>> -> memref<1x1x1024xf32, #tpu.memory_space<hbm>>
        %dma_wait3A_1309 = tpu.memref_squeeze %dma_wait3A_1308 : memref<1x1x1024xf32, #tpu.memory_space<hbm>> -> memref<1024xf32, #tpu.memory_space<hbm>>
        %dma_wait3A_1310 = tpu.memref_slice %arg5[%dma_wait3A_1305, %sub3A_1291, %mul3A_1304] : memref<20x64x16384xf32, #tpu.memory_space<hbm>> -> memref<1x1x1024xf32, #tpu.memory_space<hbm>>
        %dma_wait3A_1311 = tpu.memref_squeeze %dma_wait3A_1310 : memref<1x1x1024xf32, #tpu.memory_space<hbm>> -> memref<1024xf32, #tpu.memory_space<hbm>>
        %dma_wait3A_1312 = arith.constant 1024 : i32
        %dma_wait3A_1313 = tpu.memref_slice %arg7[%dma_wait3A_1312] : memref<20480xf32, #tpu.memory_space<vmem>> -> memref<1024xf32, #tpu.memory_space<vmem>>
        tpu.wait_dma2 semaphore(%arg13 : memref<!tpu.dma_semaphore, #tpu.memory_space<semaphore_mem>>) src(%dma_wait3A_1313 : memref<1024xf32, #tpu.memory_space<vmem>>) dst(%dma_wait3A_1311 : memref<1024xf32, #tpu.memory_space<hbm>>)
        %mul3A_1314 = arith.constant 1024 : i32
        %mul3A_1315 = arith.muli %arg1, %mul3A_1314 : i32
        %dma_wait3A_1316 = arith.constant 2 : i32
        %dma_wait3A_1317 = arith.constant 2048 : i32
        %dma_wait3A_1318 = tpu.memref_slice %arg7[%dma_wait3A_1317] : memref<20480xf32, #tpu.memory_space<vmem>> -> memref<1024xf32, #tpu.memory_space<vmem>>
        %dma_wait3A_1319 = tpu.memref_slice %arg5[%dma_wait3A_1316, %sub3A_1291, %mul3A_1315] : memref<20x64x16384xf32, #tpu.memory_space<hbm>> -> memref<1x1x1024xf32, #tpu.memory_space<hbm>>
        %dma_wait3A_1320 = tpu.memref_squeeze %dma_wait3A_1319 : memref<1x1x1024xf32, #tpu.memory_space<hbm>> -> memref<1024xf32, #tpu.memory_space<hbm>>
        %dma_wait3A_1321 = tpu.memref_slice %arg5[%dma_wait3A_1316, %sub3A_1291, %mul3A_1315] : memref<20x64x16384xf32, #tpu.memory_space<hbm>> -> memref<1x1x1024xf32, #tpu.memory_space<hbm>>
        %dma_wait3A_1322 = tpu.memref_squeeze %dma_wait3A_1321 : memref<1x1x1024xf32, #tpu.memory_space<hbm>> -> memref<1024xf32, #tpu.memory_space<hbm>>
        %dma_wait3A_1323 = arith.constant 2048 : i32
        %dma_wait3A_1324 = tpu.memref_slice %arg7[%dma_wait3A_1323] : memref<20480xf32, #tpu.memory_space<vmem>> -> memref<1024xf32, #tpu.memory_space<vmem>>
        tpu.wait_dma2 semaphore(%arg13 : memref<!tpu.dma_semaphore, #tpu.memory_space<semaphore_mem>>) src(%dma_wait3A_1324 : memref<1024xf32, #tpu.memory_space<vmem>>) dst(%dma_wait3A_1322 : memref<1024xf32, #tpu.memory_space<hbm>>)
        %mul3A_1325 = arith.constant 1024 : i32
        %mul3A_1326 = arith.muli %arg1, %mul3A_1325 : i32
        %dma_wait3A_1327 = arith.constant 3 : i32
        %dma_wait3A_1328 = arith.constant 3072 : i32
        %dma_wait3A_1329 = tpu.memref_slice %arg7[%dma_wait3A_1328] : memref<20480xf32, #tpu.memory_space<vmem>> -> memref<1024xf32, #tpu.memory_space<vmem>>
        %dma_wait3A_1330 = tpu.memref_slice %arg5[%dma_wait3A_1327, %sub3A_1291, %mul3A_1326] : memref<20x64x16384xf32, #tpu.memory_space<hbm>> -> memref<1x1x1024xf32, #tpu.memory_space<hbm>>
        %dma_wait3A_1331 = tpu.memref_squeeze %dma_wait3A_1330 : memref<1x1x1024xf32, #tpu.memory_space<hbm>> -> memref<1024xf32, #tpu.memory_space<hbm>>
        %dma_wait3A_1332 = tpu.memref_slice %arg5[%dma_wait3A_1327, %sub3A_1291, %mul3A_1326] : memref<20x64x16384xf32, #tpu.memory_space<hbm>> -> memref<1x1x1024xf32, #tpu.memory_space<hbm>>
        %dma_wait3A_1333 = tpu.memref_squeeze %dma_wait3A_1332 : memref<1x1x1024xf32, #tpu.memory_space<hbm>> -> memref<1024xf32, #tpu.memory_space<hbm>>
        %dma_wait3A_1334 = arith.constant 3072 : i32
        %dma_wait3A_1335 = tpu.memref_slice %arg7[%dma_wait3A_1334] : memref<20480xf32, #tpu.memory_space<vmem>> -> memref<1024xf32, #tpu.memory_space<vmem>>
        tpu.wait_dma2 semaphore(%arg13 : memref<!tpu.dma_semaphore, #tpu.memory_space<semaphore_mem>>) src(%dma_wait3A_1335 : memref<1024xf32, #tpu.memory_space<vmem>>) dst(%dma_wait3A_1333 : memref<1024xf32, #tpu.memory_space<hbm>>)
        %mul3A_1336 = arith.constant 1024 : i32
        %mul3A_1337 = arith.muli %arg1, %mul3A_1336 : i32
        %dma_wait3A_1338 = arith.constant 4 : i32
        %dma_wait3A_1339 = arith.constant 4096 : i32
        %dma_wait3A_1340 = tpu.memref_slice %arg7[%dma_wait3A_1339] : memref<20480xf32, #tpu.memory_space<vmem>> -> memref<1024xf32, #tpu.memory_space<vmem>>
        %dma_wait3A_1341 = tpu.memref_slice %arg5[%dma_wait3A_1338, %sub3A_1291, %mul3A_1337] : memref<20x64x16384xf32, #tpu.memory_space<hbm>> -> memref<1x1x1024xf32, #tpu.memory_space<hbm>>
        %dma_wait3A_1342 = tpu.memref_squeeze %dma_wait3A_1341 : memref<1x1x1024xf32, #tpu.memory_space<hbm>> -> memref<1024xf32, #tpu.memory_space<hbm>>
        %dma_wait3A_1343 = tpu.memref_slice %arg5[%dma_wait3A_1338, %sub3A_1291, %mul3A_1337] : memref<20x64x16384xf32, #tpu.memory_space<hbm>> -> memref<1x1x1024xf32, #tpu.memory_space<hbm>>
        %dma_wait3A_1344 = tpu.memref_squeeze %dma_wait3A_1343 : memref<1x1x1024xf32, #tpu.memory_space<hbm>> -> memref<1024xf32, #tpu.memory_space<hbm>>
        %dma_wait3A_1345 = arith.constant 4096 : i32
        %dma_wait3A_1346 = tpu.memref_slice %arg7[%dma_wait3A_1345] : memref<20480xf32, #tpu.memory_space<vmem>> -> memref<1024xf32, #tpu.memory_space<vmem>>
        tpu.wait_dma2 semaphore(%arg13 : memref<!tpu.dma_semaphore, #tpu.memory_space<semaphore_mem>>) src(%dma_wait3A_1346 : memref<1024xf32, #tpu.memory_space<vmem>>) dst(%dma_wait3A_1344 : memref<1024xf32, #tpu.memory_space<hbm>>)
        %mul3A_1347 = arith.constant 1024 : i32
        %mul3A_1348 = arith.muli %arg1, %mul3A_1347 : i32
        %dma_wait3A_1349 = arith.constant 5 : i32
        %dma_wait3A_1350 = arith.constant 5120 : i32
        %dma_wait3A_1351 = tpu.memref_slice %arg7[%dma_wait3A_1350] : memref<20480xf32, #tpu.memory_space<vmem>> -> memref<1024xf32, #tpu.memory_space<vmem>>
        %dma_wait3A_1352 = tpu.memref_slice %arg5[%dma_wait3A_1349, %sub3A_1291, %mul3A_1348] : memref<20x64x16384xf32, #tpu.memory_space<hbm>> -> memref<1x1x1024xf32, #tpu.memory_space<hbm>>
        %dma_wait3A_1353 = tpu.memref_squeeze %dma_wait3A_1352 : memref<1x1x1024xf32, #tpu.memory_space<hbm>> -> memref<1024xf32, #tpu.memory_space<hbm>>
        %dma_wait3A_1354 = tpu.memref_slice %arg5[%dma_wait3A_1349, %sub3A_1291, %mul3A_1348] : memref<20x64x16384xf32, #tpu.memory_space<hbm>> -> memref<1x1x1024xf32, #tpu.memory_space<hbm>>
        %dma_wait3A_1355 = tpu.memref_squeeze %dma_wait3A_1354 : memref<1x1x1024xf32, #tpu.memory_space<hbm>> -> memref<1024xf32, #tpu.memory_space<hbm>>
        %dma_wait3A_1356 = arith.constant 5120 : i32
        %dma_wait3A_1357 = tpu.memref_slice %arg7[%dma_wait3A_1356] : memref<20480xf32, #tpu.memory_space<vmem>> -> memref<1024xf32, #tpu.memory_space<vmem>>
        tpu.wait_dma2 semaphore(%arg13 : memref<!tpu.dma_semaphore, #tpu.memory_space<semaphore_mem>>) src(%dma_wait3A_1357 : memref<1024xf32, #tpu.memory_space<vmem>>) dst(%dma_wait3A_1355 : memref<1024xf32, #tpu.memory_space<hbm>>)
        %mul3A_1358 = arith.constant 1024 : i32
        %mul3A_1359 = arith.muli %arg1, %mul3A_1358 : i32
        %dma_wait3A_1360 = arith.constant 6 : i32
        %dma_wait3A_1361 = arith.constant 6144 : i32
        %dma_wait3A_1362 = tpu.memref_slice %arg7[%dma_wait3A_1361] : memref<20480xf32, #tpu.memory_space<vmem>> -> memref<1024xf32, #tpu.memory_space<vmem>>
        %dma_wait3A_1363 = tpu.memref_slice %arg5[%dma_wait3A_1360, %sub3A_1291, %mul3A_1359] : memref<20x64x16384xf32, #tpu.memory_space<hbm>> -> memref<1x1x1024xf32, #tpu.memory_space<hbm>>
        %dma_wait3A_1364 = tpu.memref_squeeze %dma_wait3A_1363 : memref<1x1x1024xf32, #tpu.memory_space<hbm>> -> memref<1024xf32, #tpu.memory_space<hbm>>
        %dma_wait3A_1365 = tpu.memref_slice %arg5[%dma_wait3A_1360, %sub3A_1291, %mul3A_1359] : memref<20x64x16384xf32, #tpu.memory_space<hbm>> -> memref<1x1x1024xf32, #tpu.memory_space<hbm>>
        %dma_wait3A_1366 = tpu.memref_squeeze %dma_wait3A_1365 : memref<1x1x1024xf32, #tpu.memory_space<hbm>> -> memref<1024xf32, #tpu.memory_space<hbm>>
        %dma_wait3A_1367 = arith.constant 6144 : i32
        %dma_wait3A_1368 = tpu.memref_slice %arg7[%dma_wait3A_1367] : memref<20480xf32, #tpu.memory_space<vmem>> -> memref<1024xf32, #tpu.memory_space<vmem>>
        tpu.wait_dma2 semaphore(%arg13 : memref<!tpu.dma_semaphore, #tpu.memory_space<semaphore_mem>>) src(%dma_wait3A_1368 : memref<1024xf32, #tpu.memory_space<vmem>>) dst(%dma_wait3A_1366 : memref<1024xf32, #tpu.memory_space<hbm>>)
        %mul3A_1369 = arith.constant 1024 : i32
        %mul3A_1370 = arith.muli %arg1, %mul3A_1369 : i32
        %dma_wait3A_1371 = arith.constant 7 : i32
        %dma_wait3A_1372 = arith.constant 7168 : i32
        %dma_wait3A_1373 = tpu.memref_slice %arg7[%dma_wait3A_1372] : memref<20480xf32, #tpu.memory_space<vmem>> -> memref<1024xf32, #tpu.memory_space<vmem>>
        %dma_wait3A_1374 = tpu.memref_slice %arg5[%dma_wait3A_1371, %sub3A_1291, %mul3A_1370] : memref<20x64x16384xf32, #tpu.memory_space<hbm>> -> memref<1x1x1024xf32, #tpu.memory_space<hbm>>
        %dma_wait3A_1375 = tpu.memref_squeeze %dma_wait3A_1374 : memref<1x1x1024xf32, #tpu.memory_space<hbm>> -> memref<1024xf32, #tpu.memory_space<hbm>>
        %dma_wait3A_1376 = tpu.memref_slice %arg5[%dma_wait3A_1371, %sub3A_1291, %mul3A_1370] : memref<20x64x16384xf32, #tpu.memory_space<hbm>> -> memref<1x1x1024xf32, #tpu.memory_space<hbm>>
        %dma_wait3A_1377 = tpu.memref_squeeze %dma_wait3A_1376 : memref<1x1x1024xf32, #tpu.memory_space<hbm>> -> memref<1024xf32, #tpu.memory_space<hbm>>
        %dma_wait3A_1378 = arith.constant 7168 : i32
        %dma_wait3A_1379 = tpu.memref_slice %arg7[%dma_wait3A_1378] : memref<20480xf32, #tpu.memory_space<vmem>> -> memref<1024xf32, #tpu.memory_space<vmem>>
        tpu.wait_dma2 semaphore(%arg13 : memref<!tpu.dma_semaphore, #tpu.memory_space<semaphore_mem>>) src(%dma_wait3A_1379 : memref<1024xf32, #tpu.memory_space<vmem>>) dst(%dma_wait3A_1377 : memref<1024xf32, #tpu.memory_space<hbm>>)
        %mul3A_1380 = arith.constant 1024 : i32
        %mul3A_1381 = arith.muli %arg1, %mul3A_1380 : i32
        %dma_wait3A_1382 = arith.constant 8 : i32
        %dma_wait3A_1383 = arith.constant 8192 : i32
        %dma_wait3A_1384 = tpu.memref_slice %arg7[%dma_wait3A_1383] : memref<20480xf32, #tpu.memory_space<vmem>> -> memref<1024xf32, #tpu.memory_space<vmem>>
        %dma_wait3A_1385 = tpu.memref_slice %arg5[%dma_wait3A_1382, %sub3A_1291, %mul3A_1381] : memref<20x64x16384xf32, #tpu.memory_space<hbm>> -> memref<1x1x1024xf32, #tpu.memory_space<hbm>>
        %dma_wait3A_1386 = tpu.memref_squeeze %dma_wait3A_1385 : memref<1x1x1024xf32, #tpu.memory_space<hbm>> -> memref<1024xf32, #tpu.memory_space<hbm>>
        %dma_wait3A_1387 = tpu.memref_slice %arg5[%dma_wait3A_1382, %sub3A_1291, %mul3A_1381] : memref<20x64x16384xf32, #tpu.memory_space<hbm>> -> memref<1x1x1024xf32, #tpu.memory_space<hbm>>
        %dma_wait3A_1388 = tpu.memref_squeeze %dma_wait3A_1387 : memref<1x1x1024xf32, #tpu.memory_space<hbm>> -> memref<1024xf32, #tpu.memory_space<hbm>>
        %dma_wait3A_1389 = arith.constant 8192 : i32
        %dma_wait3A_1390 = tpu.memref_slice %arg7[%dma_wait3A_1389] : memref<20480xf32, #tpu.memory_space<vmem>> -> memref<1024xf32, #tpu.memory_space<vmem>>
        tpu.wait_dma2 semaphore(%arg13 : memref<!tpu.dma_semaphore, #tpu.memory_space<semaphore_mem>>) src(%dma_wait3A_1390 : memref<1024xf32, #tpu.memory_space<vmem>>) dst(%dma_wait3A_1388 : memref<1024xf32, #tpu.memory_space<hbm>>)
        %mul3A_1391 = arith.constant 1024 : i32
        %mul3A_1392 = arith.muli %arg1, %mul3A_1391 : i32
        %dma_wait3A_1393 = arith.constant 9 : i32
        %dma_wait3A_1394 = arith.constant 9216 : i32
        %dma_wait3A_1395 = tpu.memref_slice %arg7[%dma_wait3A_1394] : memref<20480xf32, #tpu.memory_space<vmem>> -> memref<1024xf32, #tpu.memory_space<vmem>>
        %dma_wait3A_1396 = tpu.memref_slice %arg5[%dma_wait3A_1393, %sub3A_1291, %mul3A_1392] : memref<20x64x16384xf32, #tpu.memory_space<hbm>> -> memref<1x1x1024xf32, #tpu.memory_space<hbm>>
        %dma_wait3A_1397 = tpu.memref_squeeze %dma_wait3A_1396 : memref<1x1x1024xf32, #tpu.memory_space<hbm>> -> memref<1024xf32, #tpu.memory_space<hbm>>
        %dma_wait3A_1398 = tpu.memref_slice %arg5[%dma_wait3A_1393, %sub3A_1291, %mul3A_1392] : memref<20x64x16384xf32, #tpu.memory_space<hbm>> -> memref<1x1x1024xf32, #tpu.memory_space<hbm>>
        %dma_wait3A_1399 = tpu.memref_squeeze %dma_wait3A_1398 : memref<1x1x1024xf32, #tpu.memory_space<hbm>> -> memref<1024xf32, #tpu.memory_space<hbm>>
        %dma_wait3A_1400 = arith.constant 9216 : i32
        %dma_wait3A_1401 = tpu.memref_slice %arg7[%dma_wait3A_1400] : memref<20480xf32, #tpu.memory_space<vmem>> -> memref<1024xf32, #tpu.memory_space<vmem>>
        tpu.wait_dma2 semaphore(%arg13 : memref<!tpu.dma_semaphore, #tpu.memory_space<semaphore_mem>>) src(%dma_wait3A_1401 : memref<1024xf32, #tpu.memory_space<vmem>>) dst(%dma_wait3A_1399 : memref<1024xf32, #tpu.memory_space<hbm>>)
        %mul3A_1402 = arith.constant 1024 : i32
        %mul3A_1403 = arith.muli %arg1, %mul3A_1402 : i32
        %dma_wait3A_1404 = arith.constant 10 : i32
        %dma_wait3A_1405 = arith.constant 10240 : i32
        %dma_wait3A_1406 = tpu.memref_slice %arg7[%dma_wait3A_1405] : memref<20480xf32, #tpu.memory_space<vmem>> -> memref<1024xf32, #tpu.memory_space<vmem>>
        %dma_wait3A_1407 = tpu.memref_slice %arg5[%dma_wait3A_1404, %sub3A_1291, %mul3A_1403] : memref<20x64x16384xf32, #tpu.memory_space<hbm>> -> memref<1x1x1024xf32, #tpu.memory_space<hbm>>
        %dma_wait3A_1408 = tpu.memref_squeeze %dma_wait3A_1407 : memref<1x1x1024xf32, #tpu.memory_space<hbm>> -> memref<1024xf32, #tpu.memory_space<hbm>>
        %dma_wait3A_1409 = tpu.memref_slice %arg5[%dma_wait3A_1404, %sub3A_1291, %mul3A_1403] : memref<20x64x16384xf32, #tpu.memory_space<hbm>> -> memref<1x1x1024xf32, #tpu.memory_space<hbm>>
        %dma_wait3A_1410 = tpu.memref_squeeze %dma_wait3A_1409 : memref<1x1x1024xf32, #tpu.memory_space<hbm>> -> memref<1024xf32, #tpu.memory_space<hbm>>
        %dma_wait3A_1411 = arith.constant 10240 : i32
        %dma_wait3A_1412 = tpu.memref_slice %arg7[%dma_wait3A_1411] : memref<20480xf32, #tpu.memory_space<vmem>> -> memref<1024xf32, #tpu.memory_space<vmem>>
        tpu.wait_dma2 semaphore(%arg13 : memref<!tpu.dma_semaphore, #tpu.memory_space<semaphore_mem>>) src(%dma_wait3A_1412 : memref<1024xf32, #tpu.memory_space<vmem>>) dst(%dma_wait3A_1410 : memref<1024xf32, #tpu.memory_space<hbm>>)
        %mul3A_1413 = arith.constant 1024 : i32
        %mul3A_1414 = arith.muli %arg1, %mul3A_1413 : i32
        %dma_wait3A_1415 = arith.constant 11 : i32
        %dma_wait3A_1416 = arith.constant 11264 : i32
        %dma_wait3A_1417 = tpu.memref_slice %arg7[%dma_wait3A_1416] : memref<20480xf32, #tpu.memory_space<vmem>> -> memref<1024xf32, #tpu.memory_space<vmem>>
        %dma_wait3A_1418 = tpu.memref_slice %arg5[%dma_wait3A_1415, %sub3A_1291, %mul3A_1414] : memref<20x64x16384xf32, #tpu.memory_space<hbm>> -> memref<1x1x1024xf32, #tpu.memory_space<hbm>>
        %dma_wait3A_1419 = tpu.memref_squeeze %dma_wait3A_1418 : memref<1x1x1024xf32, #tpu.memory_space<hbm>> -> memref<1024xf32, #tpu.memory_space<hbm>>
        %dma_wait3A_1420 = tpu.memref_slice %arg5[%dma_wait3A_1415, %sub3A_1291, %mul3A_1414] : memref<20x64x16384xf32, #tpu.memory_space<hbm>> -> memref<1x1x1024xf32, #tpu.memory_space<hbm>>
        %dma_wait3A_1421 = tpu.memref_squeeze %dma_wait3A_1420 : memref<1x1x1024xf32, #tpu.memory_space<hbm>> -> memref<1024xf32, #tpu.memory_space<hbm>>
        %dma_wait3A_1422 = arith.constant 11264 : i32
        %dma_wait3A_1423 = tpu.memref_slice %arg7[%dma_wait3A_1422] : memref<20480xf32, #tpu.memory_space<vmem>> -> memref<1024xf32, #tpu.memory_space<vmem>>
        tpu.wait_dma2 semaphore(%arg13 : memref<!tpu.dma_semaphore, #tpu.memory_space<semaphore_mem>>) src(%dma_wait3A_1423 : memref<1024xf32, #tpu.memory_space<vmem>>) dst(%dma_wait3A_1421 : memref<1024xf32, #tpu.memory_space<hbm>>)
        %mul3A_1424 = arith.constant 1024 : i32
        %mul3A_1425 = arith.muli %arg1, %mul3A_1424 : i32
        %dma_wait3A_1426 = arith.constant 12 : i32
        %dma_wait3A_1427 = arith.constant 12288 : i32
        %dma_wait3A_1428 = tpu.memref_slice %arg7[%dma_wait3A_1427] : memref<20480xf32, #tpu.memory_space<vmem>> -> memref<1024xf32, #tpu.memory_space<vmem>>
        %dma_wait3A_1429 = tpu.memref_slice %arg5[%dma_wait3A_1426, %sub3A_1291, %mul3A_1425] : memref<20x64x16384xf32, #tpu.memory_space<hbm>> -> memref<1x1x1024xf32, #tpu.memory_space<hbm>>
        %dma_wait3A_1430 = tpu.memref_squeeze %dma_wait3A_1429 : memref<1x1x1024xf32, #tpu.memory_space<hbm>> -> memref<1024xf32, #tpu.memory_space<hbm>>
        %dma_wait3A_1431 = tpu.memref_slice %arg5[%dma_wait3A_1426, %sub3A_1291, %mul3A_1425] : memref<20x64x16384xf32, #tpu.memory_space<hbm>> -> memref<1x1x1024xf32, #tpu.memory_space<hbm>>
        %dma_wait3A_1432 = tpu.memref_squeeze %dma_wait3A_1431 : memref<1x1x1024xf32, #tpu.memory_space<hbm>> -> memref<1024xf32, #tpu.memory_space<hbm>>
        %dma_wait3A_1433 = arith.constant 12288 : i32
        %dma_wait3A_1434 = tpu.memref_slice %arg7[%dma_wait3A_1433] : memref<20480xf32, #tpu.memory_space<vmem>> -> memref<1024xf32, #tpu.memory_space<vmem>>
        tpu.wait_dma2 semaphore(%arg13 : memref<!tpu.dma_semaphore, #tpu.memory_space<semaphore_mem>>) src(%dma_wait3A_1434 : memref<1024xf32, #tpu.memory_space<vmem>>) dst(%dma_wait3A_1432 : memref<1024xf32, #tpu.memory_space<hbm>>)
        %mul3A_1435 = arith.constant 1024 : i32
        %mul3A_1436 = arith.muli %arg1, %mul3A_1435 : i32
        %dma_wait3A_1437 = arith.constant 13 : i32
        %dma_wait3A_1438 = arith.constant 13312 : i32
        %dma_wait3A_1439 = tpu.memref_slice %arg7[%dma_wait3A_1438] : memref<20480xf32, #tpu.memory_space<vmem>> -> memref<1024xf32, #tpu.memory_space<vmem>>
        %dma_wait3A_1440 = tpu.memref_slice %arg5[%dma_wait3A_1437, %sub3A_1291, %mul3A_1436] : memref<20x64x16384xf32, #tpu.memory_space<hbm>> -> memref<1x1x1024xf32, #tpu.memory_space<hbm>>
        %dma_wait3A_1441 = tpu.memref_squeeze %dma_wait3A_1440 : memref<1x1x1024xf32, #tpu.memory_space<hbm>> -> memref<1024xf32, #tpu.memory_space<hbm>>
        %dma_wait3A_1442 = tpu.memref_slice %arg5[%dma_wait3A_1437, %sub3A_1291, %mul3A_1436] : memref<20x64x16384xf32, #tpu.memory_space<hbm>> -> memref<1x1x1024xf32, #tpu.memory_space<hbm>>
        %dma_wait3A_1443 = tpu.memref_squeeze %dma_wait3A_1442 : memref<1x1x1024xf32, #tpu.memory_space<hbm>> -> memref<1024xf32, #tpu.memory_space<hbm>>
        %dma_wait3A_1444 = arith.constant 13312 : i32
        %dma_wait3A_1445 = tpu.memref_slice %arg7[%dma_wait3A_1444] : memref<20480xf32, #tpu.memory_space<vmem>> -> memref<1024xf32, #tpu.memory_space<vmem>>
        tpu.wait_dma2 semaphore(%arg13 : memref<!tpu.dma_semaphore, #tpu.memory_space<semaphore_mem>>) src(%dma_wait3A_1445 : memref<1024xf32, #tpu.memory_space<vmem>>) dst(%dma_wait3A_1443 : memref<1024xf32, #tpu.memory_space<hbm>>)
        %mul3A_1446 = arith.constant 1024 : i32
        %mul3A_1447 = arith.muli %arg1, %mul3A_1446 : i32
        %dma_wait3A_1448 = arith.constant 14 : i32
        %dma_wait3A_1449 = arith.constant 14336 : i32
        %dma_wait3A_1450 = tpu.memref_slice %arg7[%dma_wait3A_1449] : memref<20480xf32, #tpu.memory_space<vmem>> -> memref<1024xf32, #tpu.memory_space<vmem>>
        %dma_wait3A_1451 = tpu.memref_slice %arg5[%dma_wait3A_1448, %sub3A_1291, %mul3A_1447] : memref<20x64x16384xf32, #tpu.memory_space<hbm>> -> memref<1x1x1024xf32, #tpu.memory_space<hbm>>
        %dma_wait3A_1452 = tpu.memref_squeeze %dma_wait3A_1451 : memref<1x1x1024xf32, #tpu.memory_space<hbm>> -> memref<1024xf32, #tpu.memory_space<hbm>>
        %dma_wait3A_1453 = tpu.memref_slice %arg5[%dma_wait3A_1448, %sub3A_1291, %mul3A_1447] : memref<20x64x16384xf32, #tpu.memory_space<hbm>> -> memref<1x1x1024xf32, #tpu.memory_space<hbm>>
        %dma_wait3A_1454 = tpu.memref_squeeze %dma_wait3A_1453 : memref<1x1x1024xf32, #tpu.memory_space<hbm>> -> memref<1024xf32, #tpu.memory_space<hbm>>
        %dma_wait3A_1455 = arith.constant 14336 : i32
        %dma_wait3A_1456 = tpu.memref_slice %arg7[%dma_wait3A_1455] : memref<20480xf32, #tpu.memory_space<vmem>> -> memref<1024xf32, #tpu.memory_space<vmem>>
        tpu.wait_dma2 semaphore(%arg13 : memref<!tpu.dma_semaphore, #tpu.memory_space<semaphore_mem>>) src(%dma_wait3A_1456 : memref<1024xf32, #tpu.memory_space<vmem>>) dst(%dma_wait3A_1454 : memref<1024xf32, #tpu.memory_space<hbm>>)
        %mul3A_1457 = arith.constant 1024 : i32
        %mul3A_1458 = arith.muli %arg1, %mul3A_1457 : i32
        %dma_wait3A_1459 = arith.constant 15 : i32
        %dma_wait3A_1460 = arith.constant 15360 : i32
        %dma_wait3A_1461 = tpu.memref_slice %arg7[%dma_wait3A_1460] : memref<20480xf32, #tpu.memory_space<vmem>> -> memref<1024xf32, #tpu.memory_space<vmem>>
        %dma_wait3A_1462 = tpu.memref_slice %arg5[%dma_wait3A_1459, %sub3A_1291, %mul3A_1458] : memref<20x64x16384xf32, #tpu.memory_space<hbm>> -> memref<1x1x1024xf32, #tpu.memory_space<hbm>>
        %dma_wait3A_1463 = tpu.memref_squeeze %dma_wait3A_1462 : memref<1x1x1024xf32, #tpu.memory_space<hbm>> -> memref<1024xf32, #tpu.memory_space<hbm>>
        %dma_wait3A_1464 = tpu.memref_slice %arg5[%dma_wait3A_1459, %sub3A_1291, %mul3A_1458] : memref<20x64x16384xf32, #tpu.memory_space<hbm>> -> memref<1x1x1024xf32, #tpu.memory_space<hbm>>
        %dma_wait3A_1465 = tpu.memref_squeeze %dma_wait3A_1464 : memref<1x1x1024xf32, #tpu.memory_space<hbm>> -> memref<1024xf32, #tpu.memory_space<hbm>>
        %dma_wait3A_1466 = arith.constant 15360 : i32
        %dma_wait3A_1467 = tpu.memref_slice %arg7[%dma_wait3A_1466] : memref<20480xf32, #tpu.memory_space<vmem>> -> memref<1024xf32, #tpu.memory_space<vmem>>
        tpu.wait_dma2 semaphore(%arg13 : memref<!tpu.dma_semaphore, #tpu.memory_space<semaphore_mem>>) src(%dma_wait3A_1467 : memref<1024xf32, #tpu.memory_space<vmem>>) dst(%dma_wait3A_1465 : memref<1024xf32, #tpu.memory_space<hbm>>)
        %mul3A_1468 = arith.constant 1024 : i32
        %mul3A_1469 = arith.muli %arg1, %mul3A_1468 : i32
        %dma_wait3A_1470 = arith.constant 16 : i32
        %dma_wait3A_1471 = arith.constant 16384 : i32
        %dma_wait3A_1472 = tpu.memref_slice %arg7[%dma_wait3A_1471] : memref<20480xf32, #tpu.memory_space<vmem>> -> memref<1024xf32, #tpu.memory_space<vmem>>
        %dma_wait3A_1473 = tpu.memref_slice %arg5[%dma_wait3A_1470, %sub3A_1291, %mul3A_1469] : memref<20x64x16384xf32, #tpu.memory_space<hbm>> -> memref<1x1x1024xf32, #tpu.memory_space<hbm>>
        %dma_wait3A_1474 = tpu.memref_squeeze %dma_wait3A_1473 : memref<1x1x1024xf32, #tpu.memory_space<hbm>> -> memref<1024xf32, #tpu.memory_space<hbm>>
        %dma_wait3A_1475 = tpu.memref_slice %arg5[%dma_wait3A_1470, %sub3A_1291, %mul3A_1469] : memref<20x64x16384xf32, #tpu.memory_space<hbm>> -> memref<1x1x1024xf32, #tpu.memory_space<hbm>>
        %dma_wait3A_1476 = tpu.memref_squeeze %dma_wait3A_1475 : memref<1x1x1024xf32, #tpu.memory_space<hbm>> -> memref<1024xf32, #tpu.memory_space<hbm>>
        %dma_wait3A_1477 = arith.constant 16384 : i32
        %dma_wait3A_1478 = tpu.memref_slice %arg7[%dma_wait3A_1477] : memref<20480xf32, #tpu.memory_space<vmem>> -> memref<1024xf32, #tpu.memory_space<vmem>>
        tpu.wait_dma2 semaphore(%arg13 : memref<!tpu.dma_semaphore, #tpu.memory_space<semaphore_mem>>) src(%dma_wait3A_1478 : memref<1024xf32, #tpu.memory_space<vmem>>) dst(%dma_wait3A_1476 : memref<1024xf32, #tpu.memory_space<hbm>>)
        %mul3A_1479 = arith.constant 1024 : i32
        %mul3A_1480 = arith.muli %arg1, %mul3A_1479 : i32
        %dma_wait3A_1481 = arith.constant 17 : i32
        %dma_wait3A_1482 = arith.constant 17408 : i32
        %dma_wait3A_1483 = tpu.memref_slice %arg7[%dma_wait3A_1482] : memref<20480xf32, #tpu.memory_space<vmem>> -> memref<1024xf32, #tpu.memory_space<vmem>>
        %dma_wait3A_1484 = tpu.memref_slice %arg5[%dma_wait3A_1481, %sub3A_1291, %mul3A_1480] : memref<20x64x16384xf32, #tpu.memory_space<hbm>> -> memref<1x1x1024xf32, #tpu.memory_space<hbm>>
        %dma_wait3A_1485 = tpu.memref_squeeze %dma_wait3A_1484 : memref<1x1x1024xf32, #tpu.memory_space<hbm>> -> memref<1024xf32, #tpu.memory_space<hbm>>
        %dma_wait3A_1486 = tpu.memref_slice %arg5[%dma_wait3A_1481, %sub3A_1291, %mul3A_1480] : memref<20x64x16384xf32, #tpu.memory_space<hbm>> -> memref<1x1x1024xf32, #tpu.memory_space<hbm>>
        %dma_wait3A_1487 = tpu.memref_squeeze %dma_wait3A_1486 : memref<1x1x1024xf32, #tpu.memory_space<hbm>> -> memref<1024xf32, #tpu.memory_space<hbm>>
        %dma_wait3A_1488 = arith.constant 17408 : i32
        %dma_wait3A_1489 = tpu.memref_slice %arg7[%dma_wait3A_1488] : memref<20480xf32, #tpu.memory_space<vmem>> -> memref<1024xf32, #tpu.memory_space<vmem>>
        tpu.wait_dma2 semaphore(%arg13 : memref<!tpu.dma_semaphore, #tpu.memory_space<semaphore_mem>>) src(%dma_wait3A_1489 : memref<1024xf32, #tpu.memory_space<vmem>>) dst(%dma_wait3A_1487 : memref<1024xf32, #tpu.memory_space<hbm>>)
        %mul3A_1490 = arith.constant 1024 : i32
        %mul3A_1491 = arith.muli %arg1, %mul3A_1490 : i32
        %dma_wait3A_1492 = arith.constant 18 : i32
        %dma_wait3A_1493 = arith.constant 18432 : i32
        %dma_wait3A_1494 = tpu.memref_slice %arg7[%dma_wait3A_1493] : memref<20480xf32, #tpu.memory_space<vmem>> -> memref<1024xf32, #tpu.memory_space<vmem>>
        %dma_wait3A_1495 = tpu.memref_slice %arg5[%dma_wait3A_1492, %sub3A_1291, %mul3A_1491] : memref<20x64x16384xf32, #tpu.memory_space<hbm>> -> memref<1x1x1024xf32, #tpu.memory_space<hbm>>
        %dma_wait3A_1496 = tpu.memref_squeeze %dma_wait3A_1495 : memref<1x1x1024xf32, #tpu.memory_space<hbm>> -> memref<1024xf32, #tpu.memory_space<hbm>>
        %dma_wait3A_1497 = tpu.memref_slice %arg5[%dma_wait3A_1492, %sub3A_1291, %mul3A_1491] : memref<20x64x16384xf32, #tpu.memory_space<hbm>> -> memref<1x1x1024xf32, #tpu.memory_space<hbm>>
        %dma_wait3A_1498 = tpu.memref_squeeze %dma_wait3A_1497 : memref<1x1x1024xf32, #tpu.memory_space<hbm>> -> memref<1024xf32, #tpu.memory_space<hbm>>
        %dma_wait3A_1499 = arith.constant 18432 : i32
        %dma_wait3A_1500 = tpu.memref_slice %arg7[%dma_wait3A_1499] : memref<20480xf32, #tpu.memory_space<vmem>> -> memref<1024xf32, #tpu.memory_space<vmem>>
        tpu.wait_dma2 semaphore(%arg13 : memref<!tpu.dma_semaphore, #tpu.memory_space<semaphore_mem>>) src(%dma_wait3A_1500 : memref<1024xf32, #tpu.memory_space<vmem>>) dst(%dma_wait3A_1498 : memref<1024xf32, #tpu.memory_space<hbm>>)
        %mul3A_1501 = arith.constant 1024 : i32
        %mul3A_1502 = arith.muli %arg1, %mul3A_1501 : i32
        %dma_wait3A_1503 = arith.constant 19 : i32
        %dma_wait3A_1504 = arith.constant 19456 : i32
        %dma_wait3A_1505 = tpu.memref_slice %arg7[%dma_wait3A_1504] : memref<20480xf32, #tpu.memory_space<vmem>> -> memref<1024xf32, #tpu.memory_space<vmem>>
        %dma_wait3A_1506 = tpu.memref_slice %arg5[%dma_wait3A_1503, %sub3A_1291, %mul3A_1502] : memref<20x64x16384xf32, #tpu.memory_space<hbm>> -> memref<1x1x1024xf32, #tpu.memory_space<hbm>>
        %dma_wait3A_1507 = tpu.memref_squeeze %dma_wait3A_1506 : memref<1x1x1024xf32, #tpu.memory_space<hbm>> -> memref<1024xf32, #tpu.memory_space<hbm>>
        %dma_wait3A_1508 = tpu.memref_slice %arg5[%dma_wait3A_1503, %sub3A_1291, %mul3A_1502] : memref<20x64x16384xf32, #tpu.memory_space<hbm>> -> memref<1x1x1024xf32, #tpu.memory_space<hbm>>
        %dma_wait3A_1509 = tpu.memref_squeeze %dma_wait3A_1508 : memref<1x1x1024xf32, #tpu.memory_space<hbm>> -> memref<1024xf32, #tpu.memory_space<hbm>>
        %dma_wait3A_1510 = arith.constant 19456 : i32
        %dma_wait3A_1511 = tpu.memref_slice %arg7[%dma_wait3A_1510] : memref<20480xf32, #tpu.memory_space<vmem>> -> memref<1024xf32, #tpu.memory_space<vmem>>
        tpu.wait_dma2 semaphore(%arg13 : memref<!tpu.dma_semaphore, #tpu.memory_space<semaphore_mem>>) src(%dma_wait3A_1511 : memref<1024xf32, #tpu.memory_space<vmem>>) dst(%dma_wait3A_1509 : memref<1024xf32, #tpu.memory_space<hbm>>)
      } else {
      }
      %dma_start3A_1047 = arith.constant 0 : i32
      %dma_start3A_1048 = tpu.memref_slice %arg8[%dma_start3A_1047] : memref<1441664xf32, #tpu.memory_space<vmem_shared>> -> memref<1000064xf32, #tpu.memory_space<vmem_shared>>
      %dma_start3A_1049 = arith.constant 0 : i32
      %dma_start3A_1050 = tpu.memref_slice %dma_start3A_1048[%dma_start3A_1049] : memref<1000064xf32, #tpu.memory_space<vmem_shared>> -> memref<1000064xf32, #tpu.memory_space<vmem_shared>>
      tpu.enqueue_indirect_dma source(%dma_start3A_1050 : memref<1000064xf32, #tpu.memory_space<vmem_shared>>) target(%arg7 : memref<20480xf32, #tpu.memory_space<vmem>>) offsets(%arg6 : memref<20480xi32, #tpu.memory_space<vmem>>) semaphore(%arg12 : memref<!tpu.dma_semaphore, #tpu.memory_space<semaphore_mem>>)
      %dma_wait3A_1051 = arith.constant 0 : i32
      %dma_wait3A_1052 = tpu.memref_slice %arg8[%dma_wait3A_1051] : memref<1441664xf32, #tpu.memory_space<vmem_shared>> -> memref<1000064xf32, #tpu.memory_space<vmem_shared>>
      %dma_wait3A_1053 = arith.constant 0 : i32
      %dma_wait3A_1054 = tpu.memref_slice %dma_wait3A_1052[%dma_wait3A_1053] : memref<1000064xf32, #tpu.memory_space<vmem_shared>> -> memref<1000064xf32, #tpu.memory_space<vmem_shared>>
      tpu.wait_indirect_dma semaphore(%arg12 : memref<!tpu.dma_semaphore, #tpu.memory_space<semaphore_mem>>) src(%dma_wait3A_1054 : memref<1000064xf32, #tpu.memory_space<vmem_shared>>) dst(%arg7 : memref<20480xf32, #tpu.memory_space<vmem>>)
      %mul3A_1055 = arith.constant 1024 : i32
      %mul3A_1056 = arith.muli %arg1, %mul3A_1055 : i32
      %dma_start3A_1057 = arith.constant 0 : i32
      %dma_start3A_1058 = arith.constant 0 : i32
      %dma_start3A_1059 = tpu.memref_slice %arg7[%dma_start3A_1058] : memref<20480xf32, #tpu.memory_space<vmem>> -> memref<1024xf32, #tpu.memory_space<vmem>>
      %dma_start3A_1060 = tpu.memref_slice %arg5[%dma_start3A_1057, %add3A_992, %mul3A_1056] : memref<20x64x16384xf32, #tpu.memory_space<hbm>> -> memref<1x1x1024xf32, #tpu.memory_space<hbm>>
      %dma_start3A_1061 = tpu.memref_squeeze %dma_start3A_1060 : memref<1x1x1024xf32, #tpu.memory_space<hbm>> -> memref<1024xf32, #tpu.memory_space<hbm>>
      %dma_start3A_1062 = tpu.memref_slice %arg5[%dma_start3A_1057, %add3A_992, %mul3A_1056] : memref<20x64x16384xf32, #tpu.memory_space<hbm>> -> memref<1x1x1024xf32, #tpu.memory_space<hbm>>
      %dma_start3A_1063 = tpu.memref_squeeze %dma_start3A_1062 : memref<1x1x1024xf32, #tpu.memory_space<hbm>> -> memref<1024xf32, #tpu.memory_space<hbm>>
      %dma_start3A_1064 = arith.constant 0 : i32
      %dma_start3A_1065 = tpu.memref_slice %arg7[%dma_start3A_1064] : memref<20480xf32, #tpu.memory_space<vmem>> -> memref<1024xf32, #tpu.memory_space<vmem>>
      tpu.enqueue_dma source(%dma_start3A_1065 : memref<1024xf32, #tpu.memory_space<vmem>>) target(%dma_start3A_1063 : memref<1024xf32, #tpu.memory_space<hbm>>) target_semaphore(%arg13 : memref<!tpu.dma_semaphore, #tpu.memory_space<semaphore_mem>>)
      %mul3A_1066 = arith.constant 1024 : i32
      %mul3A_1067 = arith.muli %arg1, %mul3A_1066 : i32
      %dma_start3A_1068 = arith.constant 1 : i32
      %dma_start3A_1069 = arith.constant 1024 : i32
      %dma_start3A_1070 = tpu.memref_slice %arg7[%dma_start3A_1069] : memref<20480xf32, #tpu.memory_space<vmem>> -> memref<1024xf32, #tpu.memory_space<vmem>>
      %dma_start3A_1071 = tpu.memref_slice %arg5[%dma_start3A_1068, %add3A_992, %mul3A_1067] : memref<20x64x16384xf32, #tpu.memory_space<hbm>> -> memref<1x1x1024xf32, #tpu.memory_space<hbm>>
      %dma_start3A_1072 = tpu.memref_squeeze %dma_start3A_1071 : memref<1x1x1024xf32, #tpu.memory_space<hbm>> -> memref<1024xf32, #tpu.memory_space<hbm>>
      %dma_start3A_1073 = tpu.memref_slice %arg5[%dma_start3A_1068, %add3A_992, %mul3A_1067] : memref<20x64x16384xf32, #tpu.memory_space<hbm>> -> memref<1x1x1024xf32, #tpu.memory_space<hbm>>
      %dma_start3A_1074 = tpu.memref_squeeze %dma_start3A_1073 : memref<1x1x1024xf32, #tpu.memory_space<hbm>> -> memref<1024xf32, #tpu.memory_space<hbm>>
      %dma_start3A_1075 = arith.constant 1024 : i32
      %dma_start3A_1076 = tpu.memref_slice %arg7[%dma_start3A_1075] : memref<20480xf32, #tpu.memory_space<vmem>> -> memref<1024xf32, #tpu.memory_space<vmem>>
      tpu.enqueue_dma source(%dma_start3A_1076 : memref<1024xf32, #tpu.memory_space<vmem>>) target(%dma_start3A_1074 : memref<1024xf32, #tpu.memory_space<hbm>>) target_semaphore(%arg13 : memref<!tpu.dma_semaphore, #tpu.memory_space<semaphore_mem>>)
      %mul3A_1077 = arith.constant 1024 : i32
      %mul3A_1078 = arith.muli %arg1, %mul3A_1077 : i32
      %dma_start3A_1079 = arith.constant 2 : i32
      %dma_start3A_1080 = arith.constant 2048 : i32
      %dma_start3A_1081 = tpu.memref_slice %arg7[%dma_start3A_1080] : memref<20480xf32, #tpu.memory_space<vmem>> -> memref<1024xf32, #tpu.memory_space<vmem>>
      %dma_start3A_1082 = tpu.memref_slice %arg5[%dma_start3A_1079, %add3A_992, %mul3A_1078] : memref<20x64x16384xf32, #tpu.memory_space<hbm>> -> memref<1x1x1024xf32, #tpu.memory_space<hbm>>
      %dma_start3A_1083 = tpu.memref_squeeze %dma_start3A_1082 : memref<1x1x1024xf32, #tpu.memory_space<hbm>> -> memref<1024xf32, #tpu.memory_space<hbm>>
      %dma_start3A_1084 = tpu.memref_slice %arg5[%dma_start3A_1079, %add3A_992, %mul3A_1078] : memref<20x64x16384xf32, #tpu.memory_space<hbm>> -> memref<1x1x1024xf32, #tpu.memory_space<hbm>>
      %dma_start3A_1085 = tpu.memref_squeeze %dma_start3A_1084 : memref<1x1x1024xf32, #tpu.memory_space<hbm>> -> memref<1024xf32, #tpu.memory_space<hbm>>
      %dma_start3A_1086 = arith.constant 2048 : i32
      %dma_start3A_1087 = tpu.memref_slice %arg7[%dma_start3A_1086] : memref<20480xf32, #tpu.memory_space<vmem>> -> memref<1024xf32, #tpu.memory_space<vmem>>
      tpu.enqueue_dma source(%dma_start3A_1087 : memref<1024xf32, #tpu.memory_space<vmem>>) target(%dma_start3A_1085 : memref<1024xf32, #tpu.memory_space<hbm>>) target_semaphore(%arg13 : memref<!tpu.dma_semaphore, #tpu.memory_space<semaphore_mem>>)
      %mul3A_1088 = arith.constant 1024 : i32
      %mul3A_1089 = arith.muli %arg1, %mul3A_1088 : i32
      %dma_start3A_1090 = arith.constant 3 : i32
      %dma_start3A_1091 = arith.constant 3072 : i32
      %dma_start3A_1092 = tpu.memref_slice %arg7[%dma_start3A_1091] : memref<20480xf32, #tpu.memory_space<vmem>> -> memref<1024xf32, #tpu.memory_space<vmem>>
      %dma_start3A_1093 = tpu.memref_slice %arg5[%dma_start3A_1090, %add3A_992, %mul3A_1089] : memref<20x64x16384xf32, #tpu.memory_space<hbm>> -> memref<1x1x1024xf32, #tpu.memory_space<hbm>>
      %dma_start3A_1094 = tpu.memref_squeeze %dma_start3A_1093 : memref<1x1x1024xf32, #tpu.memory_space<hbm>> -> memref<1024xf32, #tpu.memory_space<hbm>>
      %dma_start3A_1095 = tpu.memref_slice %arg5[%dma_start3A_1090, %add3A_992, %mul3A_1089] : memref<20x64x16384xf32, #tpu.memory_space<hbm>> -> memref<1x1x1024xf32, #tpu.memory_space<hbm>>
      %dma_start3A_1096 = tpu.memref_squeeze %dma_start3A_1095 : memref<1x1x1024xf32, #tpu.memory_space<hbm>> -> memref<1024xf32, #tpu.memory_space<hbm>>
      %dma_start3A_1097 = arith.constant 3072 : i32
      %dma_start3A_1098 = tpu.memref_slice %arg7[%dma_start3A_1097] : memref<20480xf32, #tpu.memory_space<vmem>> -> memref<1024xf32, #tpu.memory_space<vmem>>
      tpu.enqueue_dma source(%dma_start3A_1098 : memref<1024xf32, #tpu.memory_space<vmem>>) target(%dma_start3A_1096 : memref<1024xf32, #tpu.memory_space<hbm>>) target_semaphore(%arg13 : memref<!tpu.dma_semaphore, #tpu.memory_space<semaphore_mem>>)
      %mul3A_1099 = arith.constant 1024 : i32
      %mul3A_1100 = arith.muli %arg1, %mul3A_1099 : i32
      %dma_start3A_1101 = arith.constant 4 : i32
      %dma_start3A_1102 = arith.constant 4096 : i32
      %dma_start3A_1103 = tpu.memref_slice %arg7[%dma_start3A_1102] : memref<20480xf32, #tpu.memory_space<vmem>> -> memref<1024xf32, #tpu.memory_space<vmem>>
      %dma_start3A_1104 = tpu.memref_slice %arg5[%dma_start3A_1101, %add3A_992, %mul3A_1100] : memref<20x64x16384xf32, #tpu.memory_space<hbm>> -> memref<1x1x1024xf32, #tpu.memory_space<hbm>>
      %dma_start3A_1105 = tpu.memref_squeeze %dma_start3A_1104 : memref<1x1x1024xf32, #tpu.memory_space<hbm>> -> memref<1024xf32, #tpu.memory_space<hbm>>
      %dma_start3A_1106 = tpu.memref_slice %arg5[%dma_start3A_1101, %add3A_992, %mul3A_1100] : memref<20x64x16384xf32, #tpu.memory_space<hbm>> -> memref<1x1x1024xf32, #tpu.memory_space<hbm>>
      %dma_start3A_1107 = tpu.memref_squeeze %dma_start3A_1106 : memref<1x1x1024xf32, #tpu.memory_space<hbm>> -> memref<1024xf32, #tpu.memory_space<hbm>>
      %dma_start3A_1108 = arith.constant 4096 : i32
      %dma_start3A_1109 = tpu.memref_slice %arg7[%dma_start3A_1108] : memref<20480xf32, #tpu.memory_space<vmem>> -> memref<1024xf32, #tpu.memory_space<vmem>>
      tpu.enqueue_dma source(%dma_start3A_1109 : memref<1024xf32, #tpu.memory_space<vmem>>) target(%dma_start3A_1107 : memref<1024xf32, #tpu.memory_space<hbm>>) target_semaphore(%arg13 : memref<!tpu.dma_semaphore, #tpu.memory_space<semaphore_mem>>)
      %mul3A_1110 = arith.constant 1024 : i32
      %mul3A_1111 = arith.muli %arg1, %mul3A_1110 : i32
      %dma_start3A_1112 = arith.constant 5 : i32
      %dma_start3A_1113 = arith.constant 5120 : i32
      %dma_start3A_1114 = tpu.memref_slice %arg7[%dma_start3A_1113] : memref<20480xf32, #tpu.memory_space<vmem>> -> memref<1024xf32, #tpu.memory_space<vmem>>
      %dma_start3A_1115 = tpu.memref_slice %arg5[%dma_start3A_1112, %add3A_992, %mul3A_1111] : memref<20x64x16384xf32, #tpu.memory_space<hbm>> -> memref<1x1x1024xf32, #tpu.memory_space<hbm>>
      %dma_start3A_1116 = tpu.memref_squeeze %dma_start3A_1115 : memref<1x1x1024xf32, #tpu.memory_space<hbm>> -> memref<1024xf32, #tpu.memory_space<hbm>>
      %dma_start3A_1117 = tpu.memref_slice %arg5[%dma_start3A_1112, %add3A_992, %mul3A_1111] : memref<20x64x16384xf32, #tpu.memory_space<hbm>> -> memref<1x1x1024xf32, #tpu.memory_space<hbm>>
      %dma_start3A_1118 = tpu.memref_squeeze %dma_start3A_1117 : memref<1x1x1024xf32, #tpu.memory_space<hbm>> -> memref<1024xf32, #tpu.memory_space<hbm>>
      %dma_start3A_1119 = arith.constant 5120 : i32
      %dma_start3A_1120 = tpu.memref_slice %arg7[%dma_start3A_1119] : memref<20480xf32, #tpu.memory_space<vmem>> -> memref<1024xf32, #tpu.memory_space<vmem>>
      tpu.enqueue_dma source(%dma_start3A_1120 : memref<1024xf32, #tpu.memory_space<vmem>>) target(%dma_start3A_1118 : memref<1024xf32, #tpu.memory_space<hbm>>) target_semaphore(%arg13 : memref<!tpu.dma_semaphore, #tpu.memory_space<semaphore_mem>>)
      %mul3A_1121 = arith.constant 1024 : i32
      %mul3A_1122 = arith.muli %arg1, %mul3A_1121 : i32
      %dma_start3A_1123 = arith.constant 6 : i32
      %dma_start3A_1124 = arith.constant 6144 : i32
      %dma_start3A_1125 = tpu.memref_slice %arg7[%dma_start3A_1124] : memref<20480xf32, #tpu.memory_space<vmem>> -> memref<1024xf32, #tpu.memory_space<vmem>>
      %dma_start3A_1126 = tpu.memref_slice %arg5[%dma_start3A_1123, %add3A_992, %mul3A_1122] : memref<20x64x16384xf32, #tpu.memory_space<hbm>> -> memref<1x1x1024xf32, #tpu.memory_space<hbm>>
      %dma_start3A_1127 = tpu.memref_squeeze %dma_start3A_1126 : memref<1x1x1024xf32, #tpu.memory_space<hbm>> -> memref<1024xf32, #tpu.memory_space<hbm>>
      %dma_start3A_1128 = tpu.memref_slice %arg5[%dma_start3A_1123, %add3A_992, %mul3A_1122] : memref<20x64x16384xf32, #tpu.memory_space<hbm>> -> memref<1x1x1024xf32, #tpu.memory_space<hbm>>
      %dma_start3A_1129 = tpu.memref_squeeze %dma_start3A_1128 : memref<1x1x1024xf32, #tpu.memory_space<hbm>> -> memref<1024xf32, #tpu.memory_space<hbm>>
      %dma_start3A_1130 = arith.constant 6144 : i32
      %dma_start3A_1131 = tpu.memref_slice %arg7[%dma_start3A_1130] : memref<20480xf32, #tpu.memory_space<vmem>> -> memref<1024xf32, #tpu.memory_space<vmem>>
      tpu.enqueue_dma source(%dma_start3A_1131 : memref<1024xf32, #tpu.memory_space<vmem>>) target(%dma_start3A_1129 : memref<1024xf32, #tpu.memory_space<hbm>>) target_semaphore(%arg13 : memref<!tpu.dma_semaphore, #tpu.memory_space<semaphore_mem>>)
      %mul3A_1132 = arith.constant 1024 : i32
      %mul3A_1133 = arith.muli %arg1, %mul3A_1132 : i32
      %dma_start3A_1134 = arith.constant 7 : i32
      %dma_start3A_1135 = arith.constant 7168 : i32
      %dma_start3A_1136 = tpu.memref_slice %arg7[%dma_start3A_1135] : memref<20480xf32, #tpu.memory_space<vmem>> -> memref<1024xf32, #tpu.memory_space<vmem>>
      %dma_start3A_1137 = tpu.memref_slice %arg5[%dma_start3A_1134, %add3A_992, %mul3A_1133] : memref<20x64x16384xf32, #tpu.memory_space<hbm>> -> memref<1x1x1024xf32, #tpu.memory_space<hbm>>
      %dma_start3A_1138 = tpu.memref_squeeze %dma_start3A_1137 : memref<1x1x1024xf32, #tpu.memory_space<hbm>> -> memref<1024xf32, #tpu.memory_space<hbm>>
      %dma_start3A_1139 = tpu.memref_slice %arg5[%dma_start3A_1134, %add3A_992, %mul3A_1133] : memref<20x64x16384xf32, #tpu.memory_space<hbm>> -> memref<1x1x1024xf32, #tpu.memory_space<hbm>>
      %dma_start3A_1140 = tpu.memref_squeeze %dma_start3A_1139 : memref<1x1x1024xf32, #tpu.memory_space<hbm>> -> memref<1024xf32, #tpu.memory_space<hbm>>
      %dma_start3A_1141 = arith.constant 7168 : i32
      %dma_start3A_1142 = tpu.memref_slice %arg7[%dma_start3A_1141] : memref<20480xf32, #tpu.memory_space<vmem>> -> memref<1024xf32, #tpu.memory_space<vmem>>
      tpu.enqueue_dma source(%dma_start3A_1142 : memref<1024xf32, #tpu.memory_space<vmem>>) target(%dma_start3A_1140 : memref<1024xf32, #tpu.memory_space<hbm>>) target_semaphore(%arg13 : memref<!tpu.dma_semaphore, #tpu.memory_space<semaphore_mem>>)
      %mul3A_1143 = arith.constant 1024 : i32
      %mul3A_1144 = arith.muli %arg1, %mul3A_1143 : i32
      %dma_start3A_1145 = arith.constant 8 : i32
      %dma_start3A_1146 = arith.constant 8192 : i32
      %dma_start3A_1147 = tpu.memref_slice %arg7[%dma_start3A_1146] : memref<20480xf32, #tpu.memory_space<vmem>> -> memref<1024xf32, #tpu.memory_space<vmem>>
      %dma_start3A_1148 = tpu.memref_slice %arg5[%dma_start3A_1145, %add3A_992, %mul3A_1144] : memref<20x64x16384xf32, #tpu.memory_space<hbm>> -> memref<1x1x1024xf32, #tpu.memory_space<hbm>>
      %dma_start3A_1149 = tpu.memref_squeeze %dma_start3A_1148 : memref<1x1x1024xf32, #tpu.memory_space<hbm>> -> memref<1024xf32, #tpu.memory_space<hbm>>
      %dma_start3A_1150 = tpu.memref_slice %arg5[%dma_start3A_1145, %add3A_992, %mul3A_1144] : memref<20x64x16384xf32, #tpu.memory_space<hbm>> -> memref<1x1x1024xf32, #tpu.memory_space<hbm>>
      %dma_start3A_1151 = tpu.memref_squeeze %dma_start3A_1150 : memref<1x1x1024xf32, #tpu.memory_space<hbm>> -> memref<1024xf32, #tpu.memory_space<hbm>>
      %dma_start3A_1152 = arith.constant 8192 : i32
      %dma_start3A_1153 = tpu.memref_slice %arg7[%dma_start3A_1152] : memref<20480xf32, #tpu.memory_space<vmem>> -> memref<1024xf32, #tpu.memory_space<vmem>>
      tpu.enqueue_dma source(%dma_start3A_1153 : memref<1024xf32, #tpu.memory_space<vmem>>) target(%dma_start3A_1151 : memref<1024xf32, #tpu.memory_space<hbm>>) target_semaphore(%arg13 : memref<!tpu.dma_semaphore, #tpu.memory_space<semaphore_mem>>)
      %mul3A_1154 = arith.constant 1024 : i32
      %mul3A_1155 = arith.muli %arg1, %mul3A_1154 : i32
      %dma_start3A_1156 = arith.constant 9 : i32
      %dma_start3A_1157 = arith.constant 9216 : i32
      %dma_start3A_1158 = tpu.memref_slice %arg7[%dma_start3A_1157] : memref<20480xf32, #tpu.memory_space<vmem>> -> memref<1024xf32, #tpu.memory_space<vmem>>
      %dma_start3A_1159 = tpu.memref_slice %arg5[%dma_start3A_1156, %add3A_992, %mul3A_1155] : memref<20x64x16384xf32, #tpu.memory_space<hbm>> -> memref<1x1x1024xf32, #tpu.memory_space<hbm>>
      %dma_start3A_1160 = tpu.memref_squeeze %dma_start3A_1159 : memref<1x1x1024xf32, #tpu.memory_space<hbm>> -> memref<1024xf32, #tpu.memory_space<hbm>>
      %dma_start3A_1161 = tpu.memref_slice %arg5[%dma_start3A_1156, %add3A_992, %mul3A_1155] : memref<20x64x16384xf32, #tpu.memory_space<hbm>> -> memref<1x1x1024xf32, #tpu.memory_space<hbm>>
      %dma_start3A_1162 = tpu.memref_squeeze %dma_start3A_1161 : memref<1x1x1024xf32, #tpu.memory_space<hbm>> -> memref<1024xf32, #tpu.memory_space<hbm>>
      %dma_start3A_1163 = arith.constant 9216 : i32
      %dma_start3A_1164 = tpu.memref_slice %arg7[%dma_start3A_1163] : memref<20480xf32, #tpu.memory_space<vmem>> -> memref<1024xf32, #tpu.memory_space<vmem>>
      tpu.enqueue_dma source(%dma_start3A_1164 : memref<1024xf32, #tpu.memory_space<vmem>>) target(%dma_start3A_1162 : memref<1024xf32, #tpu.memory_space<hbm>>) target_semaphore(%arg13 : memref<!tpu.dma_semaphore, #tpu.memory_space<semaphore_mem>>)
      %mul3A_1165 = arith.constant 1024 : i32
      %mul3A_1166 = arith.muli %arg1, %mul3A_1165 : i32
      %dma_start3A_1167 = arith.constant 10 : i32
      %dma_start3A_1168 = arith.constant 10240 : i32
      %dma_start3A_1169 = tpu.memref_slice %arg7[%dma_start3A_1168] : memref<20480xf32, #tpu.memory_space<vmem>> -> memref<1024xf32, #tpu.memory_space<vmem>>
      %dma_start3A_1170 = tpu.memref_slice %arg5[%dma_start3A_1167, %add3A_992, %mul3A_1166] : memref<20x64x16384xf32, #tpu.memory_space<hbm>> -> memref<1x1x1024xf32, #tpu.memory_space<hbm>>
      %dma_start3A_1171 = tpu.memref_squeeze %dma_start3A_1170 : memref<1x1x1024xf32, #tpu.memory_space<hbm>> -> memref<1024xf32, #tpu.memory_space<hbm>>
      %dma_start3A_1172 = tpu.memref_slice %arg5[%dma_start3A_1167, %add3A_992, %mul3A_1166] : memref<20x64x16384xf32, #tpu.memory_space<hbm>> -> memref<1x1x1024xf32, #tpu.memory_space<hbm>>
      %dma_start3A_1173 = tpu.memref_squeeze %dma_start3A_1172 : memref<1x1x1024xf32, #tpu.memory_space<hbm>> -> memref<1024xf32, #tpu.memory_space<hbm>>
      %dma_start3A_1174 = arith.constant 10240 : i32
      %dma_start3A_1175 = tpu.memref_slice %arg7[%dma_start3A_1174] : memref<20480xf32, #tpu.memory_space<vmem>> -> memref<1024xf32, #tpu.memory_space<vmem>>
      tpu.enqueue_dma source(%dma_start3A_1175 : memref<1024xf32, #tpu.memory_space<vmem>>) target(%dma_start3A_1173 : memref<1024xf32, #tpu.memory_space<hbm>>) target_semaphore(%arg13 : memref<!tpu.dma_semaphore, #tpu.memory_space<semaphore_mem>>)
      %mul3A_1176 = arith.constant 1024 : i32
      %mul3A_1177 = arith.muli %arg1, %mul3A_1176 : i32
      %dma_start3A_1178 = arith.constant 11 : i32
      %dma_start3A_1179 = arith.constant 11264 : i32
      %dma_start3A_1180 = tpu.memref_slice %arg7[%dma_start3A_1179] : memref<20480xf32, #tpu.memory_space<vmem>> -> memref<1024xf32, #tpu.memory_space<vmem>>
      %dma_start3A_1181 = tpu.memref_slice %arg5[%dma_start3A_1178, %add3A_992, %mul3A_1177] : memref<20x64x16384xf32, #tpu.memory_space<hbm>> -> memref<1x1x1024xf32, #tpu.memory_space<hbm>>
      %dma_start3A_1182 = tpu.memref_squeeze %dma_start3A_1181 : memref<1x1x1024xf32, #tpu.memory_space<hbm>> -> memref<1024xf32, #tpu.memory_space<hbm>>
      %dma_start3A_1183 = tpu.memref_slice %arg5[%dma_start3A_1178, %add3A_992, %mul3A_1177] : memref<20x64x16384xf32, #tpu.memory_space<hbm>> -> memref<1x1x1024xf32, #tpu.memory_space<hbm>>
      %dma_start3A_1184 = tpu.memref_squeeze %dma_start3A_1183 : memref<1x1x1024xf32, #tpu.memory_space<hbm>> -> memref<1024xf32, #tpu.memory_space<hbm>>
      %dma_start3A_1185 = arith.constant 11264 : i32
      %dma_start3A_1186 = tpu.memref_slice %arg7[%dma_start3A_1185] : memref<20480xf32, #tpu.memory_space<vmem>> -> memref<1024xf32, #tpu.memory_space<vmem>>
      tpu.enqueue_dma source(%dma_start3A_1186 : memref<1024xf32, #tpu.memory_space<vmem>>) target(%dma_start3A_1184 : memref<1024xf32, #tpu.memory_space<hbm>>) target_semaphore(%arg13 : memref<!tpu.dma_semaphore, #tpu.memory_space<semaphore_mem>>)
      %mul3A_1187 = arith.constant 1024 : i32
      %mul3A_1188 = arith.muli %arg1, %mul3A_1187 : i32
      %dma_start3A_1189 = arith.constant 12 : i32
      %dma_start3A_1190 = arith.constant 12288 : i32
      %dma_start3A_1191 = tpu.memref_slice %arg7[%dma_start3A_1190] : memref<20480xf32, #tpu.memory_space<vmem>> -> memref<1024xf32, #tpu.memory_space<vmem>>
      %dma_start3A_1192 = tpu.memref_slice %arg5[%dma_start3A_1189, %add3A_992, %mul3A_1188] : memref<20x64x16384xf32, #tpu.memory_space<hbm>> -> memref<1x1x1024xf32, #tpu.memory_space<hbm>>
      %dma_start3A_1193 = tpu.memref_squeeze %dma_start3A_1192 : memref<1x1x1024xf32, #tpu.memory_space<hbm>> -> memref<1024xf32, #tpu.memory_space<hbm>>
      %dma_start3A_1194 = tpu.memref_slice %arg5[%dma_start3A_1189, %add3A_992, %mul3A_1188] : memref<20x64x16384xf32, #tpu.memory_space<hbm>> -> memref<1x1x1024xf32, #tpu.memory_space<hbm>>
      %dma_start3A_1195 = tpu.memref_squeeze %dma_start3A_1194 : memref<1x1x1024xf32, #tpu.memory_space<hbm>> -> memref<1024xf32, #tpu.memory_space<hbm>>
      %dma_start3A_1196 = arith.constant 12288 : i32
      %dma_start3A_1197 = tpu.memref_slice %arg7[%dma_start3A_1196] : memref<20480xf32, #tpu.memory_space<vmem>> -> memref<1024xf32, #tpu.memory_space<vmem>>
      tpu.enqueue_dma source(%dma_start3A_1197 : memref<1024xf32, #tpu.memory_space<vmem>>) target(%dma_start3A_1195 : memref<1024xf32, #tpu.memory_space<hbm>>) target_semaphore(%arg13 : memref<!tpu.dma_semaphore, #tpu.memory_space<semaphore_mem>>)
      %mul3A_1198 = arith.constant 1024 : i32
      %mul3A_1199 = arith.muli %arg1, %mul3A_1198 : i32
      %dma_start3A_1200 = arith.constant 13 : i32
      %dma_start3A_1201 = arith.constant 13312 : i32
      %dma_start3A_1202 = tpu.memref_slice %arg7[%dma_start3A_1201] : memref<20480xf32, #tpu.memory_space<vmem>> -> memref<1024xf32, #tpu.memory_space<vmem>>
      %dma_start3A_1203 = tpu.memref_slice %arg5[%dma_start3A_1200, %add3A_992, %mul3A_1199] : memref<20x64x16384xf32, #tpu.memory_space<hbm>> -> memref<1x1x1024xf32, #tpu.memory_space<hbm>>
      %dma_start3A_1204 = tpu.memref_squeeze %dma_start3A_1203 : memref<1x1x1024xf32, #tpu.memory_space<hbm>> -> memref<1024xf32, #tpu.memory_space<hbm>>
      %dma_start3A_1205 = tpu.memref_slice %arg5[%dma_start3A_1200, %add3A_992, %mul3A_1199] : memref<20x64x16384xf32, #tpu.memory_space<hbm>> -> memref<1x1x1024xf32, #tpu.memory_space<hbm>>
      %dma_start3A_1206 = tpu.memref_squeeze %dma_start3A_1205 : memref<1x1x1024xf32, #tpu.memory_space<hbm>> -> memref<1024xf32, #tpu.memory_space<hbm>>
      %dma_start3A_1207 = arith.constant 13312 : i32
      %dma_start3A_1208 = tpu.memref_slice %arg7[%dma_start3A_1207] : memref<20480xf32, #tpu.memory_space<vmem>> -> memref<1024xf32, #tpu.memory_space<vmem>>
      tpu.enqueue_dma source(%dma_start3A_1208 : memref<1024xf32, #tpu.memory_space<vmem>>) target(%dma_start3A_1206 : memref<1024xf32, #tpu.memory_space<hbm>>) target_semaphore(%arg13 : memref<!tpu.dma_semaphore, #tpu.memory_space<semaphore_mem>>)
      %mul3A_1209 = arith.constant 1024 : i32
      %mul3A_1210 = arith.muli %arg1, %mul3A_1209 : i32
      %dma_start3A_1211 = arith.constant 14 : i32
      %dma_start3A_1212 = arith.constant 14336 : i32
      %dma_start3A_1213 = tpu.memref_slice %arg7[%dma_start3A_1212] : memref<20480xf32, #tpu.memory_space<vmem>> -> memref<1024xf32, #tpu.memory_space<vmem>>
      %dma_start3A_1214 = tpu.memref_slice %arg5[%dma_start3A_1211, %add3A_992, %mul3A_1210] : memref<20x64x16384xf32, #tpu.memory_space<hbm>> -> memref<1x1x1024xf32, #tpu.memory_space<hbm>>
      %dma_start3A_1215 = tpu.memref_squeeze %dma_start3A_1214 : memref<1x1x1024xf32, #tpu.memory_space<hbm>> -> memref<1024xf32, #tpu.memory_space<hbm>>
      %dma_start3A_1216 = tpu.memref_slice %arg5[%dma_start3A_1211, %add3A_992, %mul3A_1210] : memref<20x64x16384xf32, #tpu.memory_space<hbm>> -> memref<1x1x1024xf32, #tpu.memory_space<hbm>>
      %dma_start3A_1217 = tpu.memref_squeeze %dma_start3A_1216 : memref<1x1x1024xf32, #tpu.memory_space<hbm>> -> memref<1024xf32, #tpu.memory_space<hbm>>
      %dma_start3A_1218 = arith.constant 14336 : i32
      %dma_start3A_1219 = tpu.memref_slice %arg7[%dma_start3A_1218] : memref<20480xf32, #tpu.memory_space<vmem>> -> memref<1024xf32, #tpu.memory_space<vmem>>
      tpu.enqueue_dma source(%dma_start3A_1219 : memref<1024xf32, #tpu.memory_space<vmem>>) target(%dma_start3A_1217 : memref<1024xf32, #tpu.memory_space<hbm>>) target_semaphore(%arg13 : memref<!tpu.dma_semaphore, #tpu.memory_space<semaphore_mem>>)
      %mul3A_1220 = arith.constant 1024 : i32
      %mul3A_1221 = arith.muli %arg1, %mul3A_1220 : i32
      %dma_start3A_1222 = arith.constant 15 : i32
      %dma_start3A_1223 = arith.constant 15360 : i32
      %dma_start3A_1224 = tpu.memref_slice %arg7[%dma_start3A_1223] : memref<20480xf32, #tpu.memory_space<vmem>> -> memref<1024xf32, #tpu.memory_space<vmem>>
      %dma_start3A_1225 = tpu.memref_slice %arg5[%dma_start3A_1222, %add3A_992, %mul3A_1221] : memref<20x64x16384xf32, #tpu.memory_space<hbm>> -> memref<1x1x1024xf32, #tpu.memory_space<hbm>>
      %dma_start3A_1226 = tpu.memref_squeeze %dma_start3A_1225 : memref<1x1x1024xf32, #tpu.memory_space<hbm>> -> memref<1024xf32, #tpu.memory_space<hbm>>
      %dma_start3A_1227 = tpu.memref_slice %arg5[%dma_start3A_1222, %add3A_992, %mul3A_1221] : memref<20x64x16384xf32, #tpu.memory_space<hbm>> -> memref<1x1x1024xf32, #tpu.memory_space<hbm>>
      %dma_start3A_1228 = tpu.memref_squeeze %dma_start3A_1227 : memref<1x1x1024xf32, #tpu.memory_space<hbm>> -> memref<1024xf32, #tpu.memory_space<hbm>>
      %dma_start3A_1229 = arith.constant 15360 : i32
      %dma_start3A_1230 = tpu.memref_slice %arg7[%dma_start3A_1229] : memref<20480xf32, #tpu.memory_space<vmem>> -> memref<1024xf32, #tpu.memory_space<vmem>>
      tpu.enqueue_dma source(%dma_start3A_1230 : memref<1024xf32, #tpu.memory_space<vmem>>) target(%dma_start3A_1228 : memref<1024xf32, #tpu.memory_space<hbm>>) target_semaphore(%arg13 : memref<!tpu.dma_semaphore, #tpu.memory_space<semaphore_mem>>)
      %mul3A_1231 = arith.constant 1024 : i32
      %mul3A_1232 = arith.muli %arg1, %mul3A_1231 : i32
      %dma_start3A_1233 = arith.constant 16 : i32
      %dma_start3A_1234 = arith.constant 16384 : i32
      %dma_start3A_1235 = tpu.memref_slice %arg7[%dma_start3A_1234] : memref<20480xf32, #tpu.memory_space<vmem>> -> memref<1024xf32, #tpu.memory_space<vmem>>
      %dma_start3A_1236 = tpu.memref_slice %arg5[%dma_start3A_1233, %add3A_992, %mul3A_1232] : memref<20x64x16384xf32, #tpu.memory_space<hbm>> -> memref<1x1x1024xf32, #tpu.memory_space<hbm>>
      %dma_start3A_1237 = tpu.memref_squeeze %dma_start3A_1236 : memref<1x1x1024xf32, #tpu.memory_space<hbm>> -> memref<1024xf32, #tpu.memory_space<hbm>>
      %dma_start3A_1238 = tpu.memref_slice %arg5[%dma_start3A_1233, %add3A_992, %mul3A_1232] : memref<20x64x16384xf32, #tpu.memory_space<hbm>> -> memref<1x1x1024xf32, #tpu.memory_space<hbm>>
      %dma_start3A_1239 = tpu.memref_squeeze %dma_start3A_1238 : memref<1x1x1024xf32, #tpu.memory_space<hbm>> -> memref<1024xf32, #tpu.memory_space<hbm>>
      %dma_start3A_1240 = arith.constant 16384 : i32
      %dma_start3A_1241 = tpu.memref_slice %arg7[%dma_start3A_1240] : memref<20480xf32, #tpu.memory_space<vmem>> -> memref<1024xf32, #tpu.memory_space<vmem>>
      tpu.enqueue_dma source(%dma_start3A_1241 : memref<1024xf32, #tpu.memory_space<vmem>>) target(%dma_start3A_1239 : memref<1024xf32, #tpu.memory_space<hbm>>) target_semaphore(%arg13 : memref<!tpu.dma_semaphore, #tpu.memory_space<semaphore_mem>>)
      %mul3A_1242 = arith.constant 1024 : i32
      %mul3A_1243 = arith.muli %arg1, %mul3A_1242 : i32
      %dma_start3A_1244 = arith.constant 17 : i32
      %dma_start3A_1245 = arith.constant 17408 : i32
      %dma_start3A_1246 = tpu.memref_slice %arg7[%dma_start3A_1245] : memref<20480xf32, #tpu.memory_space<vmem>> -> memref<1024xf32, #tpu.memory_space<vmem>>
      %dma_start3A_1247 = tpu.memref_slice %arg5[%dma_start3A_1244, %add3A_992, %mul3A_1243] : memref<20x64x16384xf32, #tpu.memory_space<hbm>> -> memref<1x1x1024xf32, #tpu.memory_space<hbm>>
      %dma_start3A_1248 = tpu.memref_squeeze %dma_start3A_1247 : memref<1x1x1024xf32, #tpu.memory_space<hbm>> -> memref<1024xf32, #tpu.memory_space<hbm>>
      %dma_start3A_1249 = tpu.memref_slice %arg5[%dma_start3A_1244, %add3A_992, %mul3A_1243] : memref<20x64x16384xf32, #tpu.memory_space<hbm>> -> memref<1x1x1024xf32, #tpu.memory_space<hbm>>
      %dma_start3A_1250 = tpu.memref_squeeze %dma_start3A_1249 : memref<1x1x1024xf32, #tpu.memory_space<hbm>> -> memref<1024xf32, #tpu.memory_space<hbm>>
      %dma_start3A_1251 = arith.constant 17408 : i32
      %dma_start3A_1252 = tpu.memref_slice %arg7[%dma_start3A_1251] : memref<20480xf32, #tpu.memory_space<vmem>> -> memref<1024xf32, #tpu.memory_space<vmem>>
      tpu.enqueue_dma source(%dma_start3A_1252 : memref<1024xf32, #tpu.memory_space<vmem>>) target(%dma_start3A_1250 : memref<1024xf32, #tpu.memory_space<hbm>>) target_semaphore(%arg13 : memref<!tpu.dma_semaphore, #tpu.memory_space<semaphore_mem>>)
      %mul3A_1253 = arith.constant 1024 : i32
      %mul3A_1254 = arith.muli %arg1, %mul3A_1253 : i32
      %dma_start3A_1255 = arith.constant 18 : i32
      %dma_start3A_1256 = arith.constant 18432 : i32
      %dma_start3A_1257 = tpu.memref_slice %arg7[%dma_start3A_1256] : memref<20480xf32, #tpu.memory_space<vmem>> -> memref<1024xf32, #tpu.memory_space<vmem>>
      %dma_start3A_1258 = tpu.memref_slice %arg5[%dma_start3A_1255, %add3A_992, %mul3A_1254] : memref<20x64x16384xf32, #tpu.memory_space<hbm>> -> memref<1x1x1024xf32, #tpu.memory_space<hbm>>
      %dma_start3A_1259 = tpu.memref_squeeze %dma_start3A_1258 : memref<1x1x1024xf32, #tpu.memory_space<hbm>> -> memref<1024xf32, #tpu.memory_space<hbm>>
      %dma_start3A_1260 = tpu.memref_slice %arg5[%dma_start3A_1255, %add3A_992, %mul3A_1254] : memref<20x64x16384xf32, #tpu.memory_space<hbm>> -> memref<1x1x1024xf32, #tpu.memory_space<hbm>>
      %dma_start3A_1261 = tpu.memref_squeeze %dma_start3A_1260 : memref<1x1x1024xf32, #tpu.memory_space<hbm>> -> memref<1024xf32, #tpu.memory_space<hbm>>
      %dma_start3A_1262 = arith.constant 18432 : i32
      %dma_start3A_1263 = tpu.memref_slice %arg7[%dma_start3A_1262] : memref<20480xf32, #tpu.memory_space<vmem>> -> memref<1024xf32, #tpu.memory_space<vmem>>
      tpu.enqueue_dma source(%dma_start3A_1263 : memref<1024xf32, #tpu.memory_space<vmem>>) target(%dma_start3A_1261 : memref<1024xf32, #tpu.memory_space<hbm>>) target_semaphore(%arg13 : memref<!tpu.dma_semaphore, #tpu.memory_space<semaphore_mem>>)
      %mul3A_1264 = arith.constant 1024 : i32
      %mul3A_1265 = arith.muli %arg1, %mul3A_1264 : i32
      %dma_start3A_1266 = arith.constant 19 : i32
      %dma_start3A_1267 = arith.constant 19456 : i32
      %dma_start3A_1268 = tpu.memref_slice %arg7[%dma_start3A_1267] : memref<20480xf32, #tpu.memory_space<vmem>> -> memref<1024xf32, #tpu.memory_space<vmem>>
      %dma_start3A_1269 = tpu.memref_slice %arg5[%dma_start3A_1266, %add3A_992, %mul3A_1265] : memref<20x64x16384xf32, #tpu.memory_space<hbm>> -> memref<1x1x1024xf32, #tpu.memory_space<hbm>>
      %dma_start3A_1270 = tpu.memref_squeeze %dma_start3A_1269 : memref<1x1x1024xf32, #tpu.memory_space<hbm>> -> memref<1024xf32, #tpu.memory_space<hbm>>
      %dma_start3A_1271 = tpu.memref_slice %arg5[%dma_start3A_1266, %add3A_992, %mul3A_1265] : memref<20x64x16384xf32, #tpu.memory_space<hbm>> -> memref<1x1x1024xf32, #tpu.memory_space<hbm>>
      %dma_start3A_1272 = tpu.memref_squeeze %dma_start3A_1271 : memref<1x1x1024xf32, #tpu.memory_space<hbm>> -> memref<1024xf32, #tpu.memory_space<hbm>>
      %dma_start3A_1273 = arith.constant 19456 : i32
      %dma_start3A_1274 = tpu.memref_slice %arg7[%dma_start3A_1273] : memref<20480xf32, #tpu.memory_space<vmem>> -> memref<1024xf32, #tpu.memory_space<vmem>>
      tpu.enqueue_dma source(%dma_start3A_1274 : memref<1024xf32, #tpu.memory_space<vmem>>) target(%dma_start3A_1272 : memref<1024xf32, #tpu.memory_space<hbm>>) target_semaphore(%arg13 : memref<!tpu.dma_semaphore, #tpu.memory_space<semaphore_mem>>)
      %barrier3A_1275 = arith.constant 0 : index
      tpu.barrier barrier_id(%barrier3A_1275)
      %add3A_1276 = arith.constant 1 : i32
      %add3A_1277 = arith.addi %add3A_990, %add3A_1276 : i32
      %lt3A_1278 = arith.constant 32 : i32
      %lt3A_1279 = arith.cmpi slt, %add3A_1277, %lt3A_1278 : i32
      %convert_element_type3A_1280 = arith.extui %lt3A_1279 : i1 to i32
      %cond3A_1281 = arith.constant 0 : i32
      %cond3A_1282 = arith.cmpi ne, %convert_element_type3A_1280, %cond3A_1281 : i32
      scf.if %cond3A_1282 {
        %add3A_1290 = arith.constant 1 : i32
        %add3A_1291 = arith.addi %add3A_992, %add3A_1290 : i32
        %mul3A_1292 = arith.constant 34816 : i32
        %mul3A_1293 = arith.muli %arg1, %mul3A_1292 : i32
        %add3A_1294 = arith.constant 0 : i32
        %add3A_1295 = arith.addi %add3A_1294, %mul3A_1293 : i32
        %mul3A_1296 = arith.constant 34816 : i32
        %mul3A_1297 = arith.muli %arg1, %mul3A_1296 : i32
        %add3A_1298 = arith.constant 441600 : i32
        %add3A_1299 = arith.addi %add3A_1298, %mul3A_1297 : i32
        %dma_start3A_1300 = tpu.memref_slice %arg8[%add3A_1299] : memref<1441664xf32, #tpu.memory_space<vmem_shared>> -> memref<34816xf32, #tpu.memory_space<vmem_shared>>
        %dma_start3A_1301 = arith.constant 0 : i32
        %dma_start3A_1302 = tpu.memref_slice %arg2[%add3A_1291, %dma_start3A_1301] : memref<64x1000000xf32, #tpu.memory_space<hbm>> -> memref<1x1000000xf32, #tpu.memory_space<hbm>>
        %dma_start3A_1303 = tpu.memref_squeeze %dma_start3A_1302 : memref<1x1000000xf32, #tpu.memory_space<hbm>> -> memref<1000000xf32, #tpu.memory_space<hbm>>
        %dma_start3A_1304 = tpu.memref_slice %dma_start3A_1303[%add3A_1295] : memref<1000000xf32, #tpu.memory_space<hbm>> -> memref<34816xf32, #tpu.memory_space<hbm>>
        tpu.enqueue_dma source(%dma_start3A_1304 : memref<34816xf32, #tpu.memory_space<hbm>>) target(%dma_start3A_1300 : memref<34816xf32, #tpu.memory_space<vmem_shared>>) target_semaphore(%arg10 : memref<!tpu.dma_semaphore, #tpu.memory_space<semaphore_mem>>)
        %eq3A_1305 = arith.constant 0 : i32
        %eq3A_1306 = arith.cmpi eq, %arg1, %eq3A_1305 : i32
        %convert_element_type3A_1307 = arith.extui %eq3A_1306 : i1 to i32
        %cond3A_1308 = arith.constant 0 : i32
        %cond3A_1309 = arith.cmpi ne, %convert_element_type3A_1307, %cond3A_1308 : i32
        scf.if %cond3A_1309 {
          %dma_start3A_1310 = arith.constant 998656 : i32
          %dma_start3A_1311 = tpu.memref_slice %arg8[%dma_start3A_1310] : memref<1441664xf32, #tpu.memory_space<vmem_shared>> -> memref<1408xf32, #tpu.memory_space<vmem_shared>>
          %dma_start3A_1312 = arith.constant 0 : i32
          %dma_start3A_1313 = tpu.memref_slice %arg2[%add3A_1291, %dma_start3A_1312] : memref<64x1000000xf32, #tpu.memory_space<hbm>> -> memref<1x1000000xf32, #tpu.memory_space<hbm>>
          %dma_start3A_1314 = tpu.memref_squeeze %dma_start3A_1313 : memref<1x1000000xf32, #tpu.memory_space<hbm>> -> memref<1000000xf32, #tpu.memory_space<hbm>>
          %dma_start3A_1315 = arith.constant 557056 : i32
          %dma_start3A_1316 = tpu.memref_slice %dma_start3A_1314[%dma_start3A_1315] : memref<1000000xf32, #tpu.memory_space<hbm>> -> memref<1408xf32, #tpu.memory_space<hbm>>
          tpu.enqueue_dma source(%dma_start3A_1316 : memref<1408xf32, #tpu.memory_space<hbm>>) target(%dma_start3A_1311 : memref<1408xf32, #tpu.memory_space<vmem_shared>>) target_semaphore(%arg10 : memref<!tpu.dma_semaphore, #tpu.memory_space<semaphore_mem>>)
        } else {
        }
      } else {
      }
      %add3A_1283 = arith.constant 2 : i32
      %add3A_1284 = arith.addi %add3A_990, %add3A_1283 : i32
      %lt3A_1285 = arith.constant 32 : i32
      %lt3A_1286 = arith.cmpi slt, %add3A_1284, %lt3A_1285 : i32
      %convert_element_type3A_1287 = arith.extui %lt3A_1286 : i1 to i32
      %cond3A_1288 = arith.constant 0 : i32
      %cond3A_1289 = arith.cmpi ne, %convert_element_type3A_1287, %cond3A_1288 : i32
      scf.if %cond3A_1289 {
        %add3A_1290 = arith.constant 2 : i32
        %add3A_1291 = arith.addi %add3A_992, %add3A_1290 : i32
        %mul3A_1292 = arith.constant 27520 : i32
        %mul3A_1293 = arith.muli %arg1, %mul3A_1292 : i32
        %add3A_1294 = arith.constant 0 : i32
        %add3A_1295 = arith.addi %add3A_1294, %mul3A_1293 : i32
        %mul3A_1296 = arith.constant 27520 : i32
        %mul3A_1297 = arith.muli %arg1, %mul3A_1296 : i32
        %add3A_1298 = arith.constant 0 : i32
        %add3A_1299 = arith.addi %add3A_1298, %mul3A_1297 : i32
        %dma_start3A_1300 = tpu.memref_slice %arg8[%add3A_1299] : memref<1441664xf32, #tpu.memory_space<vmem_shared>> -> memref<27520xf32, #tpu.memory_space<vmem_shared>>
        %dma_start3A_1301 = arith.constant 0 : i32
        %dma_start3A_1302 = tpu.memref_slice %arg2[%add3A_1291, %dma_start3A_1301] : memref<64x1000000xf32, #tpu.memory_space<hbm>> -> memref<1x1000000xf32, #tpu.memory_space<hbm>>
        %dma_start3A_1303 = tpu.memref_squeeze %dma_start3A_1302 : memref<1x1000000xf32, #tpu.memory_space<hbm>> -> memref<1000000xf32, #tpu.memory_space<hbm>>
        %dma_start3A_1304 = tpu.memref_slice %dma_start3A_1303[%add3A_1295] : memref<1000000xf32, #tpu.memory_space<hbm>> -> memref<27520xf32, #tpu.memory_space<hbm>>
        tpu.enqueue_dma source(%dma_start3A_1304 : memref<27520xf32, #tpu.memory_space<hbm>>) target(%dma_start3A_1300 : memref<27520xf32, #tpu.memory_space<vmem_shared>>) target_semaphore(%arg11 : memref<!tpu.dma_semaphore, #tpu.memory_space<semaphore_mem>>)
        %eq3A_1305 = arith.constant 0 : i32
        %eq3A_1306 = arith.cmpi eq, %arg1, %eq3A_1305 : i32
        %convert_element_type3A_1307 = arith.extui %eq3A_1306 : i1 to i32
        %cond3A_1308 = arith.constant 0 : i32
        %cond3A_1309 = arith.cmpi ne, %convert_element_type3A_1307, %cond3A_1308 : i32
        scf.if %cond3A_1309 {
          %dma_start3A_1310 = arith.constant 440320 : i32
          %dma_start3A_1311 = tpu.memref_slice %arg8[%dma_start3A_1310] : memref<1441664xf32, #tpu.memory_space<vmem_shared>> -> memref<1280xf32, #tpu.memory_space<vmem_shared>>
          %dma_start3A_1312 = arith.constant 0 : i32
          %dma_start3A_1313 = tpu.memref_slice %arg2[%add3A_1291, %dma_start3A_1312] : memref<64x1000000xf32, #tpu.memory_space<hbm>> -> memref<1x1000000xf32, #tpu.memory_space<hbm>>
          %dma_start3A_1314 = tpu.memref_squeeze %dma_start3A_1313 : memref<1x1000000xf32, #tpu.memory_space<hbm>> -> memref<1000000xf32, #tpu.memory_space<hbm>>
          %dma_start3A_1315 = arith.constant 440320 : i32
          %dma_start3A_1316 = tpu.memref_slice %dma_start3A_1314[%dma_start3A_1315] : memref<1000000xf32, #tpu.memory_space<hbm>> -> memref<1280xf32, #tpu.memory_space<hbm>>
          tpu.enqueue_dma source(%dma_start3A_1316 : memref<1280xf32, #tpu.memory_space<hbm>>) target(%dma_start3A_1311 : memref<1280xf32, #tpu.memory_space<vmem_shared>>) target_semaphore(%arg11 : memref<!tpu.dma_semaphore, #tpu.memory_space<semaphore_mem>>)
        } else {
        }
      } else {
      }
    }
    %scan3A_467 = arith.constant 16 : i32
    %add3A_468 = arith.constant 32 : i32
    %add3A_469 = arith.addi %mul3A_0, %add3A_468 : i32
    %sub3A = arith.constant 1 : i32
    %sub3A_470 = arith.subi %add3A_469, %sub3A : i32
    %mul3A_471 = arith.constant 1024 : i32
    %mul3A_472 = arith.muli %arg1, %mul3A_471 : i32
    %dma_wait3A_473 = arith.constant 0 : i32
    %dma_wait3A_474 = arith.constant 0 : i32
    %dma_wait3A_475 = tpu.memref_slice %arg7[%dma_wait3A_474] : memref<20480xf32, #tpu.memory_space<vmem>> -> memref<1024xf32, #tpu.memory_space<vmem>>
    %dma_wait3A_476 = tpu.memref_slice %arg5[%dma_wait3A_473, %sub3A_470, %mul3A_472] : memref<20x64x16384xf32, #tpu.memory_space<hbm>> -> memref<1x1x1024xf32, #tpu.memory_space<hbm>>
    %dma_wait3A_477 = tpu.memref_squeeze %dma_wait3A_476 : memref<1x1x1024xf32, #tpu.memory_space<hbm>> -> memref<1024xf32, #tpu.memory_space<hbm>>
    %dma_wait3A_478 = tpu.memref_slice %arg5[%dma_wait3A_473, %sub3A_470, %mul3A_472] : memref<20x64x16384xf32, #tpu.memory_space<hbm>> -> memref<1x1x1024xf32, #tpu.memory_space<hbm>>
    %dma_wait3A_479 = tpu.memref_squeeze %dma_wait3A_478 : memref<1x1x1024xf32, #tpu.memory_space<hbm>> -> memref<1024xf32, #tpu.memory_space<hbm>>
    %dma_wait3A_480 = arith.constant 0 : i32
    %dma_wait3A_481 = tpu.memref_slice %arg7[%dma_wait3A_480] : memref<20480xf32, #tpu.memory_space<vmem>> -> memref<1024xf32, #tpu.memory_space<vmem>>
    tpu.wait_dma2 semaphore(%arg13 : memref<!tpu.dma_semaphore, #tpu.memory_space<semaphore_mem>>) src(%dma_wait3A_481 : memref<1024xf32, #tpu.memory_space<vmem>>) dst(%dma_wait3A_479 : memref<1024xf32, #tpu.memory_space<hbm>>)
    %mul3A_482 = arith.constant 1024 : i32
    %mul3A_483 = arith.muli %arg1, %mul3A_482 : i32
    %dma_wait3A_484 = arith.constant 1 : i32
    %dma_wait3A_485 = arith.constant 1024 : i32
    %dma_wait3A_486 = tpu.memref_slice %arg7[%dma_wait3A_485] : memref<20480xf32, #tpu.memory_space<vmem>> -> memref<1024xf32, #tpu.memory_space<vmem>>
    %dma_wait3A_487 = tpu.memref_slice %arg5[%dma_wait3A_484, %sub3A_470, %mul3A_483] : memref<20x64x16384xf32, #tpu.memory_space<hbm>> -> memref<1x1x1024xf32, #tpu.memory_space<hbm>>
    %dma_wait3A_488 = tpu.memref_squeeze %dma_wait3A_487 : memref<1x1x1024xf32, #tpu.memory_space<hbm>> -> memref<1024xf32, #tpu.memory_space<hbm>>
    %dma_wait3A_489 = tpu.memref_slice %arg5[%dma_wait3A_484, %sub3A_470, %mul3A_483] : memref<20x64x16384xf32, #tpu.memory_space<hbm>> -> memref<1x1x1024xf32, #tpu.memory_space<hbm>>
    %dma_wait3A_490 = tpu.memref_squeeze %dma_wait3A_489 : memref<1x1x1024xf32, #tpu.memory_space<hbm>> -> memref<1024xf32, #tpu.memory_space<hbm>>
    %dma_wait3A_491 = arith.constant 1024 : i32
    %dma_wait3A_492 = tpu.memref_slice %arg7[%dma_wait3A_491] : memref<20480xf32, #tpu.memory_space<vmem>> -> memref<1024xf32, #tpu.memory_space<vmem>>
    tpu.wait_dma2 semaphore(%arg13 : memref<!tpu.dma_semaphore, #tpu.memory_space<semaphore_mem>>) src(%dma_wait3A_492 : memref<1024xf32, #tpu.memory_space<vmem>>) dst(%dma_wait3A_490 : memref<1024xf32, #tpu.memory_space<hbm>>)
    %mul3A_493 = arith.constant 1024 : i32
    %mul3A_494 = arith.muli %arg1, %mul3A_493 : i32
    %dma_wait3A_495 = arith.constant 2 : i32
    %dma_wait3A_496 = arith.constant 2048 : i32
    %dma_wait3A_497 = tpu.memref_slice %arg7[%dma_wait3A_496] : memref<20480xf32, #tpu.memory_space<vmem>> -> memref<1024xf32, #tpu.memory_space<vmem>>
    %dma_wait3A_498 = tpu.memref_slice %arg5[%dma_wait3A_495, %sub3A_470, %mul3A_494] : memref<20x64x16384xf32, #tpu.memory_space<hbm>> -> memref<1x1x1024xf32, #tpu.memory_space<hbm>>
    %dma_wait3A_499 = tpu.memref_squeeze %dma_wait3A_498 : memref<1x1x1024xf32, #tpu.memory_space<hbm>> -> memref<1024xf32, #tpu.memory_space<hbm>>
    %dma_wait3A_500 = tpu.memref_slice %arg5[%dma_wait3A_495, %sub3A_470, %mul3A_494] : memref<20x64x16384xf32, #tpu.memory_space<hbm>> -> memref<1x1x1024xf32, #tpu.memory_space<hbm>>
    %dma_wait3A_501 = tpu.memref_squeeze %dma_wait3A_500 : memref<1x1x1024xf32, #tpu.memory_space<hbm>> -> memref<1024xf32, #tpu.memory_space<hbm>>
    %dma_wait3A_502 = arith.constant 2048 : i32
    %dma_wait3A_503 = tpu.memref_slice %arg7[%dma_wait3A_502] : memref<20480xf32, #tpu.memory_space<vmem>> -> memref<1024xf32, #tpu.memory_space<vmem>>
    tpu.wait_dma2 semaphore(%arg13 : memref<!tpu.dma_semaphore, #tpu.memory_space<semaphore_mem>>) src(%dma_wait3A_503 : memref<1024xf32, #tpu.memory_space<vmem>>) dst(%dma_wait3A_501 : memref<1024xf32, #tpu.memory_space<hbm>>)
    %mul3A_504 = arith.constant 1024 : i32
    %mul3A_505 = arith.muli %arg1, %mul3A_504 : i32
    %dma_wait3A_506 = arith.constant 3 : i32
    %dma_wait3A_507 = arith.constant 3072 : i32
    %dma_wait3A_508 = tpu.memref_slice %arg7[%dma_wait3A_507] : memref<20480xf32, #tpu.memory_space<vmem>> -> memref<1024xf32, #tpu.memory_space<vmem>>
    %dma_wait3A_509 = tpu.memref_slice %arg5[%dma_wait3A_506, %sub3A_470, %mul3A_505] : memref<20x64x16384xf32, #tpu.memory_space<hbm>> -> memref<1x1x1024xf32, #tpu.memory_space<hbm>>
    %dma_wait3A_510 = tpu.memref_squeeze %dma_wait3A_509 : memref<1x1x1024xf32, #tpu.memory_space<hbm>> -> memref<1024xf32, #tpu.memory_space<hbm>>
    %dma_wait3A_511 = tpu.memref_slice %arg5[%dma_wait3A_506, %sub3A_470, %mul3A_505] : memref<20x64x16384xf32, #tpu.memory_space<hbm>> -> memref<1x1x1024xf32, #tpu.memory_space<hbm>>
    %dma_wait3A_512 = tpu.memref_squeeze %dma_wait3A_511 : memref<1x1x1024xf32, #tpu.memory_space<hbm>> -> memref<1024xf32, #tpu.memory_space<hbm>>
    %dma_wait3A_513 = arith.constant 3072 : i32
    %dma_wait3A_514 = tpu.memref_slice %arg7[%dma_wait3A_513] : memref<20480xf32, #tpu.memory_space<vmem>> -> memref<1024xf32, #tpu.memory_space<vmem>>
    tpu.wait_dma2 semaphore(%arg13 : memref<!tpu.dma_semaphore, #tpu.memory_space<semaphore_mem>>) src(%dma_wait3A_514 : memref<1024xf32, #tpu.memory_space<vmem>>) dst(%dma_wait3A_512 : memref<1024xf32, #tpu.memory_space<hbm>>)
    %mul3A_515 = arith.constant 1024 : i32
    %mul3A_516 = arith.muli %arg1, %mul3A_515 : i32
    %dma_wait3A_517 = arith.constant 4 : i32
    %dma_wait3A_518 = arith.constant 4096 : i32
    %dma_wait3A_519 = tpu.memref_slice %arg7[%dma_wait3A_518] : memref<20480xf32, #tpu.memory_space<vmem>> -> memref<1024xf32, #tpu.memory_space<vmem>>
    %dma_wait3A_520 = tpu.memref_slice %arg5[%dma_wait3A_517, %sub3A_470, %mul3A_516] : memref<20x64x16384xf32, #tpu.memory_space<hbm>> -> memref<1x1x1024xf32, #tpu.memory_space<hbm>>
    %dma_wait3A_521 = tpu.memref_squeeze %dma_wait3A_520 : memref<1x1x1024xf32, #tpu.memory_space<hbm>> -> memref<1024xf32, #tpu.memory_space<hbm>>
    %dma_wait3A_522 = tpu.memref_slice %arg5[%dma_wait3A_517, %sub3A_470, %mul3A_516] : memref<20x64x16384xf32, #tpu.memory_space<hbm>> -> memref<1x1x1024xf32, #tpu.memory_space<hbm>>
    %dma_wait3A_523 = tpu.memref_squeeze %dma_wait3A_522 : memref<1x1x1024xf32, #tpu.memory_space<hbm>> -> memref<1024xf32, #tpu.memory_space<hbm>>
    %dma_wait3A_524 = arith.constant 4096 : i32
    %dma_wait3A_525 = tpu.memref_slice %arg7[%dma_wait3A_524] : memref<20480xf32, #tpu.memory_space<vmem>> -> memref<1024xf32, #tpu.memory_space<vmem>>
    tpu.wait_dma2 semaphore(%arg13 : memref<!tpu.dma_semaphore, #tpu.memory_space<semaphore_mem>>) src(%dma_wait3A_525 : memref<1024xf32, #tpu.memory_space<vmem>>) dst(%dma_wait3A_523 : memref<1024xf32, #tpu.memory_space<hbm>>)
    %mul3A_526 = arith.constant 1024 : i32
    %mul3A_527 = arith.muli %arg1, %mul3A_526 : i32
    %dma_wait3A_528 = arith.constant 5 : i32
    %dma_wait3A_529 = arith.constant 5120 : i32
    %dma_wait3A_530 = tpu.memref_slice %arg7[%dma_wait3A_529] : memref<20480xf32, #tpu.memory_space<vmem>> -> memref<1024xf32, #tpu.memory_space<vmem>>
    %dma_wait3A_531 = tpu.memref_slice %arg5[%dma_wait3A_528, %sub3A_470, %mul3A_527] : memref<20x64x16384xf32, #tpu.memory_space<hbm>> -> memref<1x1x1024xf32, #tpu.memory_space<hbm>>
    %dma_wait3A_532 = tpu.memref_squeeze %dma_wait3A_531 : memref<1x1x1024xf32, #tpu.memory_space<hbm>> -> memref<1024xf32, #tpu.memory_space<hbm>>
    %dma_wait3A_533 = tpu.memref_slice %arg5[%dma_wait3A_528, %sub3A_470, %mul3A_527] : memref<20x64x16384xf32, #tpu.memory_space<hbm>> -> memref<1x1x1024xf32, #tpu.memory_space<hbm>>
    %dma_wait3A_534 = tpu.memref_squeeze %dma_wait3A_533 : memref<1x1x1024xf32, #tpu.memory_space<hbm>> -> memref<1024xf32, #tpu.memory_space<hbm>>
    %dma_wait3A_535 = arith.constant 5120 : i32
    %dma_wait3A_536 = tpu.memref_slice %arg7[%dma_wait3A_535] : memref<20480xf32, #tpu.memory_space<vmem>> -> memref<1024xf32, #tpu.memory_space<vmem>>
    tpu.wait_dma2 semaphore(%arg13 : memref<!tpu.dma_semaphore, #tpu.memory_space<semaphore_mem>>) src(%dma_wait3A_536 : memref<1024xf32, #tpu.memory_space<vmem>>) dst(%dma_wait3A_534 : memref<1024xf32, #tpu.memory_space<hbm>>)
    %mul3A_537 = arith.constant 1024 : i32
    %mul3A_538 = arith.muli %arg1, %mul3A_537 : i32
    %dma_wait3A_539 = arith.constant 6 : i32
    %dma_wait3A_540 = arith.constant 6144 : i32
    %dma_wait3A_541 = tpu.memref_slice %arg7[%dma_wait3A_540] : memref<20480xf32, #tpu.memory_space<vmem>> -> memref<1024xf32, #tpu.memory_space<vmem>>
    %dma_wait3A_542 = tpu.memref_slice %arg5[%dma_wait3A_539, %sub3A_470, %mul3A_538] : memref<20x64x16384xf32, #tpu.memory_space<hbm>> -> memref<1x1x1024xf32, #tpu.memory_space<hbm>>
    %dma_wait3A_543 = tpu.memref_squeeze %dma_wait3A_542 : memref<1x1x1024xf32, #tpu.memory_space<hbm>> -> memref<1024xf32, #tpu.memory_space<hbm>>
    %dma_wait3A_544 = tpu.memref_slice %arg5[%dma_wait3A_539, %sub3A_470, %mul3A_538] : memref<20x64x16384xf32, #tpu.memory_space<hbm>> -> memref<1x1x1024xf32, #tpu.memory_space<hbm>>
    %dma_wait3A_545 = tpu.memref_squeeze %dma_wait3A_544 : memref<1x1x1024xf32, #tpu.memory_space<hbm>> -> memref<1024xf32, #tpu.memory_space<hbm>>
    %dma_wait3A_546 = arith.constant 6144 : i32
    %dma_wait3A_547 = tpu.memref_slice %arg7[%dma_wait3A_546] : memref<20480xf32, #tpu.memory_space<vmem>> -> memref<1024xf32, #tpu.memory_space<vmem>>
    tpu.wait_dma2 semaphore(%arg13 : memref<!tpu.dma_semaphore, #tpu.memory_space<semaphore_mem>>) src(%dma_wait3A_547 : memref<1024xf32, #tpu.memory_space<vmem>>) dst(%dma_wait3A_545 : memref<1024xf32, #tpu.memory_space<hbm>>)
    %mul3A_548 = arith.constant 1024 : i32
    %mul3A_549 = arith.muli %arg1, %mul3A_548 : i32
    %dma_wait3A_550 = arith.constant 7 : i32
    %dma_wait3A_551 = arith.constant 7168 : i32
    %dma_wait3A_552 = tpu.memref_slice %arg7[%dma_wait3A_551] : memref<20480xf32, #tpu.memory_space<vmem>> -> memref<1024xf32, #tpu.memory_space<vmem>>
    %dma_wait3A_553 = tpu.memref_slice %arg5[%dma_wait3A_550, %sub3A_470, %mul3A_549] : memref<20x64x16384xf32, #tpu.memory_space<hbm>> -> memref<1x1x1024xf32, #tpu.memory_space<hbm>>
    %dma_wait3A_554 = tpu.memref_squeeze %dma_wait3A_553 : memref<1x1x1024xf32, #tpu.memory_space<hbm>> -> memref<1024xf32, #tpu.memory_space<hbm>>
    %dma_wait3A_555 = tpu.memref_slice %arg5[%dma_wait3A_550, %sub3A_470, %mul3A_549] : memref<20x64x16384xf32, #tpu.memory_space<hbm>> -> memref<1x1x1024xf32, #tpu.memory_space<hbm>>
    %dma_wait3A_556 = tpu.memref_squeeze %dma_wait3A_555 : memref<1x1x1024xf32, #tpu.memory_space<hbm>> -> memref<1024xf32, #tpu.memory_space<hbm>>
    %dma_wait3A_557 = arith.constant 7168 : i32
    %dma_wait3A_558 = tpu.memref_slice %arg7[%dma_wait3A_557] : memref<20480xf32, #tpu.memory_space<vmem>> -> memref<1024xf32, #tpu.memory_space<vmem>>
    tpu.wait_dma2 semaphore(%arg13 : memref<!tpu.dma_semaphore, #tpu.memory_space<semaphore_mem>>) src(%dma_wait3A_558 : memref<1024xf32, #tpu.memory_space<vmem>>) dst(%dma_wait3A_556 : memref<1024xf32, #tpu.memory_space<hbm>>)
    %mul3A_559 = arith.constant 1024 : i32
    %mul3A_560 = arith.muli %arg1, %mul3A_559 : i32
    %dma_wait3A_561 = arith.constant 8 : i32
    %dma_wait3A_562 = arith.constant 8192 : i32
    %dma_wait3A_563 = tpu.memref_slice %arg7[%dma_wait3A_562] : memref<20480xf32, #tpu.memory_space<vmem>> -> memref<1024xf32, #tpu.memory_space<vmem>>
    %dma_wait3A_564 = tpu.memref_slice %arg5[%dma_wait3A_561, %sub3A_470, %mul3A_560] : memref<20x64x16384xf32, #tpu.memory_space<hbm>> -> memref<1x1x1024xf32, #tpu.memory_space<hbm>>
    %dma_wait3A_565 = tpu.memref_squeeze %dma_wait3A_564 : memref<1x1x1024xf32, #tpu.memory_space<hbm>> -> memref<1024xf32, #tpu.memory_space<hbm>>
    %dma_wait3A_566 = tpu.memref_slice %arg5[%dma_wait3A_561, %sub3A_470, %mul3A_560] : memref<20x64x16384xf32, #tpu.memory_space<hbm>> -> memref<1x1x1024xf32, #tpu.memory_space<hbm>>
    %dma_wait3A_567 = tpu.memref_squeeze %dma_wait3A_566 : memref<1x1x1024xf32, #tpu.memory_space<hbm>> -> memref<1024xf32, #tpu.memory_space<hbm>>
    %dma_wait3A_568 = arith.constant 8192 : i32
    %dma_wait3A_569 = tpu.memref_slice %arg7[%dma_wait3A_568] : memref<20480xf32, #tpu.memory_space<vmem>> -> memref<1024xf32, #tpu.memory_space<vmem>>
    tpu.wait_dma2 semaphore(%arg13 : memref<!tpu.dma_semaphore, #tpu.memory_space<semaphore_mem>>) src(%dma_wait3A_569 : memref<1024xf32, #tpu.memory_space<vmem>>) dst(%dma_wait3A_567 : memref<1024xf32, #tpu.memory_space<hbm>>)
    %mul3A_570 = arith.constant 1024 : i32
    %mul3A_571 = arith.muli %arg1, %mul3A_570 : i32
    %dma_wait3A_572 = arith.constant 9 : i32
    %dma_wait3A_573 = arith.constant 9216 : i32
    %dma_wait3A_574 = tpu.memref_slice %arg7[%dma_wait3A_573] : memref<20480xf32, #tpu.memory_space<vmem>> -> memref<1024xf32, #tpu.memory_space<vmem>>
    %dma_wait3A_575 = tpu.memref_slice %arg5[%dma_wait3A_572, %sub3A_470, %mul3A_571] : memref<20x64x16384xf32, #tpu.memory_space<hbm>> -> memref<1x1x1024xf32, #tpu.memory_space<hbm>>
    %dma_wait3A_576 = tpu.memref_squeeze %dma_wait3A_575 : memref<1x1x1024xf32, #tpu.memory_space<hbm>> -> memref<1024xf32, #tpu.memory_space<hbm>>
    %dma_wait3A_577 = tpu.memref_slice %arg5[%dma_wait3A_572, %sub3A_470, %mul3A_571] : memref<20x64x16384xf32, #tpu.memory_space<hbm>> -> memref<1x1x1024xf32, #tpu.memory_space<hbm>>
    %dma_wait3A_578 = tpu.memref_squeeze %dma_wait3A_577 : memref<1x1x1024xf32, #tpu.memory_space<hbm>> -> memref<1024xf32, #tpu.memory_space<hbm>>
    %dma_wait3A_579 = arith.constant 9216 : i32
    %dma_wait3A_580 = tpu.memref_slice %arg7[%dma_wait3A_579] : memref<20480xf32, #tpu.memory_space<vmem>> -> memref<1024xf32, #tpu.memory_space<vmem>>
    tpu.wait_dma2 semaphore(%arg13 : memref<!tpu.dma_semaphore, #tpu.memory_space<semaphore_mem>>) src(%dma_wait3A_580 : memref<1024xf32, #tpu.memory_space<vmem>>) dst(%dma_wait3A_578 : memref<1024xf32, #tpu.memory_space<hbm>>)
    %mul3A_581 = arith.constant 1024 : i32
    %mul3A_582 = arith.muli %arg1, %mul3A_581 : i32
    %dma_wait3A_583 = arith.constant 10 : i32
    %dma_wait3A_584 = arith.constant 10240 : i32
    %dma_wait3A_585 = tpu.memref_slice %arg7[%dma_wait3A_584] : memref<20480xf32, #tpu.memory_space<vmem>> -> memref<1024xf32, #tpu.memory_space<vmem>>
    %dma_wait3A_586 = tpu.memref_slice %arg5[%dma_wait3A_583, %sub3A_470, %mul3A_582] : memref<20x64x16384xf32, #tpu.memory_space<hbm>> -> memref<1x1x1024xf32, #tpu.memory_space<hbm>>
    %dma_wait3A_587 = tpu.memref_squeeze %dma_wait3A_586 : memref<1x1x1024xf32, #tpu.memory_space<hbm>> -> memref<1024xf32, #tpu.memory_space<hbm>>
    %dma_wait3A_588 = tpu.memref_slice %arg5[%dma_wait3A_583, %sub3A_470, %mul3A_582] : memref<20x64x16384xf32, #tpu.memory_space<hbm>> -> memref<1x1x1024xf32, #tpu.memory_space<hbm>>
    %dma_wait3A_589 = tpu.memref_squeeze %dma_wait3A_588 : memref<1x1x1024xf32, #tpu.memory_space<hbm>> -> memref<1024xf32, #tpu.memory_space<hbm>>
    %dma_wait3A_590 = arith.constant 10240 : i32
    %dma_wait3A_591 = tpu.memref_slice %arg7[%dma_wait3A_590] : memref<20480xf32, #tpu.memory_space<vmem>> -> memref<1024xf32, #tpu.memory_space<vmem>>
    tpu.wait_dma2 semaphore(%arg13 : memref<!tpu.dma_semaphore, #tpu.memory_space<semaphore_mem>>) src(%dma_wait3A_591 : memref<1024xf32, #tpu.memory_space<vmem>>) dst(%dma_wait3A_589 : memref<1024xf32, #tpu.memory_space<hbm>>)
    %mul3A_592 = arith.constant 1024 : i32
    %mul3A_593 = arith.muli %arg1, %mul3A_592 : i32
    %dma_wait3A_594 = arith.constant 11 : i32
    %dma_wait3A_595 = arith.constant 11264 : i32
    %dma_wait3A_596 = tpu.memref_slice %arg7[%dma_wait3A_595] : memref<20480xf32, #tpu.memory_space<vmem>> -> memref<1024xf32, #tpu.memory_space<vmem>>
    %dma_wait3A_597 = tpu.memref_slice %arg5[%dma_wait3A_594, %sub3A_470, %mul3A_593] : memref<20x64x16384xf32, #tpu.memory_space<hbm>> -> memref<1x1x1024xf32, #tpu.memory_space<hbm>>
    %dma_wait3A_598 = tpu.memref_squeeze %dma_wait3A_597 : memref<1x1x1024xf32, #tpu.memory_space<hbm>> -> memref<1024xf32, #tpu.memory_space<hbm>>
    %dma_wait3A_599 = tpu.memref_slice %arg5[%dma_wait3A_594, %sub3A_470, %mul3A_593] : memref<20x64x16384xf32, #tpu.memory_space<hbm>> -> memref<1x1x1024xf32, #tpu.memory_space<hbm>>
    %dma_wait3A_600 = tpu.memref_squeeze %dma_wait3A_599 : memref<1x1x1024xf32, #tpu.memory_space<hbm>> -> memref<1024xf32, #tpu.memory_space<hbm>>
    %dma_wait3A_601 = arith.constant 11264 : i32
    %dma_wait3A_602 = tpu.memref_slice %arg7[%dma_wait3A_601] : memref<20480xf32, #tpu.memory_space<vmem>> -> memref<1024xf32, #tpu.memory_space<vmem>>
    tpu.wait_dma2 semaphore(%arg13 : memref<!tpu.dma_semaphore, #tpu.memory_space<semaphore_mem>>) src(%dma_wait3A_602 : memref<1024xf32, #tpu.memory_space<vmem>>) dst(%dma_wait3A_600 : memref<1024xf32, #tpu.memory_space<hbm>>)
    %mul3A_603 = arith.constant 1024 : i32
    %mul3A_604 = arith.muli %arg1, %mul3A_603 : i32
    %dma_wait3A_605 = arith.constant 12 : i32
    %dma_wait3A_606 = arith.constant 12288 : i32
    %dma_wait3A_607 = tpu.memref_slice %arg7[%dma_wait3A_606] : memref<20480xf32, #tpu.memory_space<vmem>> -> memref<1024xf32, #tpu.memory_space<vmem>>
    %dma_wait3A_608 = tpu.memref_slice %arg5[%dma_wait3A_605, %sub3A_470, %mul3A_604] : memref<20x64x16384xf32, #tpu.memory_space<hbm>> -> memref<1x1x1024xf32, #tpu.memory_space<hbm>>
    %dma_wait3A_609 = tpu.memref_squeeze %dma_wait3A_608 : memref<1x1x1024xf32, #tpu.memory_space<hbm>> -> memref<1024xf32, #tpu.memory_space<hbm>>
    %dma_wait3A_610 = tpu.memref_slice %arg5[%dma_wait3A_605, %sub3A_470, %mul3A_604] : memref<20x64x16384xf32, #tpu.memory_space<hbm>> -> memref<1x1x1024xf32, #tpu.memory_space<hbm>>
    %dma_wait3A_611 = tpu.memref_squeeze %dma_wait3A_610 : memref<1x1x1024xf32, #tpu.memory_space<hbm>> -> memref<1024xf32, #tpu.memory_space<hbm>>
    %dma_wait3A_612 = arith.constant 12288 : i32
    %dma_wait3A_613 = tpu.memref_slice %arg7[%dma_wait3A_612] : memref<20480xf32, #tpu.memory_space<vmem>> -> memref<1024xf32, #tpu.memory_space<vmem>>
    tpu.wait_dma2 semaphore(%arg13 : memref<!tpu.dma_semaphore, #tpu.memory_space<semaphore_mem>>) src(%dma_wait3A_613 : memref<1024xf32, #tpu.memory_space<vmem>>) dst(%dma_wait3A_611 : memref<1024xf32, #tpu.memory_space<hbm>>)
    %mul3A_614 = arith.constant 1024 : i32
    %mul3A_615 = arith.muli %arg1, %mul3A_614 : i32
    %dma_wait3A_616 = arith.constant 13 : i32
    %dma_wait3A_617 = arith.constant 13312 : i32
    %dma_wait3A_618 = tpu.memref_slice %arg7[%dma_wait3A_617] : memref<20480xf32, #tpu.memory_space<vmem>> -> memref<1024xf32, #tpu.memory_space<vmem>>
    %dma_wait3A_619 = tpu.memref_slice %arg5[%dma_wait3A_616, %sub3A_470, %mul3A_615] : memref<20x64x16384xf32, #tpu.memory_space<hbm>> -> memref<1x1x1024xf32, #tpu.memory_space<hbm>>
    %dma_wait3A_620 = tpu.memref_squeeze %dma_wait3A_619 : memref<1x1x1024xf32, #tpu.memory_space<hbm>> -> memref<1024xf32, #tpu.memory_space<hbm>>
    %dma_wait3A_621 = tpu.memref_slice %arg5[%dma_wait3A_616, %sub3A_470, %mul3A_615] : memref<20x64x16384xf32, #tpu.memory_space<hbm>> -> memref<1x1x1024xf32, #tpu.memory_space<hbm>>
    %dma_wait3A_622 = tpu.memref_squeeze %dma_wait3A_621 : memref<1x1x1024xf32, #tpu.memory_space<hbm>> -> memref<1024xf32, #tpu.memory_space<hbm>>
    %dma_wait3A_623 = arith.constant 13312 : i32
    %dma_wait3A_624 = tpu.memref_slice %arg7[%dma_wait3A_623] : memref<20480xf32, #tpu.memory_space<vmem>> -> memref<1024xf32, #tpu.memory_space<vmem>>
    tpu.wait_dma2 semaphore(%arg13 : memref<!tpu.dma_semaphore, #tpu.memory_space<semaphore_mem>>) src(%dma_wait3A_624 : memref<1024xf32, #tpu.memory_space<vmem>>) dst(%dma_wait3A_622 : memref<1024xf32, #tpu.memory_space<hbm>>)
    %mul3A_625 = arith.constant 1024 : i32
    %mul3A_626 = arith.muli %arg1, %mul3A_625 : i32
    %dma_wait3A_627 = arith.constant 14 : i32
    %dma_wait3A_628 = arith.constant 14336 : i32
    %dma_wait3A_629 = tpu.memref_slice %arg7[%dma_wait3A_628] : memref<20480xf32, #tpu.memory_space<vmem>> -> memref<1024xf32, #tpu.memory_space<vmem>>
    %dma_wait3A_630 = tpu.memref_slice %arg5[%dma_wait3A_627, %sub3A_470, %mul3A_626] : memref<20x64x16384xf32, #tpu.memory_space<hbm>> -> memref<1x1x1024xf32, #tpu.memory_space<hbm>>
    %dma_wait3A_631 = tpu.memref_squeeze %dma_wait3A_630 : memref<1x1x1024xf32, #tpu.memory_space<hbm>> -> memref<1024xf32, #tpu.memory_space<hbm>>
    %dma_wait3A_632 = tpu.memref_slice %arg5[%dma_wait3A_627, %sub3A_470, %mul3A_626] : memref<20x64x16384xf32, #tpu.memory_space<hbm>> -> memref<1x1x1024xf32, #tpu.memory_space<hbm>>
    %dma_wait3A_633 = tpu.memref_squeeze %dma_wait3A_632 : memref<1x1x1024xf32, #tpu.memory_space<hbm>> -> memref<1024xf32, #tpu.memory_space<hbm>>
    %dma_wait3A_634 = arith.constant 14336 : i32
    %dma_wait3A_635 = tpu.memref_slice %arg7[%dma_wait3A_634] : memref<20480xf32, #tpu.memory_space<vmem>> -> memref<1024xf32, #tpu.memory_space<vmem>>
    tpu.wait_dma2 semaphore(%arg13 : memref<!tpu.dma_semaphore, #tpu.memory_space<semaphore_mem>>) src(%dma_wait3A_635 : memref<1024xf32, #tpu.memory_space<vmem>>) dst(%dma_wait3A_633 : memref<1024xf32, #tpu.memory_space<hbm>>)
    %mul3A_636 = arith.constant 1024 : i32
    %mul3A_637 = arith.muli %arg1, %mul3A_636 : i32
    %dma_wait3A_638 = arith.constant 15 : i32
    %dma_wait3A_639 = arith.constant 15360 : i32
    %dma_wait3A_640 = tpu.memref_slice %arg7[%dma_wait3A_639] : memref<20480xf32, #tpu.memory_space<vmem>> -> memref<1024xf32, #tpu.memory_space<vmem>>
    %dma_wait3A_641 = tpu.memref_slice %arg5[%dma_wait3A_638, %sub3A_470, %mul3A_637] : memref<20x64x16384xf32, #tpu.memory_space<hbm>> -> memref<1x1x1024xf32, #tpu.memory_space<hbm>>
    %dma_wait3A_642 = tpu.memref_squeeze %dma_wait3A_641 : memref<1x1x1024xf32, #tpu.memory_space<hbm>> -> memref<1024xf32, #tpu.memory_space<hbm>>
    %dma_wait3A_643 = tpu.memref_slice %arg5[%dma_wait3A_638, %sub3A_470, %mul3A_637] : memref<20x64x16384xf32, #tpu.memory_space<hbm>> -> memref<1x1x1024xf32, #tpu.memory_space<hbm>>
    %dma_wait3A_644 = tpu.memref_squeeze %dma_wait3A_643 : memref<1x1x1024xf32, #tpu.memory_space<hbm>> -> memref<1024xf32, #tpu.memory_space<hbm>>
    %dma_wait3A_645 = arith.constant 15360 : i32
    %dma_wait3A_646 = tpu.memref_slice %arg7[%dma_wait3A_645] : memref<20480xf32, #tpu.memory_space<vmem>> -> memref<1024xf32, #tpu.memory_space<vmem>>
    tpu.wait_dma2 semaphore(%arg13 : memref<!tpu.dma_semaphore, #tpu.memory_space<semaphore_mem>>) src(%dma_wait3A_646 : memref<1024xf32, #tpu.memory_space<vmem>>) dst(%dma_wait3A_644 : memref<1024xf32, #tpu.memory_space<hbm>>)
    %mul3A_647 = arith.constant 1024 : i32
    %mul3A_648 = arith.muli %arg1, %mul3A_647 : i32
    %dma_wait3A_649 = arith.constant 16 : i32
    %dma_wait3A_650 = arith.constant 16384 : i32
    %dma_wait3A_651 = tpu.memref_slice %arg7[%dma_wait3A_650] : memref<20480xf32, #tpu.memory_space<vmem>> -> memref<1024xf32, #tpu.memory_space<vmem>>
    %dma_wait3A_652 = tpu.memref_slice %arg5[%dma_wait3A_649, %sub3A_470, %mul3A_648] : memref<20x64x16384xf32, #tpu.memory_space<hbm>> -> memref<1x1x1024xf32, #tpu.memory_space<hbm>>
    %dma_wait3A_653 = tpu.memref_squeeze %dma_wait3A_652 : memref<1x1x1024xf32, #tpu.memory_space<hbm>> -> memref<1024xf32, #tpu.memory_space<hbm>>
    %dma_wait3A_654 = tpu.memref_slice %arg5[%dma_wait3A_649, %sub3A_470, %mul3A_648] : memref<20x64x16384xf32, #tpu.memory_space<hbm>> -> memref<1x1x1024xf32, #tpu.memory_space<hbm>>
    %dma_wait3A_655 = tpu.memref_squeeze %dma_wait3A_654 : memref<1x1x1024xf32, #tpu.memory_space<hbm>> -> memref<1024xf32, #tpu.memory_space<hbm>>
    %dma_wait3A_656 = arith.constant 16384 : i32
    %dma_wait3A_657 = tpu.memref_slice %arg7[%dma_wait3A_656] : memref<20480xf32, #tpu.memory_space<vmem>> -> memref<1024xf32, #tpu.memory_space<vmem>>
    tpu.wait_dma2 semaphore(%arg13 : memref<!tpu.dma_semaphore, #tpu.memory_space<semaphore_mem>>) src(%dma_wait3A_657 : memref<1024xf32, #tpu.memory_space<vmem>>) dst(%dma_wait3A_655 : memref<1024xf32, #tpu.memory_space<hbm>>)
    %mul3A_658 = arith.constant 1024 : i32
    %mul3A_659 = arith.muli %arg1, %mul3A_658 : i32
    %dma_wait3A_660 = arith.constant 17 : i32
    %dma_wait3A_661 = arith.constant 17408 : i32
    %dma_wait3A_662 = tpu.memref_slice %arg7[%dma_wait3A_661] : memref<20480xf32, #tpu.memory_space<vmem>> -> memref<1024xf32, #tpu.memory_space<vmem>>
    %dma_wait3A_663 = tpu.memref_slice %arg5[%dma_wait3A_660, %sub3A_470, %mul3A_659] : memref<20x64x16384xf32, #tpu.memory_space<hbm>> -> memref<1x1x1024xf32, #tpu.memory_space<hbm>>
    %dma_wait3A_664 = tpu.memref_squeeze %dma_wait3A_663 : memref<1x1x1024xf32, #tpu.memory_space<hbm>> -> memref<1024xf32, #tpu.memory_space<hbm>>
    %dma_wait3A_665 = tpu.memref_slice %arg5[%dma_wait3A_660, %sub3A_470, %mul3A_659] : memref<20x64x16384xf32, #tpu.memory_space<hbm>> -> memref<1x1x1024xf32, #tpu.memory_space<hbm>>
    %dma_wait3A_666 = tpu.memref_squeeze %dma_wait3A_665 : memref<1x1x1024xf32, #tpu.memory_space<hbm>> -> memref<1024xf32, #tpu.memory_space<hbm>>
    %dma_wait3A_667 = arith.constant 17408 : i32
    %dma_wait3A_668 = tpu.memref_slice %arg7[%dma_wait3A_667] : memref<20480xf32, #tpu.memory_space<vmem>> -> memref<1024xf32, #tpu.memory_space<vmem>>
    tpu.wait_dma2 semaphore(%arg13 : memref<!tpu.dma_semaphore, #tpu.memory_space<semaphore_mem>>) src(%dma_wait3A_668 : memref<1024xf32, #tpu.memory_space<vmem>>) dst(%dma_wait3A_666 : memref<1024xf32, #tpu.memory_space<hbm>>)
    %mul3A_669 = arith.constant 1024 : i32
    %mul3A_670 = arith.muli %arg1, %mul3A_669 : i32
    %dma_wait3A_671 = arith.constant 18 : i32
    %dma_wait3A_672 = arith.constant 18432 : i32
    %dma_wait3A_673 = tpu.memref_slice %arg7[%dma_wait3A_672] : memref<20480xf32, #tpu.memory_space<vmem>> -> memref<1024xf32, #tpu.memory_space<vmem>>
    %dma_wait3A_674 = tpu.memref_slice %arg5[%dma_wait3A_671, %sub3A_470, %mul3A_670] : memref<20x64x16384xf32, #tpu.memory_space<hbm>> -> memref<1x1x1024xf32, #tpu.memory_space<hbm>>
    %dma_wait3A_675 = tpu.memref_squeeze %dma_wait3A_674 : memref<1x1x1024xf32, #tpu.memory_space<hbm>> -> memref<1024xf32, #tpu.memory_space<hbm>>
    %dma_wait3A_676 = tpu.memref_slice %arg5[%dma_wait3A_671, %sub3A_470, %mul3A_670] : memref<20x64x16384xf32, #tpu.memory_space<hbm>> -> memref<1x1x1024xf32, #tpu.memory_space<hbm>>
    %dma_wait3A_677 = tpu.memref_squeeze %dma_wait3A_676 : memref<1x1x1024xf32, #tpu.memory_space<hbm>> -> memref<1024xf32, #tpu.memory_space<hbm>>
    %dma_wait3A_678 = arith.constant 18432 : i32
    %dma_wait3A_679 = tpu.memref_slice %arg7[%dma_wait3A_678] : memref<20480xf32, #tpu.memory_space<vmem>> -> memref<1024xf32, #tpu.memory_space<vmem>>
    tpu.wait_dma2 semaphore(%arg13 : memref<!tpu.dma_semaphore, #tpu.memory_space<semaphore_mem>>) src(%dma_wait3A_679 : memref<1024xf32, #tpu.memory_space<vmem>>) dst(%dma_wait3A_677 : memref<1024xf32, #tpu.memory_space<hbm>>)
    %mul3A_680 = arith.constant 1024 : i32
    %mul3A_681 = arith.muli %arg1, %mul3A_680 : i32
    %dma_wait3A_682 = arith.constant 19 : i32
    %dma_wait3A_683 = arith.constant 19456 : i32
    %dma_wait3A_684 = tpu.memref_slice %arg7[%dma_wait3A_683] : memref<20480xf32, #tpu.memory_space<vmem>> -> memref<1024xf32, #tpu.memory_space<vmem>>
    %dma_wait3A_685 = tpu.memref_slice %arg5[%dma_wait3A_682, %sub3A_470, %mul3A_681] : memref<20x64x16384xf32, #tpu.memory_space<hbm>> -> memref<1x1x1024xf32, #tpu.memory_space<hbm>>
    %dma_wait3A_686 = tpu.memref_squeeze %dma_wait3A_685 : memref<1x1x1024xf32, #tpu.memory_space<hbm>> -> memref<1024xf32, #tpu.memory_space<hbm>>
    %dma_wait3A_687 = tpu.memref_slice %arg5[%dma_wait3A_682, %sub3A_470, %mul3A_681] : memref<20x64x16384xf32, #tpu.memory_space<hbm>> -> memref<1x1x1024xf32, #tpu.memory_space<hbm>>
    %dma_wait3A_688 = tpu.memref_squeeze %dma_wait3A_687 : memref<1x1x1024xf32, #tpu.memory_space<hbm>> -> memref<1024xf32, #tpu.memory_space<hbm>>
    %dma_wait3A_689 = arith.constant 19456 : i32
    %dma_wait3A_690 = tpu.memref_slice %arg7[%dma_wait3A_689] : memref<20480xf32, #tpu.memory_space<vmem>> -> memref<1024xf32, #tpu.memory_space<vmem>>
    tpu.wait_dma2 semaphore(%arg13 : memref<!tpu.dma_semaphore, #tpu.memory_space<semaphore_mem>>) src(%dma_wait3A_690 : memref<1024xf32, #tpu.memory_space<vmem>>) dst(%dma_wait3A_688 : memref<1024xf32, #tpu.memory_space<hbm>>)
    return
  }
}

</mosaic_0001>

<sc_bundles>
// kernel: kernel.3.cloned.1.call-start
scs
__scs_entry_jumppad:
0x0: {  	(pc) =	sbr.rel $0x88, $3  }
0x1: {  	(tag) =	ssettag $0x0;
	lr =	simm.s32 $0x1  }
0x2: {  	[smem:$0x3F9F] =	sst lr;
	_ =	strace $0xD0000000  }
0x3: {  	_ = 	snop  }
0x4: {  	_ = 	snop  }
0x5: {  	_ = 	snop  }
0x6: {  	_ = 	snop  }
0x7: {  	_ = 	snop  }
__scs_overlays_trampoline_lowered:
0x8: {  	[smem:$0x3FAE] =	sst s0  }
0x9: {  	[smem:$0x3FAF] =	sst s1  }
0xa: {  	[smem:$0x3FB0] =	sst s2  }
0xb: {  	[smem:$0x3FB1] =	sst s3  }
0xc: {  	[smem:$0x3FB2] =	sst s4  }
0xd: {  	[smem:$0x3FB3] =	sst s5  }
0xe: {  	[smem:$0x3FB4] =	sst s6  }
0xf: {  	[smem:$0x3FB5] =	sst s7  }
0x10: {  	[smem:$0x3FB6] =	sst s8  }
0x11: {  	[smem:$0x3FB7] =	sst s9;
	s0 =	simm.s32 @!p0 $0x0  }
0x12: {  	s1 =	sld [smem:$0x3F9D];
	s0 =	simm.s32 @p0 $0x1  }
0x13: {  	[smem:$0x3FB8] =	sst s0;
	s0 =	simm.s32 @!p1 $0x0  }
0x14: {  	s2 =	sld [smem:$0x3F9C];
	s0 =	simm.s32 @p1 $0x1  }
0x15: {  	[smem:$0x3FB9] =	sst s0;
	s0 =	simm.s32 @!p2 $0x0  }
0x16: {  	s3 =	sld [smem:$0x3FDB];
	s0 =	simm.s32 @p2 $0x1  }
0x17: {  	s4 =	simm.s32 $0x1BF5;
	[smem:$0x3FBB] =	sst s0  }
0x18: {  	s0 =	sld [smem:$0x3F9E];
	_ =	swait.ge [sflag:s4], $0x0  }
0x19: {  	s7 =	sld [smem:$0x3F9F]  }
0x1a: {  	s8 =	sadd.s32 $0xFFFFE003, lr  }
0x1b: {  	s9 =	sadd.s32 $0xFFFFFEF7, lr;
	s5 =	simm.s32 $0xFFFFFFFF;
	p2 =	slt.u32 s8, $0xFFFFF086  }
0x1c: {  	p1 =	slt.u32 s9, $0xF7A;
	s5 =	simm.s32 @!p2 $0x0  }
0x1d: {  	s5 =	simm.s32 @p1 $0x1;
	p0 =	seq.s32 s7, s2  }
0x1e: {  	s7 =	smul.u32 @!p0 $0xF7A, s2;
	p2 =	seq.s32 @!p0 s5, $0x0  }
0x1f: {  	s9 =	smul.u32 $0xF7A, s1;
	s8 =	simm.s32 @!p0 $0x1BF5;
	p2 =	por !p2, p0  }
0x20: {  	[sflag:s8] =	ssyncset.s32 @!p0 $0xFFFFF086;
	s6 =	sadd.s32 @!p0 s3, s7;
	s7 =	simm.s32 @!p0 $0x108  }
0x21: {  	s3 =	sadd.s32 s3, s9;
	s6 =	sadd.s32 @!p0 $0x88, s6;
	s7 =	simm.s32 @p2 $0x1082  }
0x22: {  	[simem:s7], [sflag:s8] =	dma.local @!p0 [hbm:s6], $0xF7A  }
0x23: {  	s9 =	sor.u32 $0xD0000000, s2;
	s6 =	simm.s32 $0x108;
	_ =	swait.ge @!p0 [sflag:s8], $0x0  }
0x24: {  	s3 =	sadd.s32 $0x88, s3;
	s6 =	simm.s32 @!p1 $0x1082;
	[sflag:s4] =	ssyncset.s32 $0xFFFFF086  }
0x25: {  	[simem:s6], [sflag:s4] =	dma.local [hbm:s3], $0xF7A  }
0x26: {  	[smem:$0x3F9F] =	sst s1;
	(tag) =	ssettag s2;
	_ =	strace s9  }
0x27: {  	s1 =	sld [smem:$0x3FAF]  }
0x28: {  	s2 =	sld [smem:$0x3FB0]  }
0x29: {  	s4 =	sld [smem:$0x3FB2]  }
0x2a: {  	p0 =	seq.s32 s5, $0x0;
	s5 =	sld [smem:$0x3FB3]  }
0x2b: {  	s6 =	sld [smem:$0x3FB4]  }
0x2c: {  	s7 =	sld [smem:$0x3FB5]  }
0x2d: {  	s3 =	simm.s32 $0x108;
	s8 =	sld [smem:$0x3FB6]  }
0x2e: {  	s3 =	simm.s32 @!p0 $0x1082;
	s9 =	sld [smem:$0x3FB7]  }
0x2f: {  	lr =	sadd.s32 s0, s3;
	s0 =	sld [smem:$0x3FAE]  }
0x30: {  	s3 =	sld [smem:$0x3FB1]  }
0x31: {  	[smem:$0x3FBA] =	sst s10  }
0x32: {  	s10 =	sld [smem:$0x3FB8];
	_ =	sdelay $0x3  }
0x33: {  	p0 =	seq.s32 s10, $0x1;
	s10 =	sld [smem:$0x3FBA];
	_ =	sdelay $0x3  }
0x34: {  	[smem:$0x3FBA] =	sst s10  }
0x35: {  	s10 =	sld [smem:$0x3FB9];
	_ =	sdelay $0x3  }
0x36: {  	p1 =	seq.s32 s10, $0x1;
	s10 =	sld [smem:$0x3FBA];
	_ =	sdelay $0x3  }
0x37: {  	[smem:$0x3FBA] =	sst s10  }
0x38: {  	s10 =	sld [smem:$0x3FBB]  }
0x39: {  	_ = 	snop;
	(pc) =	sbr.ind lr, $3  }
0x3a: {  	_ = 	snop  }
0x3b: {  	_ = 	snop  }
0x3c: {  	p2 =	seq.s32 s10, $0x1;
	s10 =	sld [smem:$0x3FBA]  }
0x3d: {  	_ =	shalt  }
0x3e: {  	_ =	shalt  }
0x3f: {  	_ =	shalt  }
0x40: {  	_ =	shalt  }
0x41: {  	_ =	shalt  }
0x42: {  	_ =	shalt  }
0x43: {  	_ =	shalt  }
0x44: {  	_ =	shalt  }
0x45: {  	_ =	shalt  }
0x46: {  	_ =	shalt  }
0x47: {  	_ =	shalt  }
0x48: {  	_ =	shalt  }
0x49: {  	_ =	shalt  }
0x4a: {  	_ =	shalt  }
0x4b: {  	_ =	shalt  }
0x4c: {  	_ =	shalt  }
0x4d: {  	_ =	shalt  }
0x4e: {  	_ =	shalt  }
0x4f: {  	_ =	shalt  }
0x50: {  	_ =	shalt  }
0x51: {  	_ =	shalt  }
0x52: {  	_ =	shalt  }
0x53: {  	_ =	shalt  }
0x54: {  	_ =	shalt  }
0x55: {  	_ =	shalt  }
0x56: {  	_ =	shalt  }
0x57: {  	_ =	shalt  }
0x58: {  	_ =	shalt  }
0x59: {  	_ =	shalt  }
0x5a: {  	_ =	shalt  }
0x5b: {  	_ =	shalt  }
0x5c: {  	_ =	shalt  }
0x5d: {  	_ =	shalt  }
0x5e: {  	_ =	shalt  }
0x5f: {  	_ =	shalt  }
0x60: {  	_ =	shalt  }
0x61: {  	_ =	shalt  }
0x62: {  	_ =	shalt  }
0x63: {  	_ =	shalt  }
0x64: {  	_ =	shalt  }
0x65: {  	_ =	shalt  }
0x66: {  	_ =	shalt  }
0x67: {  	_ =	shalt  }
0x68: {  	_ =	shalt  }
0x69: {  	_ =	shalt  }
0x6a: {  	_ =	shalt  }
0x6b: {  	_ =	shalt  }
0x6c: {  	_ =	shalt  }
0x6d: {  	_ =	shalt  }
0x6e: {  	_ =	shalt  }
0x6f: {  	_ =	shalt  }
0x70: {  	_ =	shalt  }
0x71: {  	_ =	shalt  }
0x72: {  	_ =	shalt  }
0x73: {  	_ =	shalt  }
0x74: {  	_ =	shalt  }
0x75: {  	_ =	shalt  }
0x76: {  	_ =	shalt  }
0x77: {  	_ =	shalt  }
0x78: {  	_ =	shalt  }
0x79: {  	_ =	shalt  }
0x7a: {  	_ =	shalt  }
0x7b: {  	_ =	shalt  }
0x7c: {  	_ =	shalt  }
0x7d: {  	_ =	shalt  }
0x7e: {  	_ =	shalt  }
0x7f: {  	_ =	shalt  }
0x80: {  	_ =	shalt  }
0x81: {  	_ =	shalt  }
0x82: {  	_ =	shalt  }
0x83: {  	_ =	shalt  }
0x84: {  	_ =	shalt  }
0x85: {  	_ =	shalt  }
0x86: {  	_ =	shalt  }
0x87: {  	_ =	shalt  }
.Lfunc_end0:
.L_simem_size_0:
called_computation_lowered:
.L_overlay_start_0:
0x88: {  	s2 =	sld [smem:$0x3FD9]  }
0x89: {  	s3 =	sld [smem:$0x3FFE];
	_ =	sdelay $0x1  }
0x8a: {  	s1 =	srdreg.scid  }
0x8b: {  	s0 =	sand.u32 $0x1, s1  }
0x8c: {  	s17 =	sshll.u32 s0, $0xA;
	s2 =	sadd.s32 s3, s2  }
0x8d: {  	s2 =	sadd.s32 s2, s17  }
0x8e: {  	[smem:$0x3FC6] =	sst s2  }
0x8f: {  	_ = 	snop  }
0x90: {  	s2 =	sld [smem:$0x3FC8]  }
0x91: {  	s18 =	sld [smem:$0x3FD0];
	(tm) =	ssettm $0x1  }
0x92: {  	s4 =	sld [smem:$0x3FFB];
	_ =	sdelay $0x3  }
0x93: {  	_ =	strace s4  }
0x94: {  	s4 =	sld [smem:$0x3FFC];
	_ =	sdelay $0x3  }
0x95: {  	_ =	strace s4  }
0x96: {  	s4 =	sld [smem:$0x3FFD];
	_ =	sdelay $0x3  }
0x97: {  	_ =	strace s4  }
0x98: {  	_ =	strace $0x8FFFFFFF  }
0x99: {  	s19 =	sld [smem:$0x3FDB];
	_ =	sdelay $0x1  }
0x9a: {  	s5 =	simm.s32 $_scs_section_size  }
0x9b: {  	s6 =	simm.s32 $_size__tile_overlayer_lowered;
	s7 =	simm.s32 $_tile_overlayer_lowered  }
0x9c: {  	s22 =	simm.s32 $0x1BFF;
	s21 =	sshll.u32 s7, $0x1;
	s4 =	sadd.s32 s5, s19  }
0x9d: {  	s8 =	simm.s32 $0x0;
	s20 =	sshll.u32 s6, $0x1;
	s6 =	sadd.s32 s21, s4  }
0x9e: {  	[timem:s8], [sflag:s22] =	dma.local [hbm:s6], s20  }
0x9f: {  	_ =	swait.ge [sflag:s22], s20  }
0xa0: {  	s5 =	ssub.s32 $0x0, s20;
	[sflag:s22] =	ssyncset.done $0x0  }
0xa1: {  	[sflag:s22] =	ssyncadd.s32 s5;
	_ =	sdelay $0x1  }
0xa2: {  	s23 =	simm.s32 $0x1B8B  }
0xa3: {  	_ =	swait.ge [sflag:s23], $0x1  }
0xa4: {  	[sflag:s23] =	ssyncset.done $0x0  }
0xa5: {  	s25 =	simm.s32 $0x1B8E;
	s24 =	sld [smem:$0x3FFE];
	[sflag:s23] =	ssyncadd.s32 $0xFFFFFFFF  }
0xa6: {  	s26 =	simm.s32 $execute0_lowered;
	[smem:$0x3FD2] =	sst s25  }
0xa7: {  	s6 =	sshll.u32 s26, $0x1;
	_ =	strace $0x80000046;
	[dreg:$0x1] =	wrdreg $0xFFFFFFFF  }
0xa8: {  	s28 =	simm.s32 $_size_execute0_lowered;
	s4 =	sadd.s32 s4, s6;
	[dreg:$0x0] =	wrdreg $0x0  }
0xa9: {  	s6 =	sshll.u32 s28, $0x1;
	[dreg:$0x2] =	wrdreg s4  }
0xaa: {  	[dreg:$0x3] =	wrdreg s6  }
0xab: {  	[dreg:$0x4] =	wrdreg $0xC0  }
0xac: {  	_ =	task [dreg:s8], $0x5FFFF  }
0xad: {  	[dreg:$0x1] =	wrdreg $0xFFFFFFFF  }
0xae: {  	[dreg:$0x0] =	wrdreg $0x60  }
0xaf: {  	[dreg:$0x2] =	wrdreg s2  }
0xb0: {  	[dreg:$0x3] =	wrdreg s24  }
0xb1: {  	[dreg:$0x4] =	wrdreg s18  }
0xb2: {  	[dreg:$0x5] =	wrdreg $0xA0000  }
0xb3: {  	[dreg:$0x6] =	wrdreg $0x9  }
0xb4: {  	_ =	task.clear_ibuf [dreg:s8], $0x7FFFF;
	_ =	strace $0x90000046  }
0xb5: {  	s29 =	simm.s32 $0x9;
	_ =	strace $0x80000048  }
0xb6: {  	_ =	swait.ge [sflag:s29], $0x1  }
0xb7: {  	[sflag:s29] =	ssyncadd.s32 $0xFFFFFFFF  }
0xb8: {  	_ =	strace $0x90000048  }
0xb9: {  	_ =	sfence  }
0xba: {  	s30 =	sld [smem:$0x0];
	_ =	sdelay $0x2  }
0xbb: {  	s31 =	sshll.u32 s1, $0xD;
	s1 =	sshrl.u32 s1, $0x2  }
0xbc: {  	s3 =	sand.u32 $0x4000, s31;
	s1 =	sadd.s32 s1, s30  }
0xbd: {  	s0 =	sor.u32 s3, s0;
	s1 =	sshll.u32 s1, $0x11  }
0xbe: {  	s0 =	sor.u32 s1, s0  }
0xbf: {  	s0 =	sadd.s32 $0x8F2B, s0  }
0xc0: {  	[sflag:s0] =	ssyncadd.remote.s32 $0x1  }
0xc1: {  	_ =	sfence.sel $0xFFFF  }
0xc2: {  	[dreg:$0x0] =	wrdreg $0xFFFFFFFF;
	(pc) =	sbr.abs _section_cstart, $3  }
0xc3: {  	[dreg:$0x1] =	wrdreg $0xFFFFFFFF  }
0xc4: {  	_ =	task.clear_ibuf [dreg:s8], $0x2FFFF;
	_ =	strace $0x9FFFFFFF  }
0xc5: {  	(tm) =	ssettm $0x7FFFFFFF  }
tec
execute0_lowered:
.L_overlay_start_1:
0x0: {  	(tag) =	ssettag $0x1  }
0x1: {  	s11 =	rddreg [dreg:$0x0]  }
0x2: {  	s0 =	rddreg [dreg:$0x1];
	s8 =	stileid.u32  }
0x3: {  	s6 =	rddreg [dreg:$0x2];
	s2 =	simm.s32 $0x0;
	s9 =	sshll.u32 s8, $0x7  }
0x4: {  	[smem:$0x7FF] =	sst s2;
	s2 =	sadd.s32 s9, s0  }
0x5: {  	s7 =	rddreg [dreg:$0x3];
	s10 =	sadd.s32 $0x800, s2  }
0x6: {  	_ =	strace $0x80000047;
	s12 =	sadd.s32 $0x1000, s2;
	[dreg:$0x5] =	wrdreg s10  }
0x7: {  	s13 =	sadd.s32 $0x1800, s2;
	[dreg:$0x6] =	wrdreg s12  }
0x8: {  	s14 =	sadd.s32 $0x2000, s2;
	[dreg:$0x7] =	wrdreg s13  }
0x9: {  	s15 =	sadd.s32 $0x2800, s2;
	[dreg:$0x8] =	wrdreg s14  }
0xa: {  	s16 =	sadd.s32 $0x3000, s2;
	[dreg:$0x9] =	wrdreg s15  }
0xb: {  	s17 =	sadd.s32 $0x3800, s2;
	[dreg:$0xa] =	wrdreg s16  }
0xc: {  	s18 =	sadd.s32 $0x4000, s2;
	[dreg:$0xb] =	wrdreg s17  }
0xd: {  	s19 =	sadd.s32 $0x4800, s2;
	[dreg:$0xc] =	wrdreg s18  }
0xe: {  	s21 =	sadd.s32 $0x5000, s2;
	[dreg:$0xd] =	wrdreg s19  }
0xf: {  	s22 =	sadd.s32 $0x5800, s2;
	[dreg:$0xe] =	wrdreg s21  }
0x10: {  	s9 =	sadd.s32 $0x6000, s2;
	[dreg:$0xf] =	wrdreg s22  }
0x11: {  	s24 =	sadd.s32 $0x6800, s2;
	[dreg:$0x10] =	wrdreg s9  }
0x12: {  	s25 =	sadd.s32 $0x7000, s2;
	[dreg:$0x11] =	wrdreg s24  }
0x13: {  	s1 =	srdreg.scid;
	s26 =	sadd.s32 $0x7800, s2;
	[dreg:$0x12] =	wrdreg s25  }
0x14: {  	s1 =	sand.u32 $0x1, s1;
	s28 =	sadd.s32 $0x8000, s2;
	[dreg:$0x14] =	wrdreg s26  }
0x15: {  	s20 =	smul.u32 $0x35C00, s8;
	s30 =	sadd.s32 $0x8800, s2;
	[dreg:$0x15] =	wrdreg s28  }
0x16: {  	s4 =	sshll.u32 s1, $0x9;
	s31 =	sadd.s32 $0x9000, s2;
	[dreg:$0x16] =	wrdreg s30  }
0x17: {  	s0 =	sadd.s32 s4, s0;
	[dreg:$0x17] =	wrdreg s31;
	s10 =	sadd.s32 $0x9800, s2  }
0x18: {  	s4 =	sshrl.u32 s20, $0x3;
	s2 =	sadd.s32 $0xA000, s2;
	[dreg:$0x18] =	wrdreg s10  }
0x19: {  	s4 =	sadd.s32 $0x88580, s4;
	[dreg:$0x1a] =	wrdreg s2  }
0x1a: {  	s3 =	ssub.s32 $0x2, s1;
	s20 =	sadd.s32 $0x400, s0;
	[dreg:$0x13] =	wrdreg s4  }
0x1b: {  	s23 =	smul.u32 $0x3D0A00, s1;
	s0 =	sadd.s32 $0x410, s0;
	[smem:$0x7D3] =	sst s20  }
0x1c: {  	s5 =	sshrl.u32 s3, $0x1;
	s21 =	sshll.u32 s1, $0x5;
	[smem:$0x7D4] =	sst s0  }
0x1d: {  	s3 =	ssub.s32 s3, s5;
	s22 =	sshll.u32 s1, $0xC;
	[smem:$0x7D5] =	sst s21  }
0x1e: {  	s5 =	sadd.s32 s11, s23;
	s23 =	sshll.u32 s1, $0x13;
	[smem:$0x7D6] =	sst s22  }
0x1f: {  	s25 =	sshll.u32 s8, $0x6;
	[smem:$0x7D7] =	sst s23  }
0x20: {  	s26 =	sadd.s32 $0x15FF00, s7;
	[smem:$0x7DF] =	sst s25  }
0x21: {  	s30 =	sadd.s32 $0x15FD00, s7;
	[smem:$0x7E0] =	sst s26  }
0x22: {  	s31 =	sadd.s32 $0x15FA80, s7;
	[smem:$0x7E1] =	sst s30  }
0x23: {  	s9 =	sadd.s32 $0x60000, s6;
	[smem:$0x7E2] =	sst s31  }
0x24: {  	s13 =	sadd.s32 s4, s5;
	[smem:$0x7EB] =	sst s9  }
0x25: {  	s14 =	sadd.s32 $0xF4000, s5;
	[dreg:$0x1b] =	wrdreg s13  }
0x26: {  	p0 =	seq.s32 s8, $0x0;
	s15 =	sadd.s32 $0xF3D80, s5;
	[dreg:$0x1c] =	wrdreg s14  }
0x27: {  	p1 =	seq.s32 @!p0 s8, $0x2;
	s17 =	sadd.s32 $0x88000, s5;
	[dreg:$0x1d] =	wrdreg s15  }
0x28: {  	p3 =	por !p1, p0;
	s18 =	sadd.s32 $0x10, s5;
	[dreg:$0x1f] =	wrdreg s17  }
0x29: {  	s1 =	simm.s32 @!p3 $0x0;
	s19 =	smax.u32 s3, $0x1;
	[smem:$0x7D1] =	sst s18  }
0x2a: {  	s24 =	smul.u32 $0x6B80, s8;
	s1 =	simm.s32 @p3 $0x1;
	[smem:$0x7D2] =	sst s19  }
0x2b: {  	s12 =	smov.u32 s11;
	s11 =	smul.u32 $0x8800, s8;
	[smem:$0x7D8] =	sst s1  }
0x2c: {  	[smem:$0x7DC] =	sst s24  }
0x2d: {  	s2 =	sadd.s32 $0x6B800, s7;
	[dreg:$0x19] =	wrdreg s11  }
0x2e: {  	s3 =	sadd.s32 $0x6BD00, s7;
	[smem:$0x7E6] =	sst s2  }
0x2f: {  	s4 =	sshll.u32 s8, $0xD;
	[smem:$0x7E7] =	sst s3  }
0x30: {  	s10 =	sadd.s32 $0x80000, s6;
	[smem:$0x7E8] =	sst s4  }
0x31: {  	s20 =	sadd.s32 $0x1A0000, s6;
	[smem:$0x7EC] =	sst s10  }
0x32: {  	s21 =	sadd.s32 $0x1C0000, s6;
	[smem:$0x7F5] =	sst s20  }
0x33: {  	s22 =	sadd.s32 $0x1E0000, s6;
	[smem:$0x7F6] =	sst s21  }
0x34: {  	s23 =	sadd.s32 $0x200000, s6;
	[smem:$0x7F7] =	sst s22  }
0x35: {  	s26 =	sadd.s32 $0x240000, s6;
	[smem:$0x7F8] =	sst s23  }
0x36: {  	s30 =	sadd.s32 $0xF4000, s7;
	[smem:$0x7FA] =	sst s26  }
0x37: {  	s31 =	sadd.s32 $0xF4200, s7;
	[smem:$0x7FC] =	sst s30  }
0x38: {  	s16 =	sadd.s32 s11, s5;
	[smem:$0x7FD] =	sst s31  }
0x39: {  	s0 =	sadd.s32 s24, s7;
	[dreg:$0x1e] =	wrdreg s16  }
0x3a: {  	s28 =	sadd.s32 $0x6BD00, s11;
	[smem:$0x7DD] =	sst s0  }
0x3b: {  	s5 =	sadd.s32 $0x20000, s6;
	[smem:$0x7E3] =	sst s28  }
0x3c: {  	s11 =	sadd.s32 $0xA0000, s6;
	[smem:$0x7E9] =	sst s5  }
0x3d: {  	s29 =	simm.s32 $0x400;
	s13 =	sadd.s32 $0xC0000, s6;
	[smem:$0x7ED] =	sst s11  }
0x3e: {  	p2 =	por p1, p0;
	s14 =	sadd.s32 $0xE0000, s6;
	[smem:$0x7EE] =	sst s13  }
0x3f: {  	p2 =	sne.s32 @!p2 s8, $0x1;
	s15 =	sadd.s32 $0x100000, s6;
	[smem:$0x7EF] =	sst s14  }
0x40: {  	p3 =	por @!p0 p2, p1;
	s17 =	sadd.s32 $0x140000, s6;
	[smem:$0x7F0] =	sst s15  }
0x41: {  	p1 =	por @!p0 !p2, p1;
	s18 =	sadd.s32 $0x160000, s6;
	[smem:$0x7F2] =	sst s17  }
0x42: {  	p2 =	por p3, p0;
	s19 =	sadd.s32 $0x180000, s6;
	[smem:$0x7F3] =	sst s18  }
0x43: {  	s24 =	sor.u32 $0x1C02, s25;
	s25 =	sadd.s32 $0x220000, s6;
	[smem:$0x7F4] =	sst s19  }
0x44: {  	p1 =	por !p1, p0;
	s0 =	sadd.s32 $0xF4280, s0;
	[smem:$0x7F9] =	sst s25  }
0x45: {  	s1 =	simm.s32 @!p2 $0x0;
	s16 =	sadd.s32 $0x120000, s6;
	[smem:$0x7DE] =	sst s0  }
0x46: {  	s4 =	simm.s32 $0x5;
	s1 =	simm.s32 @p2 $0x1;
	[smem:$0x7F1] =	sst s16  }
0x47: {  	s0 =	sadd.s32 s28, s7;
	[smem:$0x7D9] =	sst s1;
	s1 =	simm.s32 @!p0 $0x0  }
0x48: {  	s28 =	sadd.s32 $0x260000, s6;
	[smem:$0x7E4] =	sst s0;
	s1 =	simm.s32 @p0 $0x1  }
.Ltmp0:
0x49: {  	[smem:$0x7DA] =	sst s1;
	s1 =	simm.s32 @!p1 $0x0;
	(pc) =	sbr.rel .LBB2_1-.Ltmp0, $4  }
0x4a: {  	s2 =	simm.s32 $0x0;
	[smem:$0x7FB] =	sst s28;
	s1 =	simm.s32 @p1 $0x1  }
0x4b: {  	p1 =	sne.s32 s8, $0x0;
	s8 =	sadd.s32 $0x40000, s6;
	[smem:$0x7DB] =	sst s1  }
0x4c: {  	s11 =	simm.s32 $0x1;
	s1 =	sadd.s32 $0xF3D00, s7;
	[smem:$0x7EA] =	sst s8  }
0x4d: {  	s13 =	simm.s32 $0x10;
	s19 =	simm.s32 $0x80;
	[smem:$0x7E5] =	sst s1  }
.LBB2_4:
0x4e: {  	_ =	swait.ge [sflag:s4], $0x400  }
0x4f: {  	[sflag:s4] =	ssyncset.done $0x0  }
0x50: {  	[sflag:s4] =	ssyncadd.s32 $0xFFFFFC00  }
0x51: {  	_ =	swait.ge [sflag:s4], $0x400  }
0x52: {  	[sflag:s4] =	ssyncset.done $0x0  }
0x53: {  	[sflag:s4] =	ssyncadd.s32 $0xFFFFFC00  }
0x54: {  	_ =	swait.ge [sflag:s4], $0x400  }
0x55: {  	[sflag:s4] =	ssyncset.done $0x0  }
0x56: {  	[sflag:s4] =	ssyncadd.s32 $0xFFFFFC00  }
0x57: {  	_ =	swait.ge [sflag:s4], $0x400  }
0x58: {  	[sflag:s4] =	ssyncset.done $0x0  }
0x59: {  	[sflag:s4] =	ssyncadd.s32 $0xFFFFFC00  }
0x5a: {  	_ =	swait.ge [sflag:s4], $0x400  }
0x5b: {  	[sflag:s4] =	ssyncset.done $0x0  }
0x5c: {  	[sflag:s4] =	ssyncadd.s32 $0xFFFFFC00  }
0x5d: {  	_ =	swait.ge [sflag:s4], $0x400  }
0x5e: {  	[sflag:s4] =	ssyncset.done $0x0  }
0x5f: {  	[sflag:s4] =	ssyncadd.s32 $0xFFFFFC00  }
0x60: {  	_ =	swait.ge [sflag:s4], $0x400  }
0x61: {  	[sflag:s4] =	ssyncset.done $0x0  }
0x62: {  	[sflag:s4] =	ssyncadd.s32 $0xFFFFFC00  }
0x63: {  	_ =	swait.ge [sflag:s4], $0x400  }
0x64: {  	[sflag:s4] =	ssyncset.done $0x0  }
0x65: {  	[sflag:s4] =	ssyncadd.s32 $0xFFFFFC00  }
0x66: {  	_ =	swait.ge [sflag:s4], $0x400  }
0x67: {  	[sflag:s4] =	ssyncset.done $0x0  }
0x68: {  	[sflag:s4] =	ssyncadd.s32 $0xFFFFFC00  }
0x69: {  	_ =	swait.ge [sflag:s4], $0x400  }
0x6a: {  	[sflag:s4] =	ssyncset.done $0x0  }
0x6b: {  	[sflag:s4] =	ssyncadd.s32 $0xFFFFFC00  }
0x6c: {  	_ =	swait.ge [sflag:s4], $0x400  }
0x6d: {  	[sflag:s4] =	ssyncset.done $0x0  }
0x6e: {  	[sflag:s4] =	ssyncadd.s32 $0xFFFFFC00  }
0x6f: {  	_ =	swait.ge [sflag:s4], $0x400  }
0x70: {  	[sflag:s4] =	ssyncset.done $0x0  }
0x71: {  	[sflag:s4] =	ssyncadd.s32 $0xFFFFFC00  }
0x72: {  	_ =	swait.ge [sflag:s4], $0x400  }
0x73: {  	[sflag:s4] =	ssyncset.done $0x0  }
0x74: {  	[sflag:s4] =	ssyncadd.s32 $0xFFFFFC00  }
0x75: {  	_ =	swait.ge [sflag:s4], $0x400  }
0x76: {  	[sflag:s4] =	ssyncset.done $0x0  }
0x77: {  	[sflag:s4] =	ssyncadd.s32 $0xFFFFFC00  }
0x78: {  	_ =	swait.ge [sflag:s4], $0x400  }
0x79: {  	[sflag:s4] =	ssyncset.done $0x0  }
0x7a: {  	[sflag:s4] =	ssyncadd.s32 $0xFFFFFC00  }
0x7b: {  	_ =	swait.ge [sflag:s4], $0x400  }
0x7c: {  	[sflag:s4] =	ssyncset.done $0x0  }
0x7d: {  	[sflag:s4] =	ssyncadd.s32 $0xFFFFFC00  }
0x7e: {  	_ =	swait.ge [sflag:s4], $0x400  }
0x7f: {  	[sflag:s4] =	ssyncset.done $0x0  }
0x80: {  	[sflag:s4] =	ssyncadd.s32 $0xFFFFFC00  }
0x81: {  	_ =	swait.ge [sflag:s4], $0x400  }
0x82: {  	[sflag:s4] =	ssyncset.done $0x0  }
0x83: {  	[sflag:s4] =	ssyncadd.s32 $0xFFFFFC00  }
0x84: {  	_ =	swait.ge [sflag:s4], $0x400  }
0x85: {  	[sflag:s4] =	ssyncset.done $0x0  }
0x86: {  	[sflag:s4] =	ssyncadd.s32 $0xFFFFFC00  }
0x87: {  	_ =	swait.ge [sflag:s4], $0x400  }
0x88: {  	s2 =	sld [smem:$0x7C9]  }
0x89: {  	s1 =	sld [smem:$0x7D2];
	_ =	sdelay $0x1  }
0x8a: {  	s2 =	sadd.s32 $0x1, s2  }
0x8b: {  	p2 =	sne.s32 s2, s1  }
.Ltmp1:
0x8c: {  	_ = 	snop;
	(pc) =	sbr.rel @!p2 .LBB2_5-.Ltmp1, $3  }
0x8d: {  	_ =	sdelay $0x1  }
0x8e: {  	s12 =	smov.u32 s0;
	[sflag:s4] =	ssyncset.done $0x0  }
0x8f: {  	s11 =	simm.s32 $0x1;
	s13 =	simm.s32 $0x10;
	[sflag:s4] =	ssyncadd.s32 $0xFFFFFC00  }
.LBB2_1:
0x90: {  	[smem:$0x7C9] =	sst s2  }
0x91: {  	s1 =	rddreg [dreg:$0x5]  }
0x92: {  	s28 =	rddreg [dreg:$0x6]  }
0x93: {  	s0 =	simm.s32 $0x0;
	s30 =	rddreg [dreg:$0x7]  }
0x94: {  	[tilespmem:s0], [sflag:$0x1] =	stream.linear.gather [hbm4b:s1+s0], $0x400, $0x38;
	v63 =	vld [tilespmem:$0x0]  }
0x95: {  	s2 =	rddreg [dreg:$0x8]  }
0x96: {  	[tilespmem:s29], [sflag:$0x1] =	stream.linear.gather [hbm4b:s28+s0], $0x400, $0x38;
	v63 =	vld [tilespmem:$0x0]  }
0x97: {  	s31 =	simm.s32 $0x800;
	s5 =	rddreg [dreg:$0x9]  }
0x98: {  	[tilespmem:s31], [sflag:$0x1] =	stream.linear.gather [hbm4b:s30+s0], $0x400, $0x38;
	v63 =	vld [tilespmem:$0x0]  }
0x99: {  	s3 =	simm.s32 $0xC00;
	s7 =	rddreg [dreg:$0xa]  }
0x9a: {  	[tilespmem:s3], [sflag:$0x1] =	stream.linear.gather [hbm4b:s2+s0], $0x400, $0x38;
	v63 =	vld [tilespmem:$0x0]  }
0x9b: {  	s6 =	simm.s32 $0x1000;
	s9 =	rddreg [dreg:$0xb]  }
0x9c: {  	[tilespmem:s6], [sflag:$0x1] =	stream.linear.gather [hbm4b:s5+s0], $0x400, $0x38;
	v63 =	vld [tilespmem:$0x0]  }
0x9d: {  	s8 =	simm.s32 $0x1400;
	s14 =	rddreg [dreg:$0xc]  }
0x9e: {  	[tilespmem:s8], [sflag:$0x1] =	stream.linear.gather [hbm4b:s7+s0], $0x400, $0x38;
	v63 =	vld [tilespmem:$0x0]  }
0x9f: {  	s10 =	simm.s32 $0x1800;
	s16 =	rddreg [dreg:$0xd]  }
0xa0: {  	[tilespmem:s10], [sflag:$0x1] =	stream.linear.gather [hbm4b:s9+s0], $0x400, $0x38;
	v63 =	vld [tilespmem:$0x0]  }
0xa1: {  	s15 =	simm.s32 $0x1C00;
	s18 =	rddreg [dreg:$0xe]  }
0xa2: {  	[tilespmem:s15], [sflag:$0x1] =	stream.linear.gather [hbm4b:s14+s0], $0x400, $0x38;
	v63 =	vld [tilespmem:$0x0]  }
0xa3: {  	s17 =	simm.s32 $0x2000;
	s21 =	rddreg [dreg:$0xf]  }
0xa4: {  	[tilespmem:s17], [sflag:$0x1] =	stream.linear.gather [hbm4b:s16+s0], $0x400, $0x38;
	v63 =	vld [tilespmem:$0x0]  }
0xa5: {  	s20 =	simm.s32 $0x2400;
	s23 =	rddreg [dreg:$0x10]  }
0xa6: {  	[tilespmem:s20], [sflag:$0x1] =	stream.linear.gather [hbm4b:s18+s0], $0x400, $0x38;
	v63 =	vld [tilespmem:$0x0]  }
0xa7: {  	s22 =	simm.s32 $0x2800;
	s26 =	rddreg [dreg:$0x11]  }
0xa8: {  	[tilespmem:s22], [sflag:$0x1] =	stream.linear.gather [hbm4b:s21+s0], $0x400, $0x38;
	v63 =	vld [tilespmem:$0x0]  }
0xa9: {  	s25 =	simm.s32 $0x2C00;
	s30 =	rddreg [dreg:$0x12]  }
0xaa: {  	[tilespmem:s25], [sflag:$0x1] =	stream.linear.gather [hbm4b:s23+s0], $0x400, $0x38;
	v63 =	vld [tilespmem:$0x0]  }
0xab: {  	s28 =	simm.s32 $0x3000;
	s2 =	rddreg [dreg:$0x14]  }
0xac: {  	[tilespmem:s28], [sflag:$0x1] =	stream.linear.gather [hbm4b:s26+s0], $0x400, $0x38;
	v63 =	vld [tilespmem:$0x0]  }
0xad: {  	s31 =	simm.s32 $0x3400;
	s5 =	rddreg [dreg:$0x15]  }
0xae: {  	[tilespmem:s31], [sflag:$0x1] =	stream.linear.gather [hbm4b:s30+s0], $0x400, $0x38;
	v63 =	vld [tilespmem:$0x0]  }
0xaf: {  	s3 =	simm.s32 $0x3800;
	s7 =	rddreg [dreg:$0x16]  }
0xb0: {  	[tilespmem:s3], [sflag:$0x1] =	stream.linear.gather [hbm4b:s2+s0], $0x400, $0x38;
	v63 =	vld [tilespmem:$0x0]  }
0xb1: {  	s6 =	simm.s32 $0x3C00;
	s9 =	rddreg [dreg:$0x17]  }
0xb2: {  	[tilespmem:s6], [sflag:$0x1] =	stream.linear.gather [hbm4b:s5+s0], $0x400, $0x38;
	v63 =	vld [tilespmem:$0x0]  }
0xb3: {  	s8 =	simm.s32 $0x4000;
	s14 =	rddreg [dreg:$0x18]  }
0xb4: {  	[tilespmem:s8], [sflag:$0x1] =	stream.linear.gather [hbm4b:s7+s0], $0x400, $0x38;
	v63 =	vld [tilespmem:$0x0]  }
0xb5: {  	s10 =	simm.s32 $0x4400;
	s18 =	sld [smem:$0x7DE]  }
0xb6: {  	[tilespmem:s10], [sflag:$0x1] =	stream.linear.gather [hbm4b:s9+s0], $0x400, $0x38;
	v63 =	vld [tilespmem:$0x0]  }
0xb7: {  	s15 =	simm.s32 $0x4800;
	s16 =	rddreg [dreg:$0x1a]  }
0xb8: {  	[tilespmem:s15], [sflag:$0x1] =	stream.linear.gather [hbm4b:s14+s0], $0x400, $0x38;
	v63 =	vld [tilespmem:$0x0]  }
0xb9: {  	s17 =	simm.s32 $0x4C00;
	s21 =	rddreg [dreg:$0x1b];
	s20 =	sshrl.u32 s18, $0x3  }
0xba: {  	[tilespmem:s17], [sflag:$0x1] =	stream.linear.gather [hbm4b:s16+s0], $0x400, $0x38;
	v63 =	vld [tilespmem:$0x0]  }
0xbb: {  	[spmem:s20@s13], [sflag:s24] =	dma.strided [hbm:s21@s19], $0xD70, s11, $0x10   }
0xbc: {  	s0 =	sld [smem:$0x7DA];
	_ =	sdelay $0x2  }
0xbd: {  	p0 =	seq.s32 s0, $0x1;
	s0 =	sld [smem:$0x7E2];
	_ =	sdelay $0x1  }
0xbe: {  	s6 =	simm.s32 @p0 $0x1;
	s8 =	simm.s32 @p0 $0x10  }
0xbf: {  	s9 =	simm.s32 @p0 $0x80;
	s1 =	sshrl.u32 @p0 s0, $0x3;
	s0 =	rddreg [dreg:$0x1d]  }
0xc0: {  	[spmem:s1@s8], [sflag:s24] =	dma.strided @p0 [hbm:s0@s9], $0x50, s6, $0x10   }
0xc1: {  	s7 =	sld [smem:$0x7E4];
	_ =	sdelay $0x2  }
0xc2: {  	s3 =	rddreg [dreg:$0x1e];
	s1 =	sshrl.u32 @p0 s7, $0x3  }
0xc3: {  	[spmem:s1@s8], [sflag:s24] =	dma.strided @p0 [hbm:s3@s9], $0x1100, s6, $0x10   }
0xc4: {  	s0 =	sld [smem:$0x7E5];
	_ =	sdelay $0x2  }
0xc5: {  	s1 =	sshrl.u32 @p0 s0, $0x3;
	s0 =	rddreg [dreg:$0x1f]  }
0xc6: {  	[spmem:s1@s8], [sflag:s24] =	dma.strided @p0 [hbm:s0@s9], $0xB0, s6, $0x10   }
0xc7: {  	s0 =	sld [smem:$0x7D8];
	_ =	sdelay $0x2  }
0xc8: {  	p2 =	seq.s32 s0, $0x1;
	s0 =	sld [smem:$0x7E0];
	_ =	sdelay $0x2  }
0xc9: {  	s1 =	sshrl.u32 @!p2 s0, $0x3;
	s0 =	sld [smem:$0x7D3];
	_ =	sdelay $0x2  }
0xca: {  	[spmem:s1], [sflag:s24] =	dma.local @!p2 [hbm:s0], $0x10  }
0xcb: {  	s0 =	sld [smem:$0x7D9];
	_ =	sdelay $0x2  }
0xcc: {  	p4 =	seq.s32 s0, $0x1;
	s0 =	sld [smem:$0x7E1];
	_ =	sdelay $0x1  }
0xcd: {  	s6 =	simm.s32 @!p4 $0x1;
	s8 =	simm.s32 @!p4 $0x10  }
0xce: {  	s9 =	simm.s32 @!p4 $0x80;
	s1 =	sshrl.u32 @!p4 s0, $0x3;
	s0 =	rddreg [dreg:$0x1c]  }
0xcf: {  	[spmem:s1@s8], [sflag:s24] =	dma.strided @!p4 [hbm:s0@s9], $0x40, s6, $0x10   }
0xd0: {  	s1 =	sshrl.u32 @!p0 s7, $0x3  }
0xd1: {  	s6 =	simm.s32 @!p0 $0x1;
	s8 =	simm.s32 @!p0 $0x10;
	s9 =	simm.s32 @!p0 $0x80  }
0xd2: {  	[spmem:s1@s8], [sflag:s24] =	dma.strided @!p0 [hbm:s3@s9], $0x1100, s6, $0x10   }
0xd3: {  	s0 =	sld [smem:$0x7D1]  }
0xd4: {  	s1 =	sld [smem:$0x7DC]  }
0xd5: {  	s22 =	sld [smem:$0x7DD]  }
0xd6: {  	s3 =	sld [smem:$0x7DF];
	_ =	sdelay $0x1  }
0xd7: {  	s23 =	sshrl.u32 s22, $0x3  }
0xd8: {  	s1 =	sadd.s32 s1, s0;
	s17 =	sor.u32 $0x1C03, s3;
	[smem:$0x7CA] =	sst s23  }
0xd9: {  	[spmem:s23@s13], [sflag:s17] =	dma.strided [hbm:s1@s19], $0xD70, s11, $0x10   }
0xda: {  	s1 =	sadd.s32 @!p1 $0x6B800, s0;
	s0 =	sld [smem:$0x7E6];
	_ =	sdelay $0x2  }
0xdb: {  	s2 =	simm.s32 @!p1 $0x1;
	s0 =	sshrl.u32 @!p1 s0, $0x3  }
0xdc: {  	s5 =	simm.s32 @!p1 $0x80;
	s3 =	simm.s32 @!p1 $0x10;
	[smem:$0x7CB] =	sst s0  }
0xdd: {  	[spmem:s0@s3], [sflag:s17] =	dma.strided @!p1 [hbm:s1@s5], $0xA0, s2, $0x10   }
0xde: {  	_ =	swait.ge [sflag:s11], $0x400  }
0xdf: {  	[sflag:s11] =	ssyncset.done $0x0  }
0xe0: {  	[sflag:s11] =	ssyncadd.s32 $0xFFFFFC00  }
0xe1: {  	_ =	swait.ge [sflag:s11], $0x400  }
0xe2: {  	[sflag:s11] =	ssyncset.done $0x0  }
0xe3: {  	[sflag:s11] =	ssyncadd.s32 $0xFFFFFC00  }
0xe4: {  	_ =	swait.ge [sflag:s11], $0x400  }
0xe5: {  	[sflag:s11] =	ssyncset.done $0x0  }
0xe6: {  	[sflag:s11] =	ssyncadd.s32 $0xFFFFFC00  }
0xe7: {  	_ =	swait.ge [sflag:s11], $0x400  }
0xe8: {  	[sflag:s11] =	ssyncset.done $0x0  }
0xe9: {  	[sflag:s11] =	ssyncadd.s32 $0xFFFFFC00  }
0xea: {  	_ =	swait.ge [sflag:s11], $0x400  }
0xeb: {  	[sflag:s11] =	ssyncset.done $0x0  }
0xec: {  	[sflag:s11] =	ssyncadd.s32 $0xFFFFFC00  }
0xed: {  	_ =	swait.ge [sflag:s11], $0x400  }
0xee: {  	[sflag:s11] =	ssyncset.done $0x0  }
0xef: {  	[sflag:s11] =	ssyncadd.s32 $0xFFFFFC00  }
0xf0: {  	_ =	swait.ge [sflag:s11], $0x400  }
0xf1: {  	[sflag:s11] =	ssyncset.done $0x0  }
0xf2: {  	[sflag:s11] =	ssyncadd.s32 $0xFFFFFC00  }
0xf3: {  	_ =	swait.ge [sflag:s11], $0x400  }
0xf4: {  	[sflag:s11] =	ssyncset.done $0x0  }
0xf5: {  	[sflag:s11] =	ssyncadd.s32 $0xFFFFFC00  }
0xf6: {  	_ =	swait.ge [sflag:s11], $0x400  }
0xf7: {  	[sflag:s11] =	ssyncset.done $0x0  }
0xf8: {  	[sflag:s11] =	ssyncadd.s32 $0xFFFFFC00  }
0xf9: {  	_ =	swait.ge [sflag:s11], $0x400  }
0xfa: {  	[sflag:s11] =	ssyncset.done $0x0  }
0xfb: {  	[sflag:s11] =	ssyncadd.s32 $0xFFFFFC00  }
0xfc: {  	_ =	swait.ge [sflag:s11], $0x400  }
0xfd: {  	[sflag:s11] =	ssyncset.done $0x0  }
0xfe: {  	[sflag:s11] =	ssyncadd.s32 $0xFFFFFC00  }
0xff: {  	_ =	swait.ge [sflag:s11], $0x400  }
0x100: {  	[sflag:s11] =	ssyncset.done $0x0  }
0x101: {  	[sflag:s11] =	ssyncadd.s32 $0xFFFFFC00  }
0x102: {  	_ =	swait.ge [sflag:s11], $0x400  }
0x103: {  	[sflag:s11] =	ssyncset.done $0x0  }
0x104: {  	[sflag:s11] =	ssyncadd.s32 $0xFFFFFC00  }
0x105: {  	_ =	swait.ge [sflag:s11], $0x400  }
0x106: {  	[sflag:s11] =	ssyncset.done $0x0  }
0x107: {  	[sflag:s11] =	ssyncadd.s32 $0xFFFFFC00  }
0x108: {  	_ =	swait.ge [sflag:s11], $0x400  }
0x109: {  	[sflag:s11] =	ssyncset.done $0x0  }
0x10a: {  	[sflag:s11] =	ssyncadd.s32 $0xFFFFFC00  }
0x10b: {  	_ =	swait.ge [sflag:s11], $0x400  }
0x10c: {  	[sflag:s11] =	ssyncset.done $0x0  }
0x10d: {  	[sflag:s11] =	ssyncadd.s32 $0xFFFFFC00  }
0x10e: {  	_ =	swait.ge [sflag:s11], $0x400  }
0x10f: {  	[sflag:s11] =	ssyncset.done $0x0  }
0x110: {  	p2 =	por @!p4 $0x1, $0x1;
	[sflag:s11] =	ssyncadd.s32 $0xFFFFFC00  }
0x111: {  	s0 =	simm.s32 @!p2 $0x0;
	_ =	swait.ge [sflag:s11], $0x400  }
0x112: {  	s0 =	simm.s32 @p2 $0x1;
	[sflag:s11] =	ssyncset.done $0x0  }
0x113: {  	[smem:$0x7CC] =	sst s0;
	[sflag:s11] =	ssyncadd.s32 $0xFFFFFC00  }
0x114: {  	s25 =	sld [smem:$0x7DB];
	_ =	swait.ge [sflag:s11], $0x400  }
0x115: {  	s26 =	sld [smem:$0x7CC]  }
0x116: {  	s28 =	sld [smem:$0x7D8]  }
0x117: {  	p6 =	por $0x0, $0x0;
	p4 =	por @!p4 $0x0, $0x0;
	p2 =	seq.s32 s25, $0x1  }
0x118: {  	p6 =	por @!p2 p4, p4;
	p4 =	por $0x0, $0x0;
	p3 =	seq.s32 s26, $0x1  }
0x119: {  	p4 =	por @!p2 p3, p3;
	p3 =	seq.s32 s28, $0x1  }
0x11a: {  	p5 =	por @p0 $0x0, $0x0;
	[sflag:s11] =	ssyncset.done $0x0;
	p2 =	por @!p3 $0x1, $0x1  }
0x11b: {  	s0 =	stileid.u32;
	[sflag:s11] =	ssyncadd.s32 $0xFFFFFC00;
	p6 =	por @!p3 p2, p2  }
0x11c: {  	_ =	swait.ge [sflag:s11], $0x400;
	p2 =	por @!p3 $0x0, $0x0;
	p5 =	por @!p0 p6, p6  }
0x11d: {  	p4 =	por @!p3 p2, p2;
	p2 =	sne.s32 @!p5 s0, $0x0;
	s0 =	sld [smem:$0x7FC]  }
0x11e: {  	p6 =	por @p0 $0x0, $0x0  }
0x11f: {  	s30 =	sld [smem:$0x7D4];
	p6 =	por @!p0 p4, p4  }
0x120: {  	s31 =	sld [smem:$0x7D5];
	s0 =	sshrl.u32 @p6 s0, $0x3  }
0x121: {  	[smem:$0x7CD] =	sst s0  }
0x122: {  	s0 =	sld [smem:$0x7FD]  }
0x123: {  	s2 =	sld [smem:$0x7D7]  }
0x124: {  	s14 =	simm.s32 $0x0;
	[smem:$0x7CF] =	sst s30  }
0x125: {  	[sflag:s11] =	ssyncset.done $0x0;
	[smem:$0x7D0] =	sst s31;
	s0 =	sshrl.u32 @p5 s0, $0x3  }
0x126: {  	[sflag:s11] =	ssyncadd.s32 $0xFFFFFC00;
	p4 =	por p2, p5;
	[smem:$0x7CE] =	sst s0  }
.LBB2_2:
0x127: {  	s0 =	simm.s32 $0x2  }
0x128: {  	_ =	swait.ge [sflag:s0], $0xD70  }
0x129: {  	[sflag:s0] =	ssyncset.done $0x0  }
0x12a: {  	s6 =	simm.s32 @!p1 $0x2;
	[sflag:s0] =	ssyncadd.s32 $0xFFFFF290  }
0x12b: {  	_ =	swait.ge @!p1 [sflag:s6], $0x50  }
0x12c: {  	[sflag:s6] =	ssyncset.done @!p1 $0x0  }
0x12d: {  	[sflag:s6] =	ssyncadd.s32 @!p1 $0xFFFFFFB0;
	s6 =	simm.s32 @p6 $0x2  }
0x12e: {  	_ =	swait.ge @p6 [sflag:s6], $0x40  }
0x12f: {  	[sflag:s6] =	ssyncset.done @p6 $0x0  }
0x130: {  	[sflag:s6] =	ssyncadd.s32 @p6 $0xFFFFFFC0;
	s6 =	simm.s32 @!p5 $0x2  }
0x131: {  	_ =	swait.ge @!p5 [sflag:s6], $0x1100  }
0x132: {  	[sflag:s6] =	ssyncset.done @!p5 $0x0  }
0x133: {  	[sflag:s6] =	ssyncadd.s32 @!p5 $0xFFFFEF00;
	s6 =	simm.s32 @!p4 $0x2  }
0x134: {  	_ =	swait.ge @!p4 [sflag:s6], $0xB0  }
0x135: {  	[sflag:s6] =	ssyncset.done @!p4 $0x0  }
0x136: {  	[sflag:s6] =	ssyncadd.s32 @!p4 $0xFFFFFF50;
	s6 =	simm.s32 @p5 $0x2  }
0x137: {  	_ =	swait.ge @p5 [sflag:s6], $0x10  }
0x138: {  	[sflag:s6] =	ssyncset.done @p5 $0x0  }
0x139: {  	[sflag:s6] =	ssyncadd.s32 @p5 $0xFFFFFFF0  }
0x13a: {  	_ =	swait.ge @p5 [sflag:s6], $0x1100  }
0x13b: {  	[sflag:s6] =	ssyncset.done @p5 $0x0  }
0x13c: {  	p2 =	seq.s32 s14, $0x0;
	[sflag:s6] =	ssyncadd.s32 @p5 $0xFFFFEF00  }
0x13d: {  	s6 =	simm.s32 @!p2 $0x5;
	[bflag:$0x0] =	sbarrier.arrive $0xFFFF  }
0x13e: {  	_ =	swait.ge @!p2 [sflag:s6], $0x400  }
0x13f: {  	[sflag:s6] =	ssyncset.done @!p2 $0x0  }
0x140: {  	[sflag:s6] =	ssyncadd.s32 @!p2 $0xFFFFFC00  }
0x141: {  	_ =	swait.ge @!p2 [sflag:s6], $0x400  }
0x142: {  	[sflag:s6] =	ssyncset.done @!p2 $0x0  }
0x143: {  	[sflag:s6] =	ssyncadd.s32 @!p2 $0xFFFFFC00  }
0x144: {  	_ =	swait.ge @!p2 [sflag:s6], $0x400  }
0x145: {  	[sflag:s6] =	ssyncset.done @!p2 $0x0  }
0x146: {  	[sflag:s6] =	ssyncadd.s32 @!p2 $0xFFFFFC00  }
0x147: {  	_ =	swait.ge @!p2 [sflag:s6], $0x400  }
0x148: {  	[sflag:s6] =	ssyncset.done @!p2 $0x0  }
0x149: {  	[sflag:s6] =	ssyncadd.s32 @!p2 $0xFFFFFC00  }
0x14a: {  	_ =	swait.ge @!p2 [sflag:s6], $0x400  }
0x14b: {  	[sflag:s6] =	ssyncset.done @!p2 $0x0  }
0x14c: {  	[sflag:s6] =	ssyncadd.s32 @!p2 $0xFFFFFC00  }
0x14d: {  	_ =	swait.ge @!p2 [sflag:s6], $0x400  }
0x14e: {  	[sflag:s6] =	ssyncset.done @!p2 $0x0  }
0x14f: {  	[sflag:s6] =	ssyncadd.s32 @!p2 $0xFFFFFC00  }
0x150: {  	_ =	swait.ge @!p2 [sflag:s6], $0x400  }
0x151: {  	[sflag:s6] =	ssyncset.done @!p2 $0x0  }
0x152: {  	[sflag:s6] =	ssyncadd.s32 @!p2 $0xFFFFFC00  }
0x153: {  	_ =	swait.ge @!p2 [sflag:s6], $0x400  }
0x154: {  	[sflag:s6] =	ssyncset.done @!p2 $0x0  }
0x155: {  	[sflag:s6] =	ssyncadd.s32 @!p2 $0xFFFFFC00  }
0x156: {  	_ =	swait.ge @!p2 [sflag:s6], $0x400  }
0x157: {  	[sflag:s6] =	ssyncset.done @!p2 $0x0  }
0x158: {  	[sflag:s6] =	ssyncadd.s32 @!p2 $0xFFFFFC00  }
0x159: {  	_ =	swait.ge @!p2 [sflag:s6], $0x400  }
0x15a: {  	[sflag:s6] =	ssyncset.done @!p2 $0x0  }
0x15b: {  	[sflag:s6] =	ssyncadd.s32 @!p2 $0xFFFFFC00  }
0x15c: {  	_ =	swait.ge @!p2 [sflag:s6], $0x400  }
0x15d: {  	[sflag:s6] =	ssyncset.done @!p2 $0x0  }
0x15e: {  	[sflag:s6] =	ssyncadd.s32 @!p2 $0xFFFFFC00  }
0x15f: {  	_ =	swait.ge @!p2 [sflag:s6], $0x400  }
0x160: {  	[sflag:s6] =	ssyncset.done @!p2 $0x0  }
0x161: {  	[sflag:s6] =	ssyncadd.s32 @!p2 $0xFFFFFC00  }
0x162: {  	_ =	swait.ge @!p2 [sflag:s6], $0x400  }
0x163: {  	[sflag:s6] =	ssyncset.done @!p2 $0x0  }
0x164: {  	[sflag:s6] =	ssyncadd.s32 @!p2 $0xFFFFFC00  }
0x165: {  	_ =	swait.ge @!p2 [sflag:s6], $0x400  }
0x166: {  	[sflag:s6] =	ssyncset.done @!p2 $0x0  }
0x167: {  	[sflag:s6] =	ssyncadd.s32 @!p2 $0xFFFFFC00  }
0x168: {  	_ =	swait.ge @!p2 [sflag:s6], $0x400  }
0x169: {  	[sflag:s6] =	ssyncset.done @!p2 $0x0  }
0x16a: {  	[sflag:s6] =	ssyncadd.s32 @!p2 $0xFFFFFC00  }
0x16b: {  	_ =	swait.ge @!p2 [sflag:s6], $0x400  }
0x16c: {  	[sflag:s6] =	ssyncset.done @!p2 $0x0  }
0x16d: {  	[sflag:s6] =	ssyncadd.s32 @!p2 $0xFFFFFC00  }
0x16e: {  	_ =	swait.ge @!p2 [sflag:s6], $0x400  }
0x16f: {  	[sflag:s6] =	ssyncset.done @!p2 $0x0  }
0x170: {  	[sflag:s6] =	ssyncadd.s32 @!p2 $0xFFFFFC00  }
0x171: {  	_ =	swait.ge @!p2 [sflag:s6], $0x400  }
0x172: {  	[sflag:s6] =	ssyncset.done @!p2 $0x0  }
0x173: {  	[sflag:s6] =	ssyncadd.s32 @!p2 $0xFFFFFC00  }
0x174: {  	_ =	swait.ge @!p2 [sflag:s6], $0x400  }
0x175: {  	[sflag:s6] =	ssyncset.done @!p2 $0x0  }
0x176: {  	[sflag:s6] =	ssyncadd.s32 @!p2 $0xFFFFFC00  }
0x177: {  	_ =	swait.ge @!p2 [sflag:s6], $0x400  }
0x178: {  	s30 =	sld [smem:$0x7E7]  }
0x179: {  	s3 =	simm.s32 $0x0;
	[sflag:s6] =	ssyncset.done @!p2 $0x0  }
0x17a: {  	s1 =	simm.s32 $0x5000;
	s5 =	sld [smem:$0x7E8];
	[sflag:s6] =	ssyncadd.s32 @!p2 $0xFFFFFC00  }
0x17b: {  	[tilespmem:s1], [sflag:$0x4] =	stream.indirect.gather [spmem:s30], $0x1, s3, s1, $0xb8;
	v63 =	vld [tilespmem:$0x0]  }
0x17c: {  	[smem:$0x7C8] =	sst s2;
	s3 =	sand.u32 $0xE0000, s2;
	s2 =	simm.s32 $0x4  }
0x17d: {  	_ =	swait.ge [sflag:s2], $0x5000  }
0x17e: {  	s8 =	sand.u32 $0x300, s14;
	s6 =	sor.u32 s5, s3;
	[sflag:s2] =	ssyncset.done $0x0  }
0x17f: {  	s6 =	sor.u32 s8, s6;
	[sflag:s2] =	ssyncadd.s32 $0xFFFFB000  }
0x180: {  	s9 =	sshrl.u32 s6, $0x3;
	s7 =	rddreg [dreg:$0x2]  }
0x181: {  	s6 =	sadd.s32 s7, s9;
	s7 =	sld [smem:$0x7E9]  }
0x182: {  	s15 =	sld [smem:$0x7EA]  }
0x183: {  	[hbm4b:s6+s19] =	stream.strided.scatter [tilespmem:s1], [sflag:$0x5], $0x400, s29, s19, $0x38;
	v63 =	vld [tilespmem:$0x0]  }
0x184: {  	s10 =	simm.s32 $0x5400;
	s26 =	sld [smem:$0x7EB];
	s8 =	sadd.s32 s9, s7  }
0x185: {  	[hbm4b:s8+s19] =	stream.strided.scatter [tilespmem:s10], [sflag:$0x5], $0x400, s29, s19, $0x38;
	v63 =	vld [tilespmem:$0x0]  }
0x186: {  	s18 =	simm.s32 $0x5800;
	s16 =	sadd.s32 s9, s15  }
0x187: {  	[hbm4b:s16+s19] =	stream.strided.scatter [tilespmem:s18], [sflag:$0x5], $0x400, s29, s19, $0x38;
	v63 =	vld [tilespmem:$0x0]  }
0x188: {  	s21 =	simm.s32 $0x5C00;
	s20 =	sadd.s32 s9, s26  }
0x189: {  	[hbm4b:s20+s19] =	stream.strided.scatter [tilespmem:s21], [sflag:$0x5], $0x400, s29, s19, $0x38;
	v63 =	vld [tilespmem:$0x0]  }
0x18a: {  	s20 =	sld [smem:$0x7EC];
	_ =	sdelay $0x1  }
0x18b: {  	s25 =	sld [smem:$0x7ED]  }
0x18c: {  	s23 =	simm.s32 $0x6000;
	s21 =	sld [smem:$0x7EE];
	s22 =	sadd.s32 s9, s20  }
0x18d: {  	[hbm4b:s22+s19] =	stream.strided.scatter [tilespmem:s23], [sflag:$0x5], $0x400, s29, s19, $0x38;
	v63 =	vld [tilespmem:$0x0]  }
0x18e: {  	s30 =	simm.s32 $0x6400;
	s28 =	sadd.s32 s9, s25;
	s23 =	sld [smem:$0x7EF]  }
0x18f: {  	[hbm4b:s28+s19] =	stream.strided.scatter [tilespmem:s30], [sflag:$0x5], $0x400, s29, s19, $0x38;
	v63 =	vld [tilespmem:$0x0]  }
0x190: {  	s1 =	simm.s32 $0x6800;
	s0 =	sadd.s32 s9, s21;
	s30 =	sld [smem:$0x7F0]  }
0x191: {  	[hbm4b:s0+s19] =	stream.strided.scatter [tilespmem:s1], [sflag:$0x5], $0x400, s29, s19, $0x38;
	v63 =	vld [tilespmem:$0x0]  }
0x192: {  	s5 =	simm.s32 $0x6C00;
	s25 =	sld [smem:$0x7F1];
	s3 =	sadd.s32 s9, s23  }
0x193: {  	[hbm4b:s3+s19] =	stream.strided.scatter [tilespmem:s5], [sflag:$0x5], $0x400, s29, s19, $0x38;
	v63 =	vld [tilespmem:$0x0]  }
0x194: {  	s8 =	simm.s32 $0x7000;
	s7 =	sadd.s32 s9, s30;
	s3 =	sld [smem:$0x7F2]  }
0x195: {  	[hbm4b:s7+s19] =	stream.strided.scatter [tilespmem:s8], [sflag:$0x5], $0x400, s29, s19, $0x38;
	v63 =	vld [tilespmem:$0x0]  }
0x196: {  	s15 =	simm.s32 $0x7400;
	s10 =	sadd.s32 s9, s25;
	s7 =	sld [smem:$0x7F3]  }
0x197: {  	[hbm4b:s10+s19] =	stream.strided.scatter [tilespmem:s15], [sflag:$0x5], $0x400, s29, s19, $0x38;
	v63 =	vld [tilespmem:$0x0]  }
0x198: {  	s18 =	simm.s32 $0x7800;
	s16 =	sadd.s32 s9, s3  }
0x199: {  	[hbm4b:s16+s19] =	stream.strided.scatter [tilespmem:s18], [sflag:$0x5], $0x400, s29, s19, $0x38;
	v63 =	vld [tilespmem:$0x0]  }
0x19a: {  	s28 =	simm.s32 $0x7C00;
	s22 =	sadd.s32 s9, s7  }
0x19b: {  	[hbm4b:s22+s19] =	stream.strided.scatter [tilespmem:s28], [sflag:$0x5], $0x400, s29, s19, $0x38;
	v63 =	vld [tilespmem:$0x0]  }
0x19c: {  	s22 =	sld [smem:$0x7F4];
	_ =	sdelay $0x1  }
0x19d: {  	s18 =	sld [smem:$0x7F5]  }
0x19e: {  	s5 =	simm.s32 $0x8000;
	s16 =	sld [smem:$0x7F6];
	s1 =	sadd.s32 s9, s22  }
0x19f: {  	[hbm4b:s1+s19] =	stream.strided.scatter [tilespmem:s5], [sflag:$0x5], $0x400, s29, s19, $0x38;
	v63 =	vld [tilespmem:$0x0]  }
0x1a0: {  	s10 =	simm.s32 $0x8400;
	s8 =	sadd.s32 s9, s18;
	s1 =	sld [smem:$0x7F7]  }
0x1a1: {  	[hbm4b:s8+s19] =	stream.strided.scatter [tilespmem:s10], [sflag:$0x5], $0x400, s29, s19, $0x38;
	v63 =	vld [tilespmem:$0x0]  }
0x1a2: {  	s28 =	simm.s32 $0x8800;
	s15 =	sadd.s32 s9, s16;
	s10 =	sld [smem:$0x7F8]  }
0x1a3: {  	[hbm4b:s15+s19] =	stream.strided.scatter [tilespmem:s28], [sflag:$0x5], $0x400, s29, s19, $0x38;
	v63 =	vld [tilespmem:$0x0]  }
0x1a4: {  	s8 =	simm.s32 $0x8C00;
	s5 =	sadd.s32 s9, s1;
	s1 =	sld [smem:$0x7F9]  }
0x1a5: {  	[hbm4b:s5+s19] =	stream.strided.scatter [tilespmem:s8], [sflag:$0x5], $0x400, s29, s19, $0x38;
	v63 =	vld [tilespmem:$0x0]  }
0x1a6: {  	s28 =	simm.s32 $0x9000;
	s15 =	sadd.s32 s9, s10;
	s10 =	sld [smem:$0x7FA]  }
0x1a7: {  	[hbm4b:s15+s19] =	stream.strided.scatter [tilespmem:s28], [sflag:$0x5], $0x400, s29, s19, $0x38;
	v63 =	vld [tilespmem:$0x0]  }
0x1a8: {  	s0 =	sld [smem:$0x7D6];
	s5 =	sadd.s32 s9, s1;
	s8 =	simm.s32 $0x9400  }
0x1a9: {  	[hbm4b:s5+s19] =	stream.strided.scatter [tilespmem:s8], [sflag:$0x5], $0x400, s29, s19, $0x38;
	v63 =	vld [tilespmem:$0x0]  }
0x1aa: {  	s1 =	sld [smem:$0x7FB];
	s15 =	sadd.s32 s9, s10;
	s28 =	simm.s32 $0x9800  }
0x1ab: {  	[hbm4b:s15+s19] =	stream.strided.scatter [tilespmem:s28], [sflag:$0x5], $0x400, s29, s19, $0x38;
	v63 =	vld [tilespmem:$0x0]  }
0x1ac: {  	s15 =	sld [smem:$0x7D0]  }
0x1ad: {  	s5 =	sadd.s32 s9, s1;
	s8 =	simm.s32 $0x9C00  }
0x1ae: {  	[hbm4b:s5+s19] =	stream.strided.scatter [tilespmem:s8], [sflag:$0x5], $0x400, s29, s19, $0x38;
	v63 =	vld [tilespmem:$0x0]  }
0x1af: {  	s31 =	sadd.s32 s14, s0;
	s10 =	sshrl.u32 s15, $0x3  }
0x1b0: {  	s28 =	sadd.s32 $0x80, s31;
	[bflag:$0x0] =	sbarrier.arrive $0xFFFF;
	s6 =	smul.u32 $0x7A1400, s10  }
0x1b1: {  	s8 =	sand.u32 $0x380, s28;
	s1 =	sld [smem:$0x7E3]  }
0x1b2: {  	s5 =	sld [smem:$0x7E4];
	s6 =	sor.u32 s6, s8  }
0x1b3: {  	s6 =	sshrl.u32 s6, $0x3  }
0x1b4: {  	s10 =	sadd.s32 s12, s6  }
0x1b5: {  	s8 =	sshrl.u32 s5, $0x3;
	s6 =	sadd.s32 s1, s10  }
0x1b6: {  	[spmem:s8@s13], [sflag:s17] =	dma.strided [hbm:s6@s19], $0x1100, s11, $0x10   }
0x1b7: {  	s6 =	sld [smem:$0x7E5];
	_ =	sdelay $0x1  }
0x1b8: {  	s28 =	simm.s32 @!p1 $0x80;
	s5 =	simm.s32 @!p1 $0x1  }
0x1b9: {  	s11 =	sadd.s32 @!p1 $0xF3D00, s10;
	s13 =	simm.s32 @!p1 $0x10;
	s6 =	sshrl.u32 @!p1 s6, $0x3  }
0x1ba: {  	[spmem:s6@s13], [sflag:s17] =	dma.strided @!p1 [hbm:s11@s28], $0x60, s5, $0x10   }
0x1bb: {  	s5 =	sld [smem:$0x7CD]  }
0x1bc: {  	s10 =	sadd.s32 @p6 $0xF4000, s10  }
0x1bd: {  	s11 =	simm.s32 @p6 $0x1;
	s13 =	simm.s32 @p6 $0x10;
	s28 =	simm.s32 @p6 $0x80  }
0x1be: {  	[spmem:s5@s13], [sflag:s17] =	dma.strided @p6 [hbm:s10@s28], $0x40, s11, $0x10   }
0x1bf: {  	s10 =	sld [smem:$0x7CE]  }
0x1c0: {  	s1 =	sld [smem:$0x7CF];
	_ =	sdelay $0x1  }
0x1c1: {  	p2 =	seq.s32 s14, $0xF00  }
0x1c2: {  	[spmem:s10], [sflag:s17] =	dma.local @p5 [hbm:s1], $0x10  }
0x1c3: {  	s10 =	sadd.s32 @!p2 $0x2, s15  }
0x1c4: {  	s11 =	sadd.s32 @!p2 s14, s0;
	s10 =	sshrl.u32 @!p2 s10, $0x3  }
0x1c5: {  	s11 =	sadd.s32 @!p2 $0x100, s11;
	s10 =	smul.u32 @!p2 $0x7A1400, s10  }
0x1c6: {  	s11 =	sand.u32 @!p2 $0x300, s11  }
0x1c7: {  	s10 =	sor.u32 @!p2 s11, s10  }
0x1c8: {  	s0 =	stileid.u32;
	s10 =	sshrl.u32 @!p2 s10, $0x3  }
0x1c9: {  	p3 =	sne.s32 @!p2 s0, $0x0;
	s0 =	rddreg [dreg:$0x13];
	s10 =	sadd.s32 @!p2 s12, s10  }
0x1ca: {  	s11 =	sadd.s32 @!p2 s0, s10;
	s0 =	sld [smem:$0x7DE];
	_ =	sdelay $0x1  }
0x1cb: {  	s5 =	smov.u32 s17;
	s28 =	simm.s32 @!p2 $0x1  }
0x1cc: {  	s15 =	simm.s32 @!p2 $0x10;
	s17 =	simm.s32 @!p2 $0x80;
	s13 =	sshrl.u32 @!p2 s0, $0x3  }
0x1cd: {  	[spmem:s13@s15], [sflag:s24] =	dma.strided @!p2 [hbm:s11@s17], $0xD70, s28, $0x10   }
0x1ce: {  	s13 =	sld [smem:$0x7E2]  }
0x1cf: {  	p3 =	por p3, p2  }
0x1d0: {  	s11 =	sadd.s32 @!p3 $0xF3D80, s10;
	s15 =	simm.s32 @!p3 $0x1  }
0x1d1: {  	s17 =	simm.s32 @!p3 $0x10;
	s28 =	simm.s32 @!p3 $0x80;
	s13 =	sshrl.u32 @!p3 s13, $0x3  }
0x1d2: {  	[spmem:s13@s17], [sflag:s24] =	dma.strided @!p3 [hbm:s11@s28], $0x50, s15, $0x10   }
0x1d3: {  	s11 =	sld [smem:$0x7E1]  }
0x1d4: {  	p3 =	por !p6, p2  }
0x1d5: {  	s10 =	sadd.s32 @!p3 $0xF4000, s10;
	s13 =	simm.s32 @!p3 $0x1  }
0x1d6: {  	s15 =	simm.s32 @!p3 $0x10;
	s17 =	simm.s32 @!p3 $0x80;
	s11 =	sshrl.u32 @!p3 s11, $0x3  }
0x1d7: {  	[spmem:s11@s15], [sflag:s24] =	dma.strided @!p3 [hbm:s10@s17], $0x40, s13, $0x10   }
0x1d8: {  	s11 =	sld [smem:$0x7E0];
	_ =	sdelay $0x1  }
0x1d9: {  	p3 =	por !p5, p2  }
0x1da: {  	s10 =	sadd.s32 @!p3 $0x10, s1;
	s11 =	sshrl.u32 @!p3 s11, $0x3  }
0x1db: {  	[spmem:s11], [sflag:s24] =	dma.local @!p3 [hbm:s10], $0x10  }
0x1dc: {  	s11 =	simm.s32 $0x3  }
0x1dd: {  	_ =	swait.ge [sflag:s11], $0xD70  }
0x1de: {  	[sflag:s11] =	ssyncset.done $0x0  }
0x1df: {  	s10 =	simm.s32 @p1 $0x3;
	[sflag:s11] =	ssyncadd.s32 $0xFFFFF290  }
0x1e0: {  	_ =	swait.ge @p1 [sflag:s10], $0x1100  }
0x1e1: {  	[sflag:s10] =	ssyncset.done @p1 $0x0  }
0x1e2: {  	[sflag:s10] =	ssyncadd.s32 @p1 $0xFFFFEF00;
	s10 =	simm.s32 @!p1 $0x3  }
0x1e3: {  	_ =	swait.ge @!p1 [sflag:s10], $0xA0  }
0x1e4: {  	[sflag:s10] =	ssyncset.done @!p1 $0x0  }
0x1e5: {  	[sflag:s10] =	ssyncadd.s32 @!p1 $0xFFFFFF60  }
0x1e6: {  	_ =	swait.ge @!p1 [sflag:s10], $0x1100  }
0x1e7: {  	[sflag:s10] =	ssyncset.done @!p1 $0x0  }
0x1e8: {  	[sflag:s10] =	ssyncadd.s32 @!p1 $0xFFFFEF00  }
0x1e9: {  	_ =	swait.ge @!p1 [sflag:s10], $0x60  }
0x1ea: {  	[sflag:s10] =	ssyncset.done @!p1 $0x0  }
0x1eb: {  	[sflag:s10] =	ssyncadd.s32 @!p1 $0xFFFFFFA0;
	s10 =	simm.s32 @p6 $0x3  }
0x1ec: {  	_ =	swait.ge @p6 [sflag:s10], $0x40  }
0x1ed: {  	[sflag:s10] =	ssyncset.done @p6 $0x0  }
0x1ee: {  	[sflag:s10] =	ssyncadd.s32 @p6 $0xFFFFFFC0;
	s10 =	simm.s32 @p5 $0x3  }
0x1ef: {  	_ =	swait.ge @p5 [sflag:s10], $0x10  }
0x1f0: {  	[sflag:s10] =	ssyncset.done @p5 $0x0  }
0x1f1: {  	[sflag:s10] =	ssyncadd.s32 @p5 $0xFFFFFFF0  }
0x1f2: {  	[bflag:$0x0] =	sbarrier.arrive $0xFFFF  }
0x1f3: {  	_ =	swait.ge [sflag:s4], $0x400  }
0x1f4: {  	[sflag:s4] =	ssyncset.done $0x0  }
0x1f5: {  	[sflag:s4] =	ssyncadd.s32 $0xFFFFFC00  }
0x1f6: {  	_ =	swait.ge [sflag:s4], $0x400  }
0x1f7: {  	[sflag:s4] =	ssyncset.done $0x0  }
0x1f8: {  	[sflag:s4] =	ssyncadd.s32 $0xFFFFFC00  }
0x1f9: {  	_ =	swait.ge [sflag:s4], $0x400  }
0x1fa: {  	[sflag:s4] =	ssyncset.done $0x0  }
0x1fb: {  	[sflag:s4] =	ssyncadd.s32 $0xFFFFFC00  }
0x1fc: {  	_ =	swait.ge [sflag:s4], $0x400  }
0x1fd: {  	[sflag:s4] =	ssyncset.done $0x0  }
0x1fe: {  	[sflag:s4] =	ssyncadd.s32 $0xFFFFFC00  }
0x1ff: {  	_ =	swait.ge [sflag:s4], $0x400  }
0x200: {  	[sflag:s4] =	ssyncset.done $0x0  }
0x201: {  	[sflag:s4] =	ssyncadd.s32 $0xFFFFFC00  }
0x202: {  	_ =	swait.ge [sflag:s4], $0x400  }
0x203: {  	[sflag:s4] =	ssyncset.done $0x0  }
0x204: {  	[sflag:s4] =	ssyncadd.s32 $0xFFFFFC00  }
0x205: {  	_ =	swait.ge [sflag:s4], $0x400  }
0x206: {  	[sflag:s4] =	ssyncset.done $0x0  }
0x207: {  	[sflag:s4] =	ssyncadd.s32 $0xFFFFFC00  }
0x208: {  	_ =	swait.ge [sflag:s4], $0x400  }
0x209: {  	[sflag:s4] =	ssyncset.done $0x0  }
0x20a: {  	[sflag:s4] =	ssyncadd.s32 $0xFFFFFC00  }
0x20b: {  	_ =	swait.ge [sflag:s4], $0x400  }
0x20c: {  	[sflag:s4] =	ssyncset.done $0x0  }
0x20d: {  	[sflag:s4] =	ssyncadd.s32 $0xFFFFFC00  }
0x20e: {  	_ =	swait.ge [sflag:s4], $0x400  }
0x20f: {  	[sflag:s4] =	ssyncset.done $0x0  }
0x210: {  	[sflag:s4] =	ssyncadd.s32 $0xFFFFFC00  }
0x211: {  	_ =	swait.ge [sflag:s4], $0x400  }
0x212: {  	[sflag:s4] =	ssyncset.done $0x0  }
0x213: {  	[sflag:s4] =	ssyncadd.s32 $0xFFFFFC00  }
0x214: {  	_ =	swait.ge [sflag:s4], $0x400  }
0x215: {  	[sflag:s4] =	ssyncset.done $0x0  }
0x216: {  	[sflag:s4] =	ssyncadd.s32 $0xFFFFFC00  }
0x217: {  	_ =	swait.ge [sflag:s4], $0x400  }
0x218: {  	[sflag:s4] =	ssyncset.done $0x0  }
0x219: {  	[sflag:s4] =	ssyncadd.s32 $0xFFFFFC00  }
0x21a: {  	_ =	swait.ge [sflag:s4], $0x400  }
0x21b: {  	[sflag:s4] =	ssyncset.done $0x0  }
0x21c: {  	[sflag:s4] =	ssyncadd.s32 $0xFFFFFC00  }
0x21d: {  	_ =	swait.ge [sflag:s4], $0x400  }
0x21e: {  	[sflag:s4] =	ssyncset.done $0x0  }
0x21f: {  	[sflag:s4] =	ssyncadd.s32 $0xFFFFFC00  }
0x220: {  	_ =	swait.ge [sflag:s4], $0x400  }
0x221: {  	[sflag:s4] =	ssyncset.done $0x0  }
0x222: {  	[sflag:s4] =	ssyncadd.s32 $0xFFFFFC00  }
0x223: {  	_ =	swait.ge [sflag:s4], $0x400  }
0x224: {  	[sflag:s4] =	ssyncset.done $0x0  }
0x225: {  	[sflag:s4] =	ssyncadd.s32 $0xFFFFFC00  }
0x226: {  	_ =	swait.ge [sflag:s4], $0x400  }
0x227: {  	[sflag:s4] =	ssyncset.done $0x0  }
0x228: {  	[sflag:s4] =	ssyncadd.s32 $0xFFFFFC00  }
0x229: {  	_ =	swait.ge [sflag:s4], $0x400  }
0x22a: {  	[sflag:s4] =	ssyncset.done $0x0  }
0x22b: {  	[sflag:s4] =	ssyncadd.s32 $0xFFFFFC00  }
0x22c: {  	_ =	swait.ge [sflag:s4], $0x400  }
0x22d: {  	[sflag:s4] =	ssyncset.done $0x0  }
0x22e: {  	[sflag:s4] =	ssyncadd.s32 $0xFFFFFC00  }
0x22f: {  	s15 =	simm.s32 $0x0;
	s17 =	simm.s32 $0x5000;
	s13 =	rddreg [dreg:$0x3]  }
0x230: {  	[tilespmem:s17], [sflag:$0x4] =	stream.indirect.gather [spmem:s13], $0x1, s15, s17, $0xb8;
	v63 =	vld [tilespmem:$0x0]  }
0x231: {  	_ =	swait.ge [sflag:s2], $0x5000  }
0x232: {  	[sflag:s2] =	ssyncset.done $0x0  }
0x233: {  	s10 =	sld [smem:$0x7E9];
	[sflag:s2] =	ssyncadd.s32 $0xFFFFB000  }
0x234: {  	s9 =	sor.u32 $0x10, s9;
	s28 =	rddreg [dreg:$0x2]  }
0x235: {  	s15 =	sld [smem:$0x7EA];
	s2 =	sadd.s32 s28, s9  }
0x236: {  	[hbm4b:s2+s19] =	stream.strided.scatter [tilespmem:s17], [sflag:$0x5], $0x400, s29, s19, $0x38;
	v63 =	vld [tilespmem:$0x0]  }
0x237: {  	s13 =	simm.s32 $0x5400;
	s11 =	sadd.s32 s9, s10  }
0x238: {  	[hbm4b:s11+s19] =	stream.strided.scatter [tilespmem:s13], [sflag:$0x5], $0x400, s29, s19, $0x38;
	v63 =	vld [tilespmem:$0x0]  }
0x239: {  	s28 =	simm.s32 $0x5800;
	s17 =	sadd.s32 s9, s15  }
0x23a: {  	[hbm4b:s17+s19] =	stream.strided.scatter [tilespmem:s28], [sflag:$0x5], $0x400, s29, s19, $0x38;
	v63 =	vld [tilespmem:$0x0]  }
0x23b: {  	s1 =	sadd.s32 s9, s26;
	s2 =	simm.s32 $0x5C00;
	s15 =	sld [smem:$0x7ED]  }
0x23c: {  	[hbm4b:s1+s19] =	stream.strided.scatter [tilespmem:s2], [sflag:$0x5], $0x400, s29, s19, $0x38;
	v63 =	vld [tilespmem:$0x0]  }
0x23d: {  	s11 =	sadd.s32 s9, s20;
	s13 =	simm.s32 $0x6000  }
0x23e: {  	[hbm4b:s11+s19] =	stream.strided.scatter [tilespmem:s13], [sflag:$0x5], $0x400, s29, s19, $0x38;
	v63 =	vld [tilespmem:$0x0]  }
0x23f: {  	s20 =	simm.s32 $0x6400;
	s17 =	sadd.s32 s9, s15  }
0x240: {  	[hbm4b:s17+s19] =	stream.strided.scatter [tilespmem:s20], [sflag:$0x5], $0x400, s29, s19, $0x38;
	v63 =	vld [tilespmem:$0x0]  }
0x241: {  	s26 =	sadd.s32 s9, s21;
	s28 =	simm.s32 $0x6800  }
0x242: {  	[hbm4b:s26+s19] =	stream.strided.scatter [tilespmem:s28], [sflag:$0x5], $0x400, s29, s19, $0x38;
	v63 =	vld [tilespmem:$0x0]  }
0x243: {  	s2 =	sadd.s32 s9, s23;
	s11 =	simm.s32 $0x6C00  }
0x244: {  	[hbm4b:s2+s19] =	stream.strided.scatter [tilespmem:s11], [sflag:$0x5], $0x400, s29, s19, $0x38;
	v63 =	vld [tilespmem:$0x0]  }
0x245: {  	s15 =	simm.s32 $0x7000;
	s13 =	sadd.s32 s9, s30  }
0x246: {  	[hbm4b:s13+s19] =	stream.strided.scatter [tilespmem:s15], [sflag:$0x5], $0x400, s29, s19, $0x38;
	v63 =	vld [tilespmem:$0x0]  }
0x247: {  	s17 =	sadd.s32 s9, s25;
	s20 =	simm.s32 $0x7400  }
0x248: {  	[hbm4b:s17+s19] =	stream.strided.scatter [tilespmem:s20], [sflag:$0x5], $0x400, s29, s19, $0x38;
	v63 =	vld [tilespmem:$0x0]  }
0x249: {  	s21 =	sadd.s32 s9, s3;
	s23 =	simm.s32 $0x7800  }
0x24a: {  	[hbm4b:s21+s19] =	stream.strided.scatter [tilespmem:s23], [sflag:$0x5], $0x400, s29, s19, $0x38;
	v63 =	vld [tilespmem:$0x0]  }
0x24b: {  	s25 =	sadd.s32 s9, s7;
	s26 =	simm.s32 $0x7C00  }
0x24c: {  	[hbm4b:s25+s19] =	stream.strided.scatter [tilespmem:s26], [sflag:$0x5], $0x400, s29, s19, $0x38;
	v63 =	vld [tilespmem:$0x0]  }
0x24d: {  	s30 =	simm.s32 $0x8000;
	s28 =	sadd.s32 s9, s22  }
0x24e: {  	[hbm4b:s28+s19] =	stream.strided.scatter [tilespmem:s30], [sflag:$0x5], $0x400, s29, s19, $0x38;
	v63 =	vld [tilespmem:$0x0]  }
0x24f: {  	s1 =	sadd.s32 s9, s18;
	s2 =	simm.s32 $0x8400;
	s11 =	sld [smem:$0x7F7]  }
0x250: {  	[hbm4b:s1+s19] =	stream.strided.scatter [tilespmem:s2], [sflag:$0x5], $0x400, s29, s19, $0x38;
	v63 =	vld [tilespmem:$0x0]  }
0x251: {  	s3 =	sadd.s32 s9, s16;
	s16 =	sld [smem:$0x7F8];
	s7 =	simm.s32 $0x8800  }
0x252: {  	[hbm4b:s3+s19] =	stream.strided.scatter [tilespmem:s7], [sflag:$0x5], $0x400, s29, s19, $0x38;
	v63 =	vld [tilespmem:$0x0]  }
0x253: {  	s15 =	simm.s32 $0x8C00;
	s13 =	sadd.s32 s9, s11;
	s20 =	sld [smem:$0x7F9]  }
0x254: {  	[hbm4b:s13+s19] =	stream.strided.scatter [tilespmem:s15], [sflag:$0x5], $0x400, s29, s19, $0x38;
	v63 =	vld [tilespmem:$0x0]  }
0x255: {  	s18 =	simm.s32 $0x9000;
	s17 =	sadd.s32 s9, s16;
	s23 =	sld [smem:$0x7FA]  }
0x256: {  	[hbm4b:s17+s19] =	stream.strided.scatter [tilespmem:s18], [sflag:$0x5], $0x400, s29, s19, $0x38;
	v63 =	vld [tilespmem:$0x0]  }
0x257: {  	s22 =	simm.s32 $0x9400;
	s21 =	sadd.s32 s9, s20  }
0x258: {  	[hbm4b:s21+s19] =	stream.strided.scatter [tilespmem:s22], [sflag:$0x5], $0x400, s29, s19, $0x38;
	v63 =	vld [tilespmem:$0x0]  }
0x259: {  	s26 =	simm.s32 $0x9800;
	s25 =	sadd.s32 s9, s23;
	s28 =	sld [smem:$0x7FB]  }
0x25a: {  	[hbm4b:s25+s19] =	stream.strided.scatter [tilespmem:s26], [sflag:$0x5], $0x400, s29, s19, $0x38;
	v63 =	vld [tilespmem:$0x0]  }
.Ltmp2:
0x25b: {  	_ = 	snop;
	(pc) =	sbr.rel @p2 .LBB2_4-.Ltmp2, $4  }
0x25c: {  	s30 =	simm.s32 $0x9C00;
	s9 =	sadd.s32 s9, s28  }
0x25d: {  	[hbm4b:s9+s19] =	stream.strided.scatter [tilespmem:s30], [sflag:$0x5], $0x400, s29, s19, $0x38;
	v63 =	vld [tilespmem:$0x0]  }
0x25e: {  	[bflag:$0x0] =	sbarrier.arrive $0xFFFF  }
0x25f: {  	s0 =	smov.u32 s12;
	s12 =	simm.s32 $0x1  }
0x260: {  	s1 =	sld [smem:$0x7D0];
	_ =	sdelay $0x2  }
0x261: {  	s9 =	sadd.s32 $0x2, s1  }
0x262: {  	s10 =	sshrl.u32 s9, $0x3  }
0x263: {  	s11 =	sadd.s32 $0x100, s31;
	s10 =	smul.u32 $0x7A1400, s10  }
0x264: {  	s11 =	sand.u32 $0x300, s11  }
0x265: {  	s10 =	sor.u32 s11, s10  }
0x266: {  	s10 =	sshrl.u32 s10, $0x3  }
0x267: {  	s3 =	rddreg [dreg:$0x19];
	s7 =	simm.s32 $0x10;
	s10 =	sadd.s32 s0, s10  }
0x268: {  	s13 =	simm.s32 @!p1 $0x80;
	s25 =	sadd.s32 $0x3, s1;
	s23 =	sadd.s32 s3, s10  }
0x269: {  	[spmem:s8@s7], [sflag:s24] =	dma.strided [hbm:s23@s19], $0x1100, s12, $0x10   }
0x26a: {  	s11 =	simm.s32 @!p1 $0x10;
	s8 =	sadd.s32 @!p1 $0x88000, s10;
	s10 =	simm.s32 @!p1 $0x1  }
0x26b: {  	[spmem:s6@s11], [sflag:s24] =	dma.strided @!p1 [hbm:s8@s13], $0xB0, s10, $0x10   }
0x26c: {  	s6 =	sshrl.u32 s25, $0x3  }
0x26d: {  	s26 =	sadd.s32 $0x180, s31;
	s6 =	smul.u32 $0x7A1400, s6  }
0x26e: {  	s8 =	sand.u32 $0x380, s26  }
0x26f: {  	s28 =	sld [smem:$0x7DC];
	s6 =	sor.u32 s8, s6  }
0x270: {  	s2 =	sld [smem:$0x7CA];
	s6 =	sshrl.u32 s6, $0x3  }
0x271: {  	s6 =	sadd.s32 s0, s6  }
0x272: {  	s30 =	sadd.s32 s28, s6  }
0x273: {  	[spmem:s2@s7], [sflag:s5] =	dma.strided [hbm:s30@s19], $0xD70, s12, $0x10   }
0x274: {  	s2 =	sld [smem:$0x7CB];
	_ =	sdelay $0x1  }
0x275: {  	s6 =	sadd.s32 @!p1 $0x6B800, s6  }
0x276: {  	[spmem:s2@s11], [sflag:s5] =	dma.strided @!p1 [hbm:s6@s13], $0xA0, s10, $0x10   }
.Ltmp3:
0x277: {  	s2 =	sld [smem:$0x7CF];
	(pc) =	sbr.rel .LBB2_2-.Ltmp3, $4  }
0x278: {  	s31 =	sld [smem:$0x7C8]  }
0x279: {  	s17 =	smov.u32 s5;
	s14 =	sadd.s32 $0x100, s14;
	s12 =	smov.u32 s0  }
0x27a: {  	[smem:$0x7D0] =	sst s9;
	s11 =	simm.s32 $0x1;
	s2 =	sadd.s32 $0x20, s2  }
0x27b: {  	s13 =	simm.s32 $0x10;
	[smem:$0x7CF] =	sst s2;
	s2 =	sadd.s32 $0x8000, s31  }
.LBB2_5:
0x27c: {  	_ =	sfence.sel $0x180000  }
0x27d: {  	[bflag:$0x0] =	sbarrier.arrive $0xFFFF  }
0x27e: {  	_ =	strace $0x90000047  }
0x27f: {  	[bflag:$0x2] =	sbarrier.arrive $0xFFFF  }
0x280: {  	s0 =	rddreg [dreg:$0x4]  }
0x281: {  	s0 =	sadd.s32 @!p1 $0x100000, s0  }
0x282: {  	[sflag:s0] =	ssyncadd.tile.s32 @!p1 $0x1;
	_ =	shalt  }
.Lfunc_end2:
_tile_overlayer_lowered:
.L_overlay_start_2:
0x283: {  	(tag) =	ssettag $0x2  }
0x284: {  	s0 =	rddreg [dreg:$0x0];
	s2 =	stileid.u32  }
0x285: {  	s1 =	rddreg [dreg:$0x1];
	p0 =	sne.s32 s2, $0x0  }
0x286: {  	s3 =	rddreg [dreg:$0x2];
	[bflag:$0x3] =	sbarrier.arrive $0xFFFF;
	s2 =	simm.s32 @!p0 $0x1C06  }
0x287: {  	[timem:s3], [sflag:s2] =	dma.local @!p0 [hbm:s0], s1  }
0x288: {  	s0 =	simm.s32 @!p0 $0x6  }
0x289: {  	_ =	swait.ge @!p0 [sflag:s0], s1  }
0x28a: {  	s1 =	ssub.s32 @!p0 $0x0, s1;
	[sflag:s0] =	ssyncset.done @!p0 $0x0  }
0x28b: {  	[sflag:s0] =	ssyncadd.s32 @!p0 s1  }
0x28c: {  	[bflag:$0x3] =	sbarrier.arrive $0xFFFF  }
0x28d: {  	_ =	shalt  }

</sc_bundles>
